<compile_context>
chip_gen: v7x
topology: tpu7x:2x2x1
jax: 0.10.2.dev20260603
libtpu: 0.0.44.dev20260713+nightly
codegen_flags: <defaults>
</compile_context>

<pallas_src>
import functools

import jax
import jax.numpy as jnp
from jax import lax
from jax.experimental import pallas as pl
from jax.experimental.pallas import tpu as pltpu
from jax.experimental.pallas import tpu_sc as plsc

F32 = jnp.float32
N_NODES = 10000
N_EDGES = 320000
HIDDEN = 128
EDGE_DIM = 16
N_GRAPHS = 16
N_BLOBS = 8
BN_EPS = 1e-5
LN_EPS = 1e-5

NC = 2
NS = 16
NW = NC * NS

E_PAD = 327680
PAD_N = E_PAD - N_EDGES
ROWS_PER_W = 80
CHUNK_IT = 40
AGG_ROWS = 10240
DUMMY_ROW = 10000


def _dot(a, b):
    return lax.dot_general(a, b, (((a.ndim - 1,), (0,)), ((), ())),
                           preferred_element_type=F32)


_dot_fast = _dot


def _bn(x, g, b):
    mu = jnp.mean(x, axis=0, keepdims=True)
    var = jnp.mean((x - mu) ** 2, axis=0, keepdims=True)
    return (x - mu) / jnp.sqrt(var + BN_EPS) * g + b



def _sc_msgpass_body(h_hbm, e_hbm, src_hbm, dst_hbm, out_hbm,
                     aggr_sh, src_v, dst_v, hbuf, ebuf, sem):
    c = lax.axis_index("c")
    s = lax.axis_index("s")
    wid = c * NS + s

    def zrow(i, _):
        for j in range(8):
            hbuf[i, pl.ds(j * 16, 16)] = jnp.zeros((16,), F32)
        return 0
    lax.fori_loop(0, 128, zrow, 0)
    base_r = s * (AGG_ROWS // NS)
    for k in range(5):
        pltpu.sync_copy(hbuf, aggr_sh.at[pl.ds(base_r + k * 128, 128)])
    plsc.subcore_barrier()

    def chunk(it, _):
        r0 = wid * ROWS_PER_W + it
        pltpu.sync_copy(src_hbm.at[pl.ds(r0, 1)], src_v)
        pltpu.sync_copy(dst_hbm.at[pl.ds(r0, 1)], dst_v)
        d0 = pltpu.async_copy(h_hbm.at[src_v.at[0]], hbuf, sem)
        pltpu.sync_copy(e_hbm.at[pl.ds(r0 * 128, 128)], ebuf)
        d0.wait()

        def row(i, _):
            for j in range(8):
                sl = pl.ds(j * 16, 16)
                hbuf[i, sl] = jnp.maximum(hbuf[i, sl] + ebuf[i, sl], 0.0)
            return 0
        lax.fori_loop(0, 128, row, 0)
        pltpu.sync_copy(hbuf, aggr_sh.at[dst_v.at[0]], add=True)
        return 0
    lax.fori_loop(0, ROWS_PER_W, chunk, 0)
    plsc.subcore_barrier()

    rows = AGG_ROWS // NS
    pltpu.sync_copy(aggr_sh.at[pl.ds(s * rows, rows)],
                    out_hbm.at[pl.ds(c * AGG_ROWS + s * rows, rows)])


@functools.cache
def _get_sc_msgpass():
    return pl.kernel(
        _sc_msgpass_body,
        out_type=jax.ShapeDtypeStruct((2 * AGG_ROWS, HIDDEN), F32),
        mesh=plsc.VectorSubcoreMesh(core_axis_name="c", subcore_axis_name="s",
                                    num_cores=NC, num_subcores=NS),
        scratch_types=[
            pltpu.VMEM_SHARED((AGG_ROWS, HIDDEN), F32),
            pltpu.VMEM((1, 128), jnp.int32),
            pltpu.VMEM((1, 128), jnp.int32),
            pltpu.VMEM((128, HIDDEN), F32),
            pltpu.VMEM((128, HIDDEN), F32),
            pltpu.SemaphoreType.DMA,
        ],
    )



def _proj_body(x_ref, w_ref, b_ref, o_ref):
    o_ref[...] = _dot(x_ref[...], w_ref[...]) + b_ref[...]


def _edge_body(ea_ref, w0, w1, w2, b0, b1, b2, o0, o1, o2):
    ea = ea_ref[...]
    o0[...] = _dot_fast(ea, w0[...]) + b0[...]
    o1[...] = _dot_fast(ea, w1[...]) + b1[...]
    o2[...] = _dot_fast(ea, w2[...]) + b2[...]


def _layer_body(h_ref, a_ref, w1, b1, g1, bb1, w2, b2, g2, bb2, o_ref):
    a = a_ref[...]
    z = h_ref[...] + a[:N_NODES] + a[AGG_ROWS:AGG_ROWS + N_NODES]
    y = _dot(z, w1[...]) + b1[...]
    y = jnp.maximum(_bn(y, g1[...], bb1[...]), 0.0)
    y = _dot(y, w2[...]) + b2[...]
    o_ref[...] = jnp.maximum(_bn(y, g2[...], bb2[...]), 0.0)


def _dot0(a, b):
    return lax.dot_general(a, b, (((0,), (0,)), ((), ())),
                           precision=lax.Precision.HIGHEST,
                           preferred_element_type=F32)


HEAD_BLK = 2000
HEAD_STEPS = N_NODES // HEAD_BLK


def _head_body(h_ref, bc_ref, gum_ref, hw1, hb1, hw2, hb2, bmw, bmb,
               lng, lnb, w1a, w1b, cb1, cg, cb, cw2, cb2, o_ref,
               sg, scnt, snum, sden):
    i = pl.program_id(0)
    h = h_ref[...]
    hh = jnp.maximum(_dot(h, hw1[...]) + hb1[...], 0.0)
    a = _dot(hh, hw2[...]) + hb2[...] + gum_ref[...]
    m = jnp.max(a, axis=-1, keepdims=True)
    ex = jnp.exp(a - m)
    assign = ex / jnp.sum(ex, axis=-1, keepdims=True)

    bc = bc_ref[...]
    ids = lax.broadcasted_iota(jnp.int32, (HEAD_BLK, N_GRAPHS), 1)
    oh = (ids == bc).astype(F32)
    ones = jnp.ones((HEAD_BLK, 1), F32)
    a2 = jnp.concatenate(
        [assign[:, cc:cc + 1] * oh for cc in range(N_BLOBS)], axis=1)

    g_c = _dot0(oh, h)
    cnt_c = _dot0(oh, ones)
    num_c = _dot0(a2, h)
    den_c = _dot0(a2, ones)

    @pl.when(i == 0)
    def _init():
        sg[...] = g_c
        scnt[...] = cnt_c
        snum[...] = num_c
        sden[...] = den_c

    @pl.when(i > 0)
    def _acc():
        sg[...] += g_c
        scnt[...] += cnt_c
        snum[...] += num_c
        sden[...] += den_c

    @pl.when(i == HEAD_STEPS - 1)
    def _final():
        gemb = sg[...] / jnp.maximum(scnt[...], 1.0)
        blobs = snum[...] / (sden[...] + 1e-8)
        y = jnp.maximum(_dot(blobs, bmw[...]) + bmb[...], 0.0)
        mu = jnp.mean(y, axis=-1, keepdims=True)
        var = jnp.mean((y - mu) ** 2, axis=-1, keepdims=True)
        y = (y - mu) / jnp.sqrt(var + LN_EPS) * lng[...] + lnb[...]
        bm = y[0:N_GRAPHS]
        for cc in range(1, N_BLOBS):
            bm = jnp.maximum(bm, y[cc * N_GRAPHS:(cc + 1) * N_GRAPHS])
        cz = _dot(gemb, w1a[...]) + _dot(bm, w1b[...]) + cb1[...]
        cz = jnp.maximum(_bn(cz, cg[...], cb[...]), 0.0)
        o_ref[...] = _dot(cz, cw2[...]) + cb2[...]


def _row(v):
    return v.reshape(1, -1)


def kernel(x, edge_index, edge_attr, batch, params):
    p = params
    src = edge_index[0].astype(jnp.int32)
    dst = edge_index[1].astype(jnp.int32)
    srcp = jnp.concatenate([src, jnp.zeros((PAD_N,), jnp.int32)]).reshape(-1, 128)
    dstp = jnp.concatenate(
        [dst, jnp.full((PAD_N,), DUMMY_ROW, jnp.int32)]).reshape(-1, 128)
    eap = jnp.concatenate(
        [edge_attr, jnp.zeros((PAD_N, EDGE_DIM), F32)], axis=0)
    gum = jax.random.gumbel(jax.random.key(1234), (N_NODES, N_BLOBS), dtype=F32)
    bc = batch.astype(jnp.int32).reshape(N_NODES, 1)

    h = pl.pallas_call(
        _proj_body,
        out_shape=jax.ShapeDtypeStruct((N_NODES, HIDDEN), F32),
    )(x, p['proj_W'], _row(p['proj_b']))

    eb = 4096
    grid = E_PAD // eb
    full = lambda shape: pl.BlockSpec(shape, lambda i: (0, 0))
    e_specs = pl.BlockSpec((eb, EDGE_DIM), lambda i: (i, 0))
    o_specs = pl.BlockSpec((eb, HIDDEN), lambda i: (i, 0))
    lp = p['layers']
    e0, e1, e2 = pl.pallas_call(
        _edge_body,
        grid=(grid,),
        in_specs=[e_specs] + [full((EDGE_DIM, HIDDEN))] * 3 + [full((1, HIDDEN))] * 3,
        out_specs=[o_specs] * 3,
        out_shape=[jax.ShapeDtypeStruct((E_PAD, HIDDEN), F32)] * 3,
    )(eap, lp[0]['edge_W'], lp[1]['edge_W'], lp[2]['edge_W'],
      _row(lp[0]['edge_b']), _row(lp[1]['edge_b']), _row(lp[2]['edge_b']))

    layer_call = pl.pallas_call(
        _layer_body,
        out_shape=jax.ShapeDtypeStruct((N_NODES, HIDDEN), F32),
    )
    for li, e in enumerate((e0, e1, e2)):
        w = lp[li]
        aggr = _get_sc_msgpass()(h, e, srcp, dstp)
        h = layer_call(h, aggr, w['mlp_W1'], _row(w['mlp_b1']),
                       _row(w['mlp_bn_g']), _row(w['mlp_bn_b']),
                       w['mlp_W2'], _row(w['mlp_b2']),
                       _row(w['bn_g']), _row(w['bn_b']))

    fullh = lambda shape: pl.BlockSpec(shape, lambda i: tuple(0 for _ in shape))
    out = pl.pallas_call(
        _head_body,
        grid=(HEAD_STEPS,),
        in_specs=[pl.BlockSpec((HEAD_BLK, HIDDEN), lambda i: (i, 0)),
                  pl.BlockSpec((HEAD_BLK, 1), lambda i: (i, 0)),
                  pl.BlockSpec((HEAD_BLK, N_BLOBS), lambda i: (i, 0)),
                  fullh((HIDDEN, 64)), fullh((1, 64)),
                  fullh((64, N_BLOBS)), fullh((1, N_BLOBS)),
                  fullh((HIDDEN, HIDDEN)), fullh((1, HIDDEN)),
                  fullh((1, HIDDEN)), fullh((1, HIDDEN)),
                  fullh((HIDDEN, HIDDEN)), fullh((HIDDEN, HIDDEN)),
                  fullh((1, HIDDEN)), fullh((1, HIDDEN)), fullh((1, HIDDEN)),
                  fullh((HIDDEN, 10)), fullh((1, 10))],
        out_specs=pl.BlockSpec((N_GRAPHS, 10), lambda i: (0, 0)),
        scratch_shapes=[pltpu.VMEM((N_GRAPHS, HIDDEN), F32),
                        pltpu.VMEM((N_GRAPHS, 1), F32),
                        pltpu.VMEM((HIDDEN, HIDDEN), F32),
                        pltpu.VMEM((HIDDEN, 1), F32)],
        out_shape=jax.ShapeDtypeStruct((N_GRAPHS, 10), F32),
    )(h, bc, gum, p['head_W1'], _row(p['head_b1']),
      p['head_W2'], _row(p['head_b2']),
      p['bm_W'], _row(p['bm_b']), _row(p['ln_g']), _row(p['ln_b']),
      p['clf_W1'][:HIDDEN], p['clf_W1'][HIDDEN:], _row(p['clf_b1']),
      _row(p['clf_bn_g']), _row(p['clf_bn_b']),
      p['clf_W2'], _row(p['clf_b2']))
    return out

# --- scband reference (transcript-rebuilt; emitter-appended) ---
"""Pipeline reference for scband-soft-blob-gin-17617955848279 (READ-ONLY COPY).

The authoritative reference and input builder live on the scoring server;
editing this copy changes nothing except your own understanding.
"""

import jax, jax.numpy as jnp
import numpy as np

N_NODES = 10000
N_EDGES = 320000
IN_CH = 128
HIDDEN = 128
N_CLASSES = 10
EDGE_DIM = 16
N_BLOBS = 8
N_LAYERS = 3
N_GRAPHS = 16
TAU = 1.0
BN_EPS = 1e-5
LN_EPS = 1e-5


def _linear(x, W, b):
    return x @ W + b


def _bn_train(x, gamma, beta):
    mu = jnp.mean(x, axis=0)
    var = jnp.mean((x - mu) ** 2, axis=0)
    return (x - mu) / jnp.sqrt(var + BN_EPS) * gamma + beta


def _ln(x, gamma, beta):
    mu = jnp.mean(x, axis=-1, keepdims=True)
    var = jnp.mean((x - mu) ** 2, axis=-1, keepdims=True)
    return (x - mu) / jnp.sqrt(var + LN_EPS) * gamma + beta


def _lin_init(k, fan_in, fan_out):
    k1, k2 = jax.random.split(k)
    bound = 1.0 / np.sqrt(fan_in)
    W = jax.random.uniform(k1, (fan_in, fan_out), minval=-bound, maxval=bound, dtype=jnp.float32)
    b = jax.random.uniform(k2, (fan_out,), minval=-bound, maxval=bound, dtype=jnp.float32)
    return W, b


def setup_inputs(seed: int = 0):
    key = jax.random.key(seed)
    ks = jax.random.split(key, 16)
    x = jax.random.normal(ks[0], (N_NODES, IN_CH), dtype=jnp.float32)
    edge_index = jax.random.randint(ks[1], (2, N_EDGES), 0, N_NODES, dtype=jnp.int32)
    edge_attr = jax.random.normal(ks[2], (N_EDGES, EDGE_DIM), dtype=jnp.float32)
    batch = jnp.sort(jax.random.randint(ks[3], (N_NODES,), 0, N_GRAPHS, dtype=jnp.int32))
    params = {}
    params['proj_W'], params['proj_b'] = _lin_init(ks[4], IN_CH, HIDDEN)
    layers = []
    for i in range(N_LAYERS):
        kk = jax.random.split(ks[5 + i], 3)
        We, be = _lin_init(kk[0], EDGE_DIM, HIDDEN)
        W1, b1 = _lin_init(kk[1], HIDDEN, HIDDEN)
        W2, b2 = _lin_init(kk[2], HIDDEN, HIDDEN)
        layers.append({
            'edge_W': We, 'edge_b': be,
            'mlp_W1': W1, 'mlp_b1': b1,
            'mlp_bn_g': jnp.ones((HIDDEN,), jnp.float32),
            'mlp_bn_b': jnp.zeros((HIDDEN,), jnp.float32),
            'mlp_W2': W2, 'mlp_b2': b2,
            'bn_g': jnp.ones((HIDDEN,), jnp.float32),
            'bn_b': jnp.zeros((HIDDEN,), jnp.float32),
        })
    params['layers'] = layers
    params['head_W1'], params['head_b1'] = _lin_init(ks[8], HIDDEN, HIDDEN // 2)
    params['head_W2'], params['head_b2'] = _lin_init(ks[9], HIDDEN // 2, N_BLOBS)
    params['bm_W'], params['bm_b'] = _lin_init(ks[10], HIDDEN, HIDDEN)
    params['ln_g'] = jnp.ones((HIDDEN,), jnp.float32)
    params['ln_b'] = jnp.zeros((HIDDEN,), jnp.float32)
    params['clf_W1'], params['clf_b1'] = _lin_init(ks[11], 2 * HIDDEN, HIDDEN)
    params['clf_bn_g'] = jnp.ones((HIDDEN,), jnp.float32)
    params['clf_bn_b'] = jnp.zeros((HIDDEN,), jnp.float32)
    params['clf_W2'], params['clf_b2'] = _lin_init(ks[12], HIDDEN, N_CLASSES)
    return {'x': x, 'edge_index': edge_index, 'edge_attr': edge_attr, 'batch': batch, 'params': params}


def _encode(x, edge_index, edge_attr, params):
    h = _linear(x, params['proj_W'], params['proj_b'])
    src = edge_index[0]
    dst = edge_index[1]
    for lp in params['layers']:
        e = _linear(edge_attr, lp['edge_W'], lp['edge_b'])
        msg = jax.nn.relu(h[src] + e)
        aggr = jax.ops.segment_sum(msg, dst, num_segments=N_NODES)
        z = h + aggr
        z = _linear(z, lp['mlp_W1'], lp['mlp_b1'])
        z = _bn_train(z, lp['mlp_bn_g'], lp['mlp_bn_b'])
        z = jax.nn.relu(z)
        z = _linear(z, lp['mlp_W2'], lp['mlp_b2'])
        z = _bn_train(z, lp['bn_g'], lp['bn_b'])
        h = jax.nn.relu(z)
    return h


def _forward(x, edge_index, edge_attr, batch, params):
    h = _encode(x, edge_index, edge_attr, params)
    hh = jax.nn.relu(_linear(h, params['head_W1'], params['head_b1']))
    logits = _linear(hh, params['head_W2'], params['head_b2'])
    gumbel = jax.random.gumbel(jax.random.key(1234), logits.shape, dtype=jnp.float32)
    assign = jax.nn.softmax((logits + gumbel) / TAU, axis=-1)
    counts = jax.ops.segment_sum(jnp.ones((N_NODES,), jnp.float32), batch, num_segments=N_GRAPHS)
    global_emb = jax.ops.segment_sum(h, batch, num_segments=N_GRAPHS) / jnp.maximum(counts, 1.0)[:, None]
    num = jax.ops.segment_sum(assign[:, :, None] * h[:, None, :], batch, num_segments=N_GRAPHS)
    den = jax.ops.segment_sum(assign, batch, num_segments=N_GRAPHS)
    blobs = num / (den[:, :, None] + 1e-8)
    blobs = jax.nn.relu(_linear(blobs, params['bm_W'], params['bm_b']))
    blobs = _ln(blobs, params['ln_g'], params['ln_b'])
    blob_emb = jnp.max(blobs, axis=1)
    z = jnp.concatenate([global_emb, blob_emb], axis=-1)
    c = _linear(z, params['clf_W1'], params['clf_b1'])
    c = _bn_train(c, params['clf_bn_g'], params['clf_bn_b'])
    c = jax.nn.relu(c)
    return _linear(c, params['clf_W2'], params['clf_b2'])


def reference(x, edge_index, edge_attr, batch, params):
    return _forward(x, edge_index, edge_attr, batch, params)

if __name__ == "__main__":
    import jax
    _d = setup_inputs()
    print(jax.jit(kernel)(*tuple(_d.values())))

</pallas_src>

<mosaic_0001>
#map = affine_map<(d0, d1) -> (0, 0)>
module attributes {stable_mosaic.version = 14 : i64} {
  func.func @_sc_msgpass_body(%arg0: i32, %arg1: i32, %arg2: memref<10000x128xf32, #tpu.memory_space<hbm>>, %arg3: memref<327680x128xf32, #tpu.memory_space<hbm>>, %arg4: memref<2560x128xi32, #tpu.memory_space<hbm>>, %arg5: memref<2560x128xi32, #tpu.memory_space<hbm>>, %arg6: memref<20480x128xf32, #tpu.memory_space<hbm>>, %arg7: memref<10240x128xf32, #tpu.memory_space<vmem_shared>>, %arg8: memref<1x128xi32, #tpu.memory_space<vmem>>, %arg9: memref<1x128xi32, #tpu.memory_space<vmem>>, %arg10: memref<128x128xf32, #tpu.memory_space<vmem>>, %arg11: memref<128x128xf32, #tpu.memory_space<vmem>>, %arg12: memref<!tpu.dma_semaphore, #tpu.memory_space<semaphore_mem>>) attributes {dimension_semantics = [#tpu.dimension_semantics<core_parallel>, #tpu.dimension_semantics<subcore_parallel>], iteration_bounds = array<i64: 2, 16>, scalar_prefetch = 0 : i64, scratch_operands = 6 : i64, tpu.core_type = #tpu.core_type<sc_vector_subcore>, window_params = [{transform_indices = #map}, {transform_indices = #map}, {transform_indices = #map}, {transform_indices = #map}, {transform_indices = #map}]} {
    %mul3A = arith.constant 16 : i32
    %mul3A_0 = arith.muli %arg0, %mul3A : i32
    %add3A = arith.addi %mul3A_0, %arg1 : i32
    %scan3A = arith.constant 0 : i32
    %scan3A_1 = arith.constant 0 : i32
    %scan3A_2 = arith.constant 128 : i32
    %scan3A_3 = arith.addi %scan3A_1, %scan3A_2 : i32
    %scan3A_4 = arith.constant 1 : i32
    %scan3A_5 = scf.for %scan3A_34 = %scan3A_1 to %scan3A_3 step %scan3A_4 iter_args(%scan3A_35 = %scan3A) -> (i32)  : i32 {
      %broadcast_in_dim3A = arith.constant 0.000000e+00 : f32
      %broadcast_in_dim3A_36 = vector.broadcast %broadcast_in_dim3A : f32 to vector<16xf32>
      %swap3A = arith.index_cast %scan3A_34 : i32 to index
      %swap3A_37 = arith.constant 0 : index
      %swap3A_38 = tpu.vector_load %arg10[%swap3A, %swap3A_37] {strides = array<i32>} : memref<128x128xf32, #tpu.memory_space<vmem>>, vector<1x16xf32>,
      %swap3A_39 = vector.shape_cast %swap3A_38 : vector<1x16xf32> to vector<16xf32>
      %swap3A_40 = vector.shape_cast %broadcast_in_dim3A_36 : vector<16xf32> to vector<1x16xf32>
      tpu.vector_store %arg10[%swap3A, %swap3A_37], %swap3A_40 {strides = array<i32>} : memref<128x128xf32, #tpu.memory_space<vmem>>, vector<1x16xf32>,
      %broadcast_in_dim3A_41 = arith.constant 0.000000e+00 : f32
      %broadcast_in_dim3A_42 = vector.broadcast %broadcast_in_dim3A_41 : f32 to vector<16xf32>
      %swap3A_43 = arith.index_cast %scan3A_34 : i32 to index
      %swap3A_44 = arith.constant 16 : index
      %swap3A_45 = tpu.vector_load %arg10[%swap3A_43, %swap3A_44] {strides = array<i32>} : memref<128x128xf32, #tpu.memory_space<vmem>>, vector<1x16xf32>,
      %swap3A_46 = vector.shape_cast %swap3A_45 : vector<1x16xf32> to vector<16xf32>
      %swap3A_47 = vector.shape_cast %broadcast_in_dim3A_42 : vector<16xf32> to vector<1x16xf32>
      tpu.vector_store %arg10[%swap3A_43, %swap3A_44], %swap3A_47 {strides = array<i32>} : memref<128x128xf32, #tpu.memory_space<vmem>>, vector<1x16xf32>,
      %broadcast_in_dim3A_48 = arith.constant 0.000000e+00 : f32
      %broadcast_in_dim3A_49 = vector.broadcast %broadcast_in_dim3A_48 : f32 to vector<16xf32>
      %swap3A_50 = arith.index_cast %scan3A_34 : i32 to index
      %swap3A_51 = arith.constant 32 : index
      %swap3A_52 = tpu.vector_load %arg10[%swap3A_50, %swap3A_51] {strides = array<i32>} : memref<128x128xf32, #tpu.memory_space<vmem>>, vector<1x16xf32>,
      %swap3A_53 = vector.shape_cast %swap3A_52 : vector<1x16xf32> to vector<16xf32>
      %swap3A_54 = vector.shape_cast %broadcast_in_dim3A_49 : vector<16xf32> to vector<1x16xf32>
      tpu.vector_store %arg10[%swap3A_50, %swap3A_51], %swap3A_54 {strides = array<i32>} : memref<128x128xf32, #tpu.memory_space<vmem>>, vector<1x16xf32>,
      %broadcast_in_dim3A_55 = arith.constant 0.000000e+00 : f32
      %broadcast_in_dim3A_56 = vector.broadcast %broadcast_in_dim3A_55 : f32 to vector<16xf32>
      %swap3A_57 = arith.index_cast %scan3A_34 : i32 to index
      %swap3A_58 = arith.constant 48 : index
      %swap3A_59 = tpu.vector_load %arg10[%swap3A_57, %swap3A_58] {strides = array<i32>} : memref<128x128xf32, #tpu.memory_space<vmem>>, vector<1x16xf32>,
      %swap3A_60 = vector.shape_cast %swap3A_59 : vector<1x16xf32> to vector<16xf32>
      %swap3A_61 = vector.shape_cast %broadcast_in_dim3A_56 : vector<16xf32> to vector<1x16xf32>
      tpu.vector_store %arg10[%swap3A_57, %swap3A_58], %swap3A_61 {strides = array<i32>} : memref<128x128xf32, #tpu.memory_space<vmem>>, vector<1x16xf32>,
      %broadcast_in_dim3A_62 = arith.constant 0.000000e+00 : f32
      %broadcast_in_dim3A_63 = vector.broadcast %broadcast_in_dim3A_62 : f32 to vector<16xf32>
      %swap3A_64 = arith.index_cast %scan3A_34 : i32 to index
      %swap3A_65 = arith.constant 64 : index
      %swap3A_66 = tpu.vector_load %arg10[%swap3A_64, %swap3A_65] {strides = array<i32>} : memref<128x128xf32, #tpu.memory_space<vmem>>, vector<1x16xf32>,
      %swap3A_67 = vector.shape_cast %swap3A_66 : vector<1x16xf32> to vector<16xf32>
      %swap3A_68 = vector.shape_cast %broadcast_in_dim3A_63 : vector<16xf32> to vector<1x16xf32>
      tpu.vector_store %arg10[%swap3A_64, %swap3A_65], %swap3A_68 {strides = array<i32>} : memref<128x128xf32, #tpu.memory_space<vmem>>, vector<1x16xf32>,
      %broadcast_in_dim3A_69 = arith.constant 0.000000e+00 : f32
      %broadcast_in_dim3A_70 = vector.broadcast %broadcast_in_dim3A_69 : f32 to vector<16xf32>
      %swap3A_71 = arith.index_cast %scan3A_34 : i32 to index
      %swap3A_72 = arith.constant 80 : index
      %swap3A_73 = tpu.vector_load %arg10[%swap3A_71, %swap3A_72] {strides = array<i32>} : memref<128x128xf32, #tpu.memory_space<vmem>>, vector<1x16xf32>,
      %swap3A_74 = vector.shape_cast %swap3A_73 : vector<1x16xf32> to vector<16xf32>
      %swap3A_75 = vector.shape_cast %broadcast_in_dim3A_70 : vector<16xf32> to vector<1x16xf32>
      tpu.vector_store %arg10[%swap3A_71, %swap3A_72], %swap3A_75 {strides = array<i32>} : memref<128x128xf32, #tpu.memory_space<vmem>>, vector<1x16xf32>,
      %broadcast_in_dim3A_76 = arith.constant 0.000000e+00 : f32
      %broadcast_in_dim3A_77 = vector.broadcast %broadcast_in_dim3A_76 : f32 to vector<16xf32>
      %swap3A_78 = arith.index_cast %scan3A_34 : i32 to index
      %swap3A_79 = arith.constant 96 : index
      %swap3A_80 = tpu.vector_load %arg10[%swap3A_78, %swap3A_79] {strides = array<i32>} : memref<128x128xf32, #tpu.memory_space<vmem>>, vector<1x16xf32>,
      %swap3A_81 = vector.shape_cast %swap3A_80 : vector<1x16xf32> to vector<16xf32>
      %swap3A_82 = vector.shape_cast %broadcast_in_dim3A_77 : vector<16xf32> to vector<1x16xf32>
      tpu.vector_store %arg10[%swap3A_78, %swap3A_79], %swap3A_82 {strides = array<i32>} : memref<128x128xf32, #tpu.memory_space<vmem>>, vector<1x16xf32>,
      %broadcast_in_dim3A_83 = arith.constant 0.000000e+00 : f32
      %broadcast_in_dim3A_84 = vector.broadcast %broadcast_in_dim3A_83 : f32 to vector<16xf32>
      %swap3A_85 = arith.index_cast %scan3A_34 : i32 to index
      %swap3A_86 = arith.constant 112 : index
      %swap3A_87 = tpu.vector_load %arg10[%swap3A_85, %swap3A_86] {strides = array<i32>} : memref<128x128xf32, #tpu.memory_space<vmem>>, vector<1x16xf32>,
      %swap3A_88 = vector.shape_cast %swap3A_87 : vector<1x16xf32> to vector<16xf32>
      %swap3A_89 = vector.shape_cast %broadcast_in_dim3A_84 : vector<16xf32> to vector<1x16xf32>
      tpu.vector_store %arg10[%swap3A_85, %swap3A_86], %swap3A_89 {strides = array<i32>} : memref<128x128xf32, #tpu.memory_space<vmem>>, vector<1x16xf32>,
      %scan3A_90 = arith.constant 0 : i32
      scf.yield %scan3A_90 : i32
    }
    %scan3A_6 = arith.constant 128 : i32
    %mul3A_7 = arith.constant 640 : i32
    %mul3A_8 = arith.muli %arg1, %mul3A_7 : i32
    %add3A_9 = arith.constant 0 : i32
    %add3A_10 = arith.addi %mul3A_8, %add3A_9 : i32
    "tpu.region"() ({
      %run_scoped3A = tpu.sem_alloc : memref<!tpu.dma_semaphore, #tpu.memory_space<semaphore_mem>>
      %dma_start3A = arith.constant 0 : i32
      %dma_start3A_34 = tpu.memref_slice %arg7[%add3A_10, %dma_start3A] : memref<10240x128xf32, #tpu.memory_space<vmem_shared>> -> memref<128x128xf32, #tpu.memory_space<vmem_shared>>
      %dma_start3A_35 = arith.constant 0 : i32
      %dma_start3A_36 = tpu.memref_slice %arg7[%add3A_10, %dma_start3A_35] : memref<10240x128xf32, #tpu.memory_space<vmem_shared>> -> memref<128x128xf32, #tpu.memory_space<vmem_shared>>
      tpu.enqueue_dma source(%arg10 : memref<128x128xf32, #tpu.memory_space<vmem>>) target(%dma_start3A_36 : memref<128x128xf32, #tpu.memory_space<vmem_shared>>) target_semaphore(%run_scoped3A : memref<!tpu.dma_semaphore, #tpu.memory_space<semaphore_mem>>)
      %dma_wait3A = arith.constant 0 : i32
      %dma_wait3A_37 = tpu.memref_slice %arg7[%add3A_10, %dma_wait3A] : memref<10240x128xf32, #tpu.memory_space<vmem_shared>> -> memref<128x128xf32, #tpu.memory_space<vmem_shared>>
      %dma_wait3A_38 = arith.constant 0 : i32
      %dma_wait3A_39 = tpu.memref_slice %arg7[%add3A_10, %dma_wait3A_38] : memref<10240x128xf32, #tpu.memory_space<vmem_shared>> -> memref<128x128xf32, #tpu.memory_space<vmem_shared>>
      tpu.wait_dma2 semaphore(%run_scoped3A : memref<!tpu.dma_semaphore, #tpu.memory_space<semaphore_mem>>) src(%arg10 : memref<128x128xf32, #tpu.memory_space<vmem>>) dst(%dma_wait3A_39 : memref<128x128xf32, #tpu.memory_space<vmem_shared>>)
      tpu.yield
    }) : () -> ()
    %add3A_11 = arith.constant 128 : i32
    %add3A_12 = arith.addi %mul3A_8, %add3A_11 : i32
    "tpu.region"() ({
      %run_scoped3A = tpu.sem_alloc : memref<!tpu.dma_semaphore, #tpu.memory_space<semaphore_mem>>
      %dma_start3A = arith.constant 0 : i32
      %dma_start3A_34 = tpu.memref_slice %arg7[%add3A_12, %dma_start3A] : memref<10240x128xf32, #tpu.memory_space<vmem_shared>> -> memref<128x128xf32, #tpu.memory_space<vmem_shared>>
      %dma_start3A_35 = arith.constant 0 : i32
      %dma_start3A_36 = tpu.memref_slice %arg7[%add3A_12, %dma_start3A_35] : memref<10240x128xf32, #tpu.memory_space<vmem_shared>> -> memref<128x128xf32, #tpu.memory_space<vmem_shared>>
      tpu.enqueue_dma source(%arg10 : memref<128x128xf32, #tpu.memory_space<vmem>>) target(%dma_start3A_36 : memref<128x128xf32, #tpu.memory_space<vmem_shared>>) target_semaphore(%run_scoped3A : memref<!tpu.dma_semaphore, #tpu.memory_space<semaphore_mem>>)
      %dma_wait3A = arith.constant 0 : i32
      %dma_wait3A_37 = tpu.memref_slice %arg7[%add3A_12, %dma_wait3A] : memref<10240x128xf32, #tpu.memory_space<vmem_shared>> -> memref<128x128xf32, #tpu.memory_space<vmem_shared>>
      %dma_wait3A_38 = arith.constant 0 : i32
      %dma_wait3A_39 = tpu.memref_slice %arg7[%add3A_12, %dma_wait3A_38] : memref<10240x128xf32, #tpu.memory_space<vmem_shared>> -> memref<128x128xf32, #tpu.memory_space<vmem_shared>>
      tpu.wait_dma2 semaphore(%run_scoped3A : memref<!tpu.dma_semaphore, #tpu.memory_space<semaphore_mem>>) src(%arg10 : memref<128x128xf32, #tpu.memory_space<vmem>>) dst(%dma_wait3A_39 : memref<128x128xf32, #tpu.memory_space<vmem_shared>>)
      tpu.yield
    }) : () -> ()
    %add3A_13 = arith.constant 256 : i32
    %add3A_14 = arith.addi %mul3A_8, %add3A_13 : i32
    "tpu.region"() ({
      %run_scoped3A = tpu.sem_alloc : memref<!tpu.dma_semaphore, #tpu.memory_space<semaphore_mem>>
      %dma_start3A = arith.constant 0 : i32
      %dma_start3A_34 = tpu.memref_slice %arg7[%add3A_14, %dma_start3A] : memref<10240x128xf32, #tpu.memory_space<vmem_shared>> -> memref<128x128xf32, #tpu.memory_space<vmem_shared>>
      %dma_start3A_35 = arith.constant 0 : i32
      %dma_start3A_36 = tpu.memref_slice %arg7[%add3A_14, %dma_start3A_35] : memref<10240x128xf32, #tpu.memory_space<vmem_shared>> -> memref<128x128xf32, #tpu.memory_space<vmem_shared>>
      tpu.enqueue_dma source(%arg10 : memref<128x128xf32, #tpu.memory_space<vmem>>) target(%dma_start3A_36 : memref<128x128xf32, #tpu.memory_space<vmem_shared>>) target_semaphore(%run_scoped3A : memref<!tpu.dma_semaphore, #tpu.memory_space<semaphore_mem>>)
      %dma_wait3A = arith.constant 0 : i32
      %dma_wait3A_37 = tpu.memref_slice %arg7[%add3A_14, %dma_wait3A] : memref<10240x128xf32, #tpu.memory_space<vmem_shared>> -> memref<128x128xf32, #tpu.memory_space<vmem_shared>>
      %dma_wait3A_38 = arith.constant 0 : i32
      %dma_wait3A_39 = tpu.memref_slice %arg7[%add3A_14, %dma_wait3A_38] : memref<10240x128xf32, #tpu.memory_space<vmem_shared>> -> memref<128x128xf32, #tpu.memory_space<vmem_shared>>
      tpu.wait_dma2 semaphore(%run_scoped3A : memref<!tpu.dma_semaphore, #tpu.memory_space<semaphore_mem>>) src(%arg10 : memref<128x128xf32, #tpu.memory_space<vmem>>) dst(%dma_wait3A_39 : memref<128x128xf32, #tpu.memory_space<vmem_shared>>)
      tpu.yield
    }) : () -> ()
    %add3A_15 = arith.constant 384 : i32
    %add3A_16 = arith.addi %mul3A_8, %add3A_15 : i32
    "tpu.region"() ({
      %run_scoped3A = tpu.sem_alloc : memref<!tpu.dma_semaphore, #tpu.memory_space<semaphore_mem>>
      %dma_start3A = arith.constant 0 : i32
      %dma_start3A_34 = tpu.memref_slice %arg7[%add3A_16, %dma_start3A] : memref<10240x128xf32, #tpu.memory_space<vmem_shared>> -> memref<128x128xf32, #tpu.memory_space<vmem_shared>>
      %dma_start3A_35 = arith.constant 0 : i32
      %dma_start3A_36 = tpu.memref_slice %arg7[%add3A_16, %dma_start3A_35] : memref<10240x128xf32, #tpu.memory_space<vmem_shared>> -> memref<128x128xf32, #tpu.memory_space<vmem_shared>>
      tpu.enqueue_dma source(%arg10 : memref<128x128xf32, #tpu.memory_space<vmem>>) target(%dma_start3A_36 : memref<128x128xf32, #tpu.memory_space<vmem_shared>>) target_semaphore(%run_scoped3A : memref<!tpu.dma_semaphore, #tpu.memory_space<semaphore_mem>>)
      %dma_wait3A = arith.constant 0 : i32
      %dma_wait3A_37 = tpu.memref_slice %arg7[%add3A_16, %dma_wait3A] : memref<10240x128xf32, #tpu.memory_space<vmem_shared>> -> memref<128x128xf32, #tpu.memory_space<vmem_shared>>
      %dma_wait3A_38 = arith.constant 0 : i32
      %dma_wait3A_39 = tpu.memref_slice %arg7[%add3A_16, %dma_wait3A_38] : memref<10240x128xf32, #tpu.memory_space<vmem_shared>> -> memref<128x128xf32, #tpu.memory_space<vmem_shared>>
      tpu.wait_dma2 semaphore(%run_scoped3A : memref<!tpu.dma_semaphore, #tpu.memory_space<semaphore_mem>>) src(%arg10 : memref<128x128xf32, #tpu.memory_space<vmem>>) dst(%dma_wait3A_39 : memref<128x128xf32, #tpu.memory_space<vmem_shared>>)
      tpu.yield
    }) : () -> ()
    %add3A_17 = arith.constant 512 : i32
    %add3A_18 = arith.addi %mul3A_8, %add3A_17 : i32
    "tpu.region"() ({
      %run_scoped3A = tpu.sem_alloc : memref<!tpu.dma_semaphore, #tpu.memory_space<semaphore_mem>>
      %dma_start3A = arith.constant 0 : i32
      %dma_start3A_34 = tpu.memref_slice %arg7[%add3A_18, %dma_start3A] : memref<10240x128xf32, #tpu.memory_space<vmem_shared>> -> memref<128x128xf32, #tpu.memory_space<vmem_shared>>
      %dma_start3A_35 = arith.constant 0 : i32
      %dma_start3A_36 = tpu.memref_slice %arg7[%add3A_18, %dma_start3A_35] : memref<10240x128xf32, #tpu.memory_space<vmem_shared>> -> memref<128x128xf32, #tpu.memory_space<vmem_shared>>
      tpu.enqueue_dma source(%arg10 : memref<128x128xf32, #tpu.memory_space<vmem>>) target(%dma_start3A_36 : memref<128x128xf32, #tpu.memory_space<vmem_shared>>) target_semaphore(%run_scoped3A : memref<!tpu.dma_semaphore, #tpu.memory_space<semaphore_mem>>)
      %dma_wait3A = arith.constant 0 : i32
      %dma_wait3A_37 = tpu.memref_slice %arg7[%add3A_18, %dma_wait3A] : memref<10240x128xf32, #tpu.memory_space<vmem_shared>> -> memref<128x128xf32, #tpu.memory_space<vmem_shared>>
      %dma_wait3A_38 = arith.constant 0 : i32
      %dma_wait3A_39 = tpu.memref_slice %arg7[%add3A_18, %dma_wait3A_38] : memref<10240x128xf32, #tpu.memory_space<vmem_shared>> -> memref<128x128xf32, #tpu.memory_space<vmem_shared>>
      tpu.wait_dma2 semaphore(%run_scoped3A : memref<!tpu.dma_semaphore, #tpu.memory_space<semaphore_mem>>) src(%arg10 : memref<128x128xf32, #tpu.memory_space<vmem>>) dst(%dma_wait3A_39 : memref<128x128xf32, #tpu.memory_space<vmem_shared>>)
      tpu.yield
    }) : () -> ()
    %barrier3A = arith.constant 0 : index
    tpu.barrier barrier_id(%barrier3A)
    %scan3A_19 = arith.constant 0 : i32
    %scan3A_20 = arith.constant 0 : i32
    %scan3A_21 = arith.constant 80 : i32
    %scan3A_22 = arith.addi %scan3A_20, %scan3A_21 : i32
    %scan3A_23 = arith.constant 1 : i32
    %scan3A_24 = scf.for %scan3A_34 = %scan3A_20 to %scan3A_22 step %scan3A_23 iter_args(%scan3A_35 = %scan3A_19) -> (i32)  : i32 {
      %mul3A_36 = arith.constant 80 : i32
      %mul3A_37 = arith.muli %add3A, %mul3A_36 : i32
      %add3A_38 = arith.addi %mul3A_37, %scan3A_34 : i32
      "tpu.region"() ({
        %run_scoped3A_61 = tpu.sem_alloc : memref<!tpu.dma_semaphore, #tpu.memory_space<semaphore_mem>>
        %dma_start3A_62 = arith.constant 0 : i32
        %dma_start3A_63 = tpu.memref_slice %arg4[%add3A_38, %dma_start3A_62] : memref<2560x128xi32, #tpu.memory_space<hbm>> -> memref<1x128xi32, #tpu.memory_space<hbm>>
        %dma_start3A_64 = arith.constant 0 : i32
        %dma_start3A_65 = tpu.memref_slice %arg4[%add3A_38, %dma_start3A_64] : memref<2560x128xi32, #tpu.memory_space<hbm>> -> memref<1x128xi32, #tpu.memory_space<hbm>>
        tpu.enqueue_dma source(%dma_start3A_65 : memref<1x128xi32, #tpu.memory_space<hbm>>) target(%arg8 : memref<1x128xi32, #tpu.memory_space<vmem>>) target_semaphore(%run_scoped3A_61 : memref<!tpu.dma_semaphore, #tpu.memory_space<semaphore_mem>>)
        %dma_wait3A_66 = arith.constant 0 : i32
        %dma_wait3A_67 = tpu.memref_slice %arg4[%add3A_38, %dma_wait3A_66] : memref<2560x128xi32, #tpu.memory_space<hbm>> -> memref<1x128xi32, #tpu.memory_space<hbm>>
        %dma_wait3A_68 = arith.constant 0 : i32
        %dma_wait3A_69 = tpu.memref_slice %arg4[%add3A_38, %dma_wait3A_68] : memref<2560x128xi32, #tpu.memory_space<hbm>> -> memref<1x128xi32, #tpu.memory_space<hbm>>
        tpu.wait_dma2 semaphore(%run_scoped3A_61 : memref<!tpu.dma_semaphore, #tpu.memory_space<semaphore_mem>>) src(%dma_wait3A_69 : memref<1x128xi32, #tpu.memory_space<hbm>>) dst(%arg8 : memref<1x128xi32, #tpu.memory_space<vmem>>)
        tpu.yield
      }) : () -> ()
      "tpu.region"() ({
        %run_scoped3A_61 = tpu.sem_alloc : memref<!tpu.dma_semaphore, #tpu.memory_space<semaphore_mem>>
        %dma_start3A_62 = arith.constant 0 : i32
        %dma_start3A_63 = tpu.memref_slice %arg5[%add3A_38, %dma_start3A_62] : memref<2560x128xi32, #tpu.memory_space<hbm>> -> memref<1x128xi32, #tpu.memory_space<hbm>>
        %dma_start3A_64 = arith.constant 0 : i32
        %dma_start3A_65 = tpu.memref_slice %arg5[%add3A_38, %dma_start3A_64] : memref<2560x128xi32, #tpu.memory_space<hbm>> -> memref<1x128xi32, #tpu.memory_space<hbm>>
        tpu.enqueue_dma source(%dma_start3A_65 : memref<1x128xi32, #tpu.memory_space<hbm>>) target(%arg9 : memref<1x128xi32, #tpu.memory_space<vmem>>) target_semaphore(%run_scoped3A_61 : memref<!tpu.dma_semaphore, #tpu.memory_space<semaphore_mem>>)
        %dma_wait3A_66 = arith.constant 0 : i32
        %dma_wait3A_67 = tpu.memref_slice %arg5[%add3A_38, %dma_wait3A_66] : memref<2560x128xi32, #tpu.memory_space<hbm>> -> memref<1x128xi32, #tpu.memory_space<hbm>>
        %dma_wait3A_68 = arith.constant 0 : i32
        %dma_wait3A_69 = tpu.memref_slice %arg5[%add3A_38, %dma_wait3A_68] : memref<2560x128xi32, #tpu.memory_space<hbm>> -> memref<1x128xi32, #tpu.memory_space<hbm>>
        tpu.wait_dma2 semaphore(%run_scoped3A_61 : memref<!tpu.dma_semaphore, #tpu.memory_space<semaphore_mem>>) src(%dma_wait3A_69 : memref<1x128xi32, #tpu.memory_space<hbm>>) dst(%arg9 : memref<1x128xi32, #tpu.memory_space<vmem>>)
        tpu.yield
      }) : () -> ()
      %dma_start3A = arith.constant 0 : i32
      %dma_start3A_39 = arith.constant 0 : i32
      %dma_start3A_40 = tpu.memref_slice %arg8[%dma_start3A, %dma_start3A_39] : memref<1x128xi32, #tpu.memory_space<vmem>> -> memref<1x128xi32, #tpu.memory_space<vmem>>
      %dma_start3A_41 = tpu.memref_squeeze %dma_start3A_40 : memref<1x128xi32, #tpu.memory_space<vmem>> -> memref<128xi32, #tpu.memory_space<vmem>>
      %dma_start3A_42 = arith.constant 0 : i32
      %dma_start3A_43 = arith.constant 0 : i32
      %dma_start3A_44 = tpu.memref_slice %arg2[%dma_start3A_42, %dma_start3A_43] : memref<10000x128xf32, #tpu.memory_space<hbm>> -> memref<10000x128xf32, #tpu.memory_space<hbm>>
      tpu.enqueue_indirect_dma source(%dma_start3A_44 : memref<10000x128xf32, #tpu.memory_space<hbm>>) target(%arg10 : memref<128x128xf32, #tpu.memory_space<vmem>>) offsets(%dma_start3A_41 : memref<128xi32, #tpu.memory_space<vmem>>) semaphore(%arg12 : memref<!tpu.dma_semaphore, #tpu.memory_space<semaphore_mem>>)
      %mul3A_45 = arith.constant 128 : i32
      %mul3A_46 = arith.muli %add3A_38, %mul3A_45 : i32
      "tpu.region"() ({
        %run_scoped3A_61 = tpu.sem_alloc : memref<!tpu.dma_semaphore, #tpu.memory_space<semaphore_mem>>
        %dma_start3A_62 = arith.constant 0 : i32
        %dma_start3A_63 = tpu.memref_slice %arg3[%mul3A_46, %dma_start3A_62] : memref<327680x128xf32, #tpu.memory_space<hbm>> -> memref<128x128xf32, #tpu.memory_space<hbm>>
        %dma_start3A_64 = arith.constant 0 : i32
        %dma_start3A_65 = tpu.memref_slice %arg3[%mul3A_46, %dma_start3A_64] : memref<327680x128xf32, #tpu.memory_space<hbm>> -> memref<128x128xf32, #tpu.memory_space<hbm>>
        tpu.enqueue_dma source(%dma_start3A_65 : memref<128x128xf32, #tpu.memory_space<hbm>>) target(%arg11 : memref<128x128xf32, #tpu.memory_space<vmem>>) target_semaphore(%run_scoped3A_61 : memref<!tpu.dma_semaphore, #tpu.memory_space<semaphore_mem>>)
        %dma_wait3A_66 = arith.constant 0 : i32
        %dma_wait3A_67 = tpu.memref_slice %arg3[%mul3A_46, %dma_wait3A_66] : memref<327680x128xf32, #tpu.memory_space<hbm>> -> memref<128x128xf32, #tpu.memory_space<hbm>>
        %dma_wait3A_68 = arith.constant 0 : i32
        %dma_wait3A_69 = tpu.memref_slice %arg3[%mul3A_46, %dma_wait3A_68] : memref<327680x128xf32, #tpu.memory_space<hbm>> -> memref<128x128xf32, #tpu.memory_space<hbm>>
        tpu.wait_dma2 semaphore(%run_scoped3A_61 : memref<!tpu.dma_semaphore, #tpu.memory_space<semaphore_mem>>) src(%dma_wait3A_69 : memref<128x128xf32, #tpu.memory_space<hbm>>) dst(%arg11 : memref<128x128xf32, #tpu.memory_space<vmem>>)
        tpu.yield
      }) : () -> ()
      %dma_wait3A = arith.constant 0 : i32
      %dma_wait3A_47 = arith.constant 0 : i32
      %dma_wait3A_48 = tpu.memref_slice %arg8[%dma_wait3A, %dma_wait3A_47] : memref<1x128xi32, #tpu.memory_space<vmem>> -> memref<1x128xi32, #tpu.memory_space<vmem>>
      %dma_wait3A_49 = tpu.memref_squeeze %dma_wait3A_48 : memref<1x128xi32, #tpu.memory_space<vmem>> -> memref<128xi32, #tpu.memory_space<vmem>>
      %dma_wait3A_50 = arith.constant 0 : i32
      %dma_wait3A_51 = arith.constant 0 : i32
      %dma_wait3A_52 = tpu.memref_slice %arg2[%dma_wait3A_50, %dma_wait3A_51] : memref<10000x128xf32, #tpu.memory_space<hbm>> -> memref<10000x128xf32, #tpu.memory_space<hbm>>
      tpu.wait_indirect_dma semaphore(%arg12 : memref<!tpu.dma_semaphore, #tpu.memory_space<semaphore_mem>>) src(%dma_wait3A_52 : memref<10000x128xf32, #tpu.memory_space<hbm>>) dst(%arg10 : memref<128x128xf32, #tpu.memory_space<vmem>>)
      %scan3A_53 = arith.constant 0 : i32
      %scan3A_54 = arith.constant 0 : i32
      %scan3A_55 = arith.constant 128 : i32
      %scan3A_56 = arith.addi %scan3A_54, %scan3A_55 : i32
      %scan3A_57 = arith.constant 1 : i32
      %scan3A_58 = scf.for %scan3A_61 = %scan3A_54 to %scan3A_56 step %scan3A_57 iter_args(%scan3A_62 = %scan3A_53) -> (i32)  : i32 {
        %get3A = arith.index_cast %scan3A_61 : i32 to index
        %get3A_63 = arith.constant 0 : index
        %get3A_64 = tpu.vector_load %arg10[%get3A, %get3A_63] {strides = array<i32>} : memref<128x128xf32, #tpu.memory_space<vmem>>, vector<1x16xf32>,
        %get3A_65 = vector.shape_cast %get3A_64 : vector<1x16xf32> to vector<16xf32>
        %get3A_66 = arith.index_cast %scan3A_61 : i32 to index
        %get3A_67 = arith.constant 0 : index
        %get3A_68 = tpu.vector_load %arg11[%get3A_66, %get3A_67] {strides = array<i32>} : memref<128x128xf32, #tpu.memory_space<vmem>>, vector<1x16xf32>,
        %get3A_69 = vector.shape_cast %get3A_68 : vector<1x16xf32> to vector<16xf32>
        %add3A_70 = arith.addf %get3A_65, %get3A_69 : vector<16xf32>
        %max3A = arith.constant 0.000000e+00 : f32
        %max3A_71 = vector.broadcast %max3A : f32 to vector<16xf32>
        %max3A_72 = arith.maximumf %add3A_70, %max3A_71 : vector<16xf32>
        %swap3A = arith.index_cast %scan3A_61 : i32 to index
        %swap3A_73 = arith.constant 0 : index
        %swap3A_74 = tpu.vector_load %arg10[%swap3A, %swap3A_73] {strides = array<i32>} : memref<128x128xf32, #tpu.memory_space<vmem>>, vector<1x16xf32>,
        %swap3A_75 = vector.shape_cast %swap3A_74 : vector<1x16xf32> to vector<16xf32>
        %swap3A_76 = vector.shape_cast %max3A_72 : vector<16xf32> to vector<1x16xf32>
        tpu.vector_store %arg10[%swap3A, %swap3A_73], %swap3A_76 {strides = array<i32>} : memref<128x128xf32, #tpu.memory_space<vmem>>, vector<1x16xf32>,
        %get3A_77 = arith.index_cast %scan3A_61 : i32 to index
        %get3A_78 = arith.constant 16 : index
        %get3A_79 = tpu.vector_load %arg10[%get3A_77, %get3A_78] {strides = array<i32>} : memref<128x128xf32, #tpu.memory_space<vmem>>, vector<1x16xf32>,
        %get3A_80 = vector.shape_cast %get3A_79 : vector<1x16xf32> to vector<16xf32>
        %get3A_81 = arith.index_cast %scan3A_61 : i32 to index
        %get3A_82 = arith.constant 16 : index
        %get3A_83 = tpu.vector_load %arg11[%get3A_81, %get3A_82] {strides = array<i32>} : memref<128x128xf32, #tpu.memory_space<vmem>>, vector<1x16xf32>,
        %get3A_84 = vector.shape_cast %get3A_83 : vector<1x16xf32> to vector<16xf32>
        %add3A_85 = arith.addf %get3A_80, %get3A_84 : vector<16xf32>
        %max3A_86 = arith.constant 0.000000e+00 : f32
        %max3A_87 = vector.broadcast %max3A_86 : f32 to vector<16xf32>
        %max3A_88 = arith.maximumf %add3A_85, %max3A_87 : vector<16xf32>
        %swap3A_89 = arith.index_cast %scan3A_61 : i32 to index
        %swap3A_90 = arith.constant 16 : index
        %swap3A_91 = tpu.vector_load %arg10[%swap3A_89, %swap3A_90] {strides = array<i32>} : memref<128x128xf32, #tpu.memory_space<vmem>>, vector<1x16xf32>,
        %swap3A_92 = vector.shape_cast %swap3A_91 : vector<1x16xf32> to vector<16xf32>
        %swap3A_93 = vector.shape_cast %max3A_88 : vector<16xf32> to vector<1x16xf32>
        tpu.vector_store %arg10[%swap3A_89, %swap3A_90], %swap3A_93 {strides = array<i32>} : memref<128x128xf32, #tpu.memory_space<vmem>>, vector<1x16xf32>,
        %get3A_94 = arith.index_cast %scan3A_61 : i32 to index
        %get3A_95 = arith.constant 32 : index
        %get3A_96 = tpu.vector_load %arg10[%get3A_94, %get3A_95] {strides = array<i32>} : memref<128x128xf32, #tpu.memory_space<vmem>>, vector<1x16xf32>,
        %get3A_97 = vector.shape_cast %get3A_96 : vector<1x16xf32> to vector<16xf32>
        %get3A_98 = arith.index_cast %scan3A_61 : i32 to index
        %get3A_99 = arith.constant 32 : index
        %get3A_100 = tpu.vector_load %arg11[%get3A_98, %get3A_99] {strides = array<i32>} : memref<128x128xf32, #tpu.memory_space<vmem>>, vector<1x16xf32>,
        %get3A_101 = vector.shape_cast %get3A_100 : vector<1x16xf32> to vector<16xf32>
        %add3A_102 = arith.addf %get3A_97, %get3A_101 : vector<16xf32>
        %max3A_103 = arith.constant 0.000000e+00 : f32
        %max3A_104 = vector.broadcast %max3A_103 : f32 to vector<16xf32>
        %max3A_105 = arith.maximumf %add3A_102, %max3A_104 : vector<16xf32>
        %swap3A_106 = arith.index_cast %scan3A_61 : i32 to index
        %swap3A_107 = arith.constant 32 : index
        %swap3A_108 = tpu.vector_load %arg10[%swap3A_106, %swap3A_107] {strides = array<i32>} : memref<128x128xf32, #tpu.memory_space<vmem>>, vector<1x16xf32>,
        %swap3A_109 = vector.shape_cast %swap3A_108 : vector<1x16xf32> to vector<16xf32>
        %swap3A_110 = vector.shape_cast %max3A_105 : vector<16xf32> to vector<1x16xf32>
        tpu.vector_store %arg10[%swap3A_106, %swap3A_107], %swap3A_110 {strides = array<i32>} : memref<128x128xf32, #tpu.memory_space<vmem>>, vector<1x16xf32>,
        %get3A_111 = arith.index_cast %scan3A_61 : i32 to index
        %get3A_112 = arith.constant 48 : index
        %get3A_113 = tpu.vector_load %arg10[%get3A_111, %get3A_112] {strides = array<i32>} : memref<128x128xf32, #tpu.memory_space<vmem>>, vector<1x16xf32>,
        %get3A_114 = vector.shape_cast %get3A_113 : vector<1x16xf32> to vector<16xf32>
        %get3A_115 = arith.index_cast %scan3A_61 : i32 to index
        %get3A_116 = arith.constant 48 : index
        %get3A_117 = tpu.vector_load %arg11[%get3A_115, %get3A_116] {strides = array<i32>} : memref<128x128xf32, #tpu.memory_space<vmem>>, vector<1x16xf32>,
        %get3A_118 = vector.shape_cast %get3A_117 : vector<1x16xf32> to vector<16xf32>
        %add3A_119 = arith.addf %get3A_114, %get3A_118 : vector<16xf32>
        %max3A_120 = arith.constant 0.000000e+00 : f32
        %max3A_121 = vector.broadcast %max3A_120 : f32 to vector<16xf32>
        %max3A_122 = arith.maximumf %add3A_119, %max3A_121 : vector<16xf32>
        %swap3A_123 = arith.index_cast %scan3A_61 : i32 to index
        %swap3A_124 = arith.constant 48 : index
        %swap3A_125 = tpu.vector_load %arg10[%swap3A_123, %swap3A_124] {strides = array<i32>} : memref<128x128xf32, #tpu.memory_space<vmem>>, vector<1x16xf32>,
        %swap3A_126 = vector.shape_cast %swap3A_125 : vector<1x16xf32> to vector<16xf32>
        %swap3A_127 = vector.shape_cast %max3A_122 : vector<16xf32> to vector<1x16xf32>
        tpu.vector_store %arg10[%swap3A_123, %swap3A_124], %swap3A_127 {strides = array<i32>} : memref<128x128xf32, #tpu.memory_space<vmem>>, vector<1x16xf32>,
        %get3A_128 = arith.index_cast %scan3A_61 : i32 to index
        %get3A_129 = arith.constant 64 : index
        %get3A_130 = tpu.vector_load %arg10[%get3A_128, %get3A_129] {strides = array<i32>} : memref<128x128xf32, #tpu.memory_space<vmem>>, vector<1x16xf32>,
        %get3A_131 = vector.shape_cast %get3A_130 : vector<1x16xf32> to vector<16xf32>
        %get3A_132 = arith.index_cast %scan3A_61 : i32 to index
        %get3A_133 = arith.constant 64 : index
        %get3A_134 = tpu.vector_load %arg11[%get3A_132, %get3A_133] {strides = array<i32>} : memref<128x128xf32, #tpu.memory_space<vmem>>, vector<1x16xf32>,
        %get3A_135 = vector.shape_cast %get3A_134 : vector<1x16xf32> to vector<16xf32>
        %add3A_136 = arith.addf %get3A_131, %get3A_135 : vector<16xf32>
        %max3A_137 = arith.constant 0.000000e+00 : f32
        %max3A_138 = vector.broadcast %max3A_137 : f32 to vector<16xf32>
        %max3A_139 = arith.maximumf %add3A_136, %max3A_138 : vector<16xf32>
        %swap3A_140 = arith.index_cast %scan3A_61 : i32 to index
        %swap3A_141 = arith.constant 64 : index
        %swap3A_142 = tpu.vector_load %arg10[%swap3A_140, %swap3A_141] {strides = array<i32>} : memref<128x128xf32, #tpu.memory_space<vmem>>, vector<1x16xf32>,
        %swap3A_143 = vector.shape_cast %swap3A_142 : vector<1x16xf32> to vector<16xf32>
        %swap3A_144 = vector.shape_cast %max3A_139 : vector<16xf32> to vector<1x16xf32>
        tpu.vector_store %arg10[%swap3A_140, %swap3A_141], %swap3A_144 {strides = array<i32>} : memref<128x128xf32, #tpu.memory_space<vmem>>, vector<1x16xf32>,
        %get3A_145 = arith.index_cast %scan3A_61 : i32 to index
        %get3A_146 = arith.constant 80 : index
        %get3A_147 = tpu.vector_load %arg10[%get3A_145, %get3A_146] {strides = array<i32>} : memref<128x128xf32, #tpu.memory_space<vmem>>, vector<1x16xf32>,
        %get3A_148 = vector.shape_cast %get3A_147 : vector<1x16xf32> to vector<16xf32>
        %get3A_149 = arith.index_cast %scan3A_61 : i32 to index
        %get3A_150 = arith.constant 80 : index
        %get3A_151 = tpu.vector_load %arg11[%get3A_149, %get3A_150] {strides = array<i32>} : memref<128x128xf32, #tpu.memory_space<vmem>>, vector<1x16xf32>,
        %get3A_152 = vector.shape_cast %get3A_151 : vector<1x16xf32> to vector<16xf32>
        %add3A_153 = arith.addf %get3A_148, %get3A_152 : vector<16xf32>
        %max3A_154 = arith.constant 0.000000e+00 : f32
        %max3A_155 = vector.broadcast %max3A_154 : f32 to vector<16xf32>
        %max3A_156 = arith.maximumf %add3A_153, %max3A_155 : vector<16xf32>
        %swap3A_157 = arith.index_cast %scan3A_61 : i32 to index
        %swap3A_158 = arith.constant 80 : index
        %swap3A_159 = tpu.vector_load %arg10[%swap3A_157, %swap3A_158] {strides = array<i32>} : memref<128x128xf32, #tpu.memory_space<vmem>>, vector<1x16xf32>,
        %swap3A_160 = vector.shape_cast %swap3A_159 : vector<1x16xf32> to vector<16xf32>
        %swap3A_161 = vector.shape_cast %max3A_156 : vector<16xf32> to vector<1x16xf32>
        tpu.vector_store %arg10[%swap3A_157, %swap3A_158], %swap3A_161 {strides = array<i32>} : memref<128x128xf32, #tpu.memory_space<vmem>>, vector<1x16xf32>,
        %get3A_162 = arith.index_cast %scan3A_61 : i32 to index
        %get3A_163 = arith.constant 96 : index
        %get3A_164 = tpu.vector_load %arg10[%get3A_162, %get3A_163] {strides = array<i32>} : memref<128x128xf32, #tpu.memory_space<vmem>>, vector<1x16xf32>,
        %get3A_165 = vector.shape_cast %get3A_164 : vector<1x16xf32> to vector<16xf32>
        %get3A_166 = arith.index_cast %scan3A_61 : i32 to index
        %get3A_167 = arith.constant 96 : index
        %get3A_168 = tpu.vector_load %arg11[%get3A_166, %get3A_167] {strides = array<i32>} : memref<128x128xf32, #tpu.memory_space<vmem>>, vector<1x16xf32>,
        %get3A_169 = vector.shape_cast %get3A_168 : vector<1x16xf32> to vector<16xf32>
        %add3A_170 = arith.addf %get3A_165, %get3A_169 : vector<16xf32>
        %max3A_171 = arith.constant 0.000000e+00 : f32
        %max3A_172 = vector.broadcast %max3A_171 : f32 to vector<16xf32>
        %max3A_173 = arith.maximumf %add3A_170, %max3A_172 : vector<16xf32>
        %swap3A_174 = arith.index_cast %scan3A_61 : i32 to index
        %swap3A_175 = arith.constant 96 : index
        %swap3A_176 = tpu.vector_load %arg10[%swap3A_174, %swap3A_175] {strides = array<i32>} : memref<128x128xf32, #tpu.memory_space<vmem>>, vector<1x16xf32>,
        %swap3A_177 = vector.shape_cast %swap3A_176 : vector<1x16xf32> to vector<16xf32>
        %swap3A_178 = vector.shape_cast %max3A_173 : vector<16xf32> to vector<1x16xf32>
        tpu.vector_store %arg10[%swap3A_174, %swap3A_175], %swap3A_178 {strides = array<i32>} : memref<128x128xf32, #tpu.memory_space<vmem>>, vector<1x16xf32>,
        %get3A_179 = arith.index_cast %scan3A_61 : i32 to index
        %get3A_180 = arith.constant 112 : index
        %get3A_181 = tpu.vector_load %arg10[%get3A_179, %get3A_180] {strides = array<i32>} : memref<128x128xf32, #tpu.memory_space<vmem>>, vector<1x16xf32>,
        %get3A_182 = vector.shape_cast %get3A_181 : vector<1x16xf32> to vector<16xf32>
        %get3A_183 = arith.index_cast %scan3A_61 : i32 to index
        %get3A_184 = arith.constant 112 : index
        %get3A_185 = tpu.vector_load %arg11[%get3A_183, %get3A_184] {strides = array<i32>} : memref<128x128xf32, #tpu.memory_space<vmem>>, vector<1x16xf32>,
        %get3A_186 = vector.shape_cast %get3A_185 : vector<1x16xf32> to vector<16xf32>
        %add3A_187 = arith.addf %get3A_182, %get3A_186 : vector<16xf32>
        %max3A_188 = arith.constant 0.000000e+00 : f32
        %max3A_189 = vector.broadcast %max3A_188 : f32 to vector<16xf32>
        %max3A_190 = arith.maximumf %add3A_187, %max3A_189 : vector<16xf32>
        %swap3A_191 = arith.index_cast %scan3A_61 : i32 to index
        %swap3A_192 = arith.constant 112 : index
        %swap3A_193 = tpu.vector_load %arg10[%swap3A_191, %swap3A_192] {strides = array<i32>} : memref<128x128xf32, #tpu.memory_space<vmem>>, vector<1x16xf32>,
        %swap3A_194 = vector.shape_cast %swap3A_193 : vector<1x16xf32> to vector<16xf32>
        %swap3A_195 = vector.shape_cast %max3A_190 : vector<16xf32> to vector<1x16xf32>
        tpu.vector_store %arg10[%swap3A_191, %swap3A_192], %swap3A_195 {strides = array<i32>} : memref<128x128xf32, #tpu.memory_space<vmem>>, vector<1x16xf32>,
        %scan3A_196 = arith.constant 0 : i32
        scf.yield %scan3A_196 : i32
      }
      %scan3A_59 = arith.constant 128 : i32
      %run_scoped3A = arith.constant 0 : i32
      "tpu.region"() ({
        %run_scoped3A_61 = tpu.sem_alloc : memref<!tpu.dma_semaphore, #tpu.memory_space<semaphore_mem>>
        %dma_start3A_62 = arith.constant 0 : i32
        %dma_start3A_63 = tpu.memref_slice %arg9[%run_scoped3A, %dma_start3A_62] : memref<1x128xi32, #tpu.memory_space<vmem>> -> memref<1x128xi32, #tpu.memory_space<vmem>>
        %dma_start3A_64 = tpu.memref_squeeze %dma_start3A_63 : memref<1x128xi32, #tpu.memory_space<vmem>> -> memref<128xi32, #tpu.memory_space<vmem>>
        %dma_start3A_65 = arith.constant 0 : i32
        %dma_start3A_66 = arith.constant 0 : i32
        %dma_start3A_67 = tpu.memref_slice %arg7[%dma_start3A_65, %dma_start3A_66] : memref<10240x128xf32, #tpu.memory_space<vmem_shared>> -> memref<10240x128xf32, #tpu.memory_space<vmem_shared>>
        tpu.enqueue_indirect_dma source(%arg10 : memref<128x128xf32, #tpu.memory_space<vmem>>) target(%dma_start3A_67 : memref<10240x128xf32, #tpu.memory_space<vmem_shared>>) offsets(%dma_start3A_64 : memref<128xi32, #tpu.memory_space<vmem>>) semaphore(%run_scoped3A_61 : memref<!tpu.dma_semaphore, #tpu.memory_space<semaphore_mem>>) {add = true}
        %dma_wait3A_68 = arith.constant 0 : i32
        %dma_wait3A_69 = tpu.memref_slice %arg9[%run_scoped3A, %dma_wait3A_68] : memref<1x128xi32, #tpu.memory_space<vmem>> -> memref<1x128xi32, #tpu.memory_space<vmem>>
        %dma_wait3A_70 = tpu.memref_squeeze %dma_wait3A_69 : memref<1x128xi32, #tpu.memory_space<vmem>> -> memref<128xi32, #tpu.memory_space<vmem>>
        %dma_wait3A_71 = arith.constant 0 : i32
        %dma_wait3A_72 = arith.constant 0 : i32
        %dma_wait3A_73 = tpu.memref_slice %arg7[%dma_wait3A_71, %dma_wait3A_72] : memref<10240x128xf32, #tpu.memory_space<vmem_shared>> -> memref<10240x128xf32, #tpu.memory_space<vmem_shared>>
        tpu.wait_indirect_dma semaphore(%run_scoped3A_61 : memref<!tpu.dma_semaphore, #tpu.memory_space<semaphore_mem>>) src(%arg10 : memref<128x128xf32, #tpu.memory_space<vmem>>) dst(%dma_wait3A_73 : memref<10240x128xf32, #tpu.memory_space<vmem_shared>>)
        tpu.yield
      }) : () -> ()
      %scan3A_60 = arith.constant 0 : i32
      scf.yield %scan3A_60 : i32
    }
    %scan3A_25 = arith.constant 80 : i32
    %barrier3A_26 = arith.constant 0 : index
    tpu.barrier barrier_id(%barrier3A_26)
    %mul3A_27 = arith.constant 640 : i32
    %mul3A_28 = arith.muli %arg1, %mul3A_27 : i32
    %mul3A_29 = arith.constant 10240 : i32
    %mul3A_30 = arith.muli %arg0, %mul3A_29 : i32
    %mul3A_31 = arith.constant 640 : i32
    %mul3A_32 = arith.muli %arg1, %mul3A_31 : i32
    %add3A_33 = arith.addi %mul3A_30, %mul3A_32 : i32
    "tpu.region"() ({
      %run_scoped3A = tpu.sem_alloc : memref<!tpu.dma_semaphore, #tpu.memory_space<semaphore_mem>>
      %dma_start3A = arith.constant 0 : i32
      %dma_start3A_34 = tpu.memref_slice %arg6[%add3A_33, %dma_start3A] : memref<20480x128xf32, #tpu.memory_space<hbm>> -> memref<640x128xf32, #tpu.memory_space<hbm>>
      %dma_start3A_35 = arith.constant 0 : i32
      %dma_start3A_36 = tpu.memref_slice %arg7[%mul3A_28, %dma_start3A_35] : memref<10240x128xf32, #tpu.memory_space<vmem_shared>> -> memref<640x128xf32, #tpu.memory_space<vmem_shared>>
      tpu.enqueue_dma source(%dma_start3A_36 : memref<640x128xf32, #tpu.memory_space<vmem_shared>>) target(%dma_start3A_34 : memref<640x128xf32, #tpu.memory_space<hbm>>) target_semaphore(%run_scoped3A : memref<!tpu.dma_semaphore, #tpu.memory_space<semaphore_mem>>)
      %dma_wait3A = arith.constant 0 : i32
      %dma_wait3A_37 = tpu.memref_slice %arg6[%add3A_33, %dma_wait3A] : memref<20480x128xf32, #tpu.memory_space<hbm>> -> memref<640x128xf32, #tpu.memory_space<hbm>>
      %dma_wait3A_38 = arith.constant 0 : i32
      %dma_wait3A_39 = tpu.memref_slice %arg7[%mul3A_28, %dma_wait3A_38] : memref<10240x128xf32, #tpu.memory_space<vmem_shared>> -> memref<640x128xf32, #tpu.memory_space<vmem_shared>>
      tpu.wait_dma2 semaphore(%run_scoped3A : memref<!tpu.dma_semaphore, #tpu.memory_space<semaphore_mem>>) src(%dma_wait3A_39 : memref<640x128xf32, #tpu.memory_space<vmem_shared>>) dst(%dma_wait3A_37 : memref<640x128xf32, #tpu.memory_space<hbm>>)
      tpu.yield
    }) : () -> ()
    return
  }
}

#map = affine_map<(d0, d1) -> (0, 0)>
module attributes {stable_mosaic.version = 14 : i64} {
  func.func @_sc_msgpass_body(%arg0: i32, %arg1: i32, %arg2: memref<10000x128xf32, #tpu.memory_space<hbm>>, %arg3: memref<327680x128xf32, #tpu.memory_space<hbm>>, %arg4: memref<2560x128xi32, #tpu.memory_space<hbm>>, %arg5: memref<2560x128xi32, #tpu.memory_space<hbm>>, %arg6: memref<20480x128xf32, #tpu.memory_space<hbm>>, %arg7: memref<10240x128xf32, #tpu.memory_space<vmem_shared>>, %arg8: memref<1x128xi32, #tpu.memory_space<vmem>>, %arg9: memref<1x128xi32, #tpu.memory_space<vmem>>, %arg10: memref<128x128xf32, #tpu.memory_space<vmem>>, %arg11: memref<128x128xf32, #tpu.memory_space<vmem>>, %arg12: memref<!tpu.dma_semaphore, #tpu.memory_space<semaphore_mem>>) attributes {dimension_semantics = [#tpu.dimension_semantics<core_parallel>, #tpu.dimension_semantics<subcore_parallel>], iteration_bounds = array<i64: 2, 16>, scalar_prefetch = 0 : i64, scratch_operands = 6 : i64, tpu.core_type = #tpu.core_type<sc_vector_subcore>, window_params = [{transform_indices = #map}, {transform_indices = #map}, {transform_indices = #map}, {transform_indices = #map}, {transform_indices = #map}]} {
    %mul3A = arith.constant 16 : i32
    %mul3A_0 = arith.muli %arg0, %mul3A : i32
    %add3A = arith.addi %mul3A_0, %arg1 : i32
    %scan3A = arith.constant 0 : i32
    %scan3A_1 = arith.constant 0 : i32
    %scan3A_2 = arith.constant 128 : i32
    %scan3A_3 = arith.addi %scan3A_1, %scan3A_2 : i32
    %scan3A_4 = arith.constant 1 : i32
    %scan3A_5 = scf.for %scan3A_34 = %scan3A_1 to %scan3A_3 step %scan3A_4 iter_args(%scan3A_35 = %scan3A) -> (i32)  : i32 {
      %broadcast_in_dim3A = arith.constant 0.000000e+00 : f32
      %broadcast_in_dim3A_36 = vector.broadcast %broadcast_in_dim3A : f32 to vector<16xf32>
      %swap3A = arith.index_cast %scan3A_34 : i32 to index
      %swap3A_37 = arith.constant 0 : index
      %swap3A_38 = tpu.vector_load %arg10[%swap3A, %swap3A_37] {strides = array<i32>} : memref<128x128xf32, #tpu.memory_space<vmem>>, vector<1x16xf32>,
      %swap3A_39 = vector.shape_cast %swap3A_38 : vector<1x16xf32> to vector<16xf32>
      %swap3A_40 = vector.shape_cast %broadcast_in_dim3A_36 : vector<16xf32> to vector<1x16xf32>
      tpu.vector_store %arg10[%swap3A, %swap3A_37], %swap3A_40 {strides = array<i32>} : memref<128x128xf32, #tpu.memory_space<vmem>>, vector<1x16xf32>,
      %broadcast_in_dim3A_41 = arith.constant 0.000000e+00 : f32
      %broadcast_in_dim3A_42 = vector.broadcast %broadcast_in_dim3A_41 : f32 to vector<16xf32>
      %swap3A_43 = arith.index_cast %scan3A_34 : i32 to index
      %swap3A_44 = arith.constant 16 : index
      %swap3A_45 = tpu.vector_load %arg10[%swap3A_43, %swap3A_44] {strides = array<i32>} : memref<128x128xf32, #tpu.memory_space<vmem>>, vector<1x16xf32>,
      %swap3A_46 = vector.shape_cast %swap3A_45 : vector<1x16xf32> to vector<16xf32>
      %swap3A_47 = vector.shape_cast %broadcast_in_dim3A_42 : vector<16xf32> to vector<1x16xf32>
      tpu.vector_store %arg10[%swap3A_43, %swap3A_44], %swap3A_47 {strides = array<i32>} : memref<128x128xf32, #tpu.memory_space<vmem>>, vector<1x16xf32>,
      %broadcast_in_dim3A_48 = arith.constant 0.000000e+00 : f32
      %broadcast_in_dim3A_49 = vector.broadcast %broadcast_in_dim3A_48 : f32 to vector<16xf32>
      %swap3A_50 = arith.index_cast %scan3A_34 : i32 to index
      %swap3A_51 = arith.constant 32 : index
      %swap3A_52 = tpu.vector_load %arg10[%swap3A_50, %swap3A_51] {strides = array<i32>} : memref<128x128xf32, #tpu.memory_space<vmem>>, vector<1x16xf32>,
      %swap3A_53 = vector.shape_cast %swap3A_52 : vector<1x16xf32> to vector<16xf32>
      %swap3A_54 = vector.shape_cast %broadcast_in_dim3A_49 : vector<16xf32> to vector<1x16xf32>
      tpu.vector_store %arg10[%swap3A_50, %swap3A_51], %swap3A_54 {strides = array<i32>} : memref<128x128xf32, #tpu.memory_space<vmem>>, vector<1x16xf32>,
      %broadcast_in_dim3A_55 = arith.constant 0.000000e+00 : f32
      %broadcast_in_dim3A_56 = vector.broadcast %broadcast_in_dim3A_55 : f32 to vector<16xf32>
      %swap3A_57 = arith.index_cast %scan3A_34 : i32 to index
      %swap3A_58 = arith.constant 48 : index
      %swap3A_59 = tpu.vector_load %arg10[%swap3A_57, %swap3A_58] {strides = array<i32>} : memref<128x128xf32, #tpu.memory_space<vmem>>, vector<1x16xf32>,
      %swap3A_60 = vector.shape_cast %swap3A_59 : vector<1x16xf32> to vector<16xf32>
      %swap3A_61 = vector.shape_cast %broadcast_in_dim3A_56 : vector<16xf32> to vector<1x16xf32>
      tpu.vector_store %arg10[%swap3A_57, %swap3A_58], %swap3A_61 {strides = array<i32>} : memref<128x128xf32, #tpu.memory_space<vmem>>, vector<1x16xf32>,
      %broadcast_in_dim3A_62 = arith.constant 0.000000e+00 : f32
      %broadcast_in_dim3A_63 = vector.broadcast %broadcast_in_dim3A_62 : f32 to vector<16xf32>
      %swap3A_64 = arith.index_cast %scan3A_34 : i32 to index
      %swap3A_65 = arith.constant 64 : index
      %swap3A_66 = tpu.vector_load %arg10[%swap3A_64, %swap3A_65] {strides = array<i32>} : memref<128x128xf32, #tpu.memory_space<vmem>>, vector<1x16xf32>,
      %swap3A_67 = vector.shape_cast %swap3A_66 : vector<1x16xf32> to vector<16xf32>
      %swap3A_68 = vector.shape_cast %broadcast_in_dim3A_63 : vector<16xf32> to vector<1x16xf32>
      tpu.vector_store %arg10[%swap3A_64, %swap3A_65], %swap3A_68 {strides = array<i32>} : memref<128x128xf32, #tpu.memory_space<vmem>>, vector<1x16xf32>,
      %broadcast_in_dim3A_69 = arith.constant 0.000000e+00 : f32
      %broadcast_in_dim3A_70 = vector.broadcast %broadcast_in_dim3A_69 : f32 to vector<16xf32>
      %swap3A_71 = arith.index_cast %scan3A_34 : i32 to index
      %swap3A_72 = arith.constant 80 : index
      %swap3A_73 = tpu.vector_load %arg10[%swap3A_71, %swap3A_72] {strides = array<i32>} : memref<128x128xf32, #tpu.memory_space<vmem>>, vector<1x16xf32>,
      %swap3A_74 = vector.shape_cast %swap3A_73 : vector<1x16xf32> to vector<16xf32>
      %swap3A_75 = vector.shape_cast %broadcast_in_dim3A_70 : vector<16xf32> to vector<1x16xf32>
      tpu.vector_store %arg10[%swap3A_71, %swap3A_72], %swap3A_75 {strides = array<i32>} : memref<128x128xf32, #tpu.memory_space<vmem>>, vector<1x16xf32>,
      %broadcast_in_dim3A_76 = arith.constant 0.000000e+00 : f32
      %broadcast_in_dim3A_77 = vector.broadcast %broadcast_in_dim3A_76 : f32 to vector<16xf32>
      %swap3A_78 = arith.index_cast %scan3A_34 : i32 to index
      %swap3A_79 = arith.constant 96 : index
      %swap3A_80 = tpu.vector_load %arg10[%swap3A_78, %swap3A_79] {strides = array<i32>} : memref<128x128xf32, #tpu.memory_space<vmem>>, vector<1x16xf32>,
      %swap3A_81 = vector.shape_cast %swap3A_80 : vector<1x16xf32> to vector<16xf32>
      %swap3A_82 = vector.shape_cast %broadcast_in_dim3A_77 : vector<16xf32> to vector<1x16xf32>
      tpu.vector_store %arg10[%swap3A_78, %swap3A_79], %swap3A_82 {strides = array<i32>} : memref<128x128xf32, #tpu.memory_space<vmem>>, vector<1x16xf32>,
      %broadcast_in_dim3A_83 = arith.constant 0.000000e+00 : f32
      %broadcast_in_dim3A_84 = vector.broadcast %broadcast_in_dim3A_83 : f32 to vector<16xf32>
      %swap3A_85 = arith.index_cast %scan3A_34 : i32 to index
      %swap3A_86 = arith.constant 112 : index
      %swap3A_87 = tpu.vector_load %arg10[%swap3A_85, %swap3A_86] {strides = array<i32>} : memref<128x128xf32, #tpu.memory_space<vmem>>, vector<1x16xf32>,
      %swap3A_88 = vector.shape_cast %swap3A_87 : vector<1x16xf32> to vector<16xf32>
      %swap3A_89 = vector.shape_cast %broadcast_in_dim3A_84 : vector<16xf32> to vector<1x16xf32>
      tpu.vector_store %arg10[%swap3A_85, %swap3A_86], %swap3A_89 {strides = array<i32>} : memref<128x128xf32, #tpu.memory_space<vmem>>, vector<1x16xf32>,
      %scan3A_90 = arith.constant 0 : i32
      scf.yield %scan3A_90 : i32
    }
    %scan3A_6 = arith.constant 128 : i32
    %mul3A_7 = arith.constant 640 : i32
    %mul3A_8 = arith.muli %arg1, %mul3A_7 : i32
    %add3A_9 = arith.constant 0 : i32
    %add3A_10 = arith.addi %mul3A_8, %add3A_9 : i32
    "tpu.region"() ({
      %run_scoped3A = tpu.sem_alloc : memref<!tpu.dma_semaphore, #tpu.memory_space<semaphore_mem>>
      %dma_start3A = arith.constant 0 : i32
      %dma_start3A_34 = tpu.memref_slice %arg7[%add3A_10, %dma_start3A] : memref<10240x128xf32, #tpu.memory_space<vmem_shared>> -> memref<128x128xf32, #tpu.memory_space<vmem_shared>>
      %dma_start3A_35 = arith.constant 0 : i32
      %dma_start3A_36 = tpu.memref_slice %arg7[%add3A_10, %dma_start3A_35] : memref<10240x128xf32, #tpu.memory_space<vmem_shared>> -> memref<128x128xf32, #tpu.memory_space<vmem_shared>>
      tpu.enqueue_dma source(%arg10 : memref<128x128xf32, #tpu.memory_space<vmem>>) target(%dma_start3A_36 : memref<128x128xf32, #tpu.memory_space<vmem_shared>>) target_semaphore(%run_scoped3A : memref<!tpu.dma_semaphore, #tpu.memory_space<semaphore_mem>>)
      %dma_wait3A = arith.constant 0 : i32
      %dma_wait3A_37 = tpu.memref_slice %arg7[%add3A_10, %dma_wait3A] : memref<10240x128xf32, #tpu.memory_space<vmem_shared>> -> memref<128x128xf32, #tpu.memory_space<vmem_shared>>
      %dma_wait3A_38 = arith.constant 0 : i32
      %dma_wait3A_39 = tpu.memref_slice %arg7[%add3A_10, %dma_wait3A_38] : memref<10240x128xf32, #tpu.memory_space<vmem_shared>> -> memref<128x128xf32, #tpu.memory_space<vmem_shared>>
      tpu.wait_dma2 semaphore(%run_scoped3A : memref<!tpu.dma_semaphore, #tpu.memory_space<semaphore_mem>>) src(%arg10 : memref<128x128xf32, #tpu.memory_space<vmem>>) dst(%dma_wait3A_39 : memref<128x128xf32, #tpu.memory_space<vmem_shared>>)
      tpu.yield
    }) : () -> ()
    %add3A_11 = arith.constant 128 : i32
    %add3A_12 = arith.addi %mul3A_8, %add3A_11 : i32
    "tpu.region"() ({
      %run_scoped3A = tpu.sem_alloc : memref<!tpu.dma_semaphore, #tpu.memory_space<semaphore_mem>>
      %dma_start3A = arith.constant 0 : i32
      %dma_start3A_34 = tpu.memref_slice %arg7[%add3A_12, %dma_start3A] : memref<10240x128xf32, #tpu.memory_space<vmem_shared>> -> memref<128x128xf32, #tpu.memory_space<vmem_shared>>
      %dma_start3A_35 = arith.constant 0 : i32
      %dma_start3A_36 = tpu.memref_slice %arg7[%add3A_12, %dma_start3A_35] : memref<10240x128xf32, #tpu.memory_space<vmem_shared>> -> memref<128x128xf32, #tpu.memory_space<vmem_shared>>
      tpu.enqueue_dma source(%arg10 : memref<128x128xf32, #tpu.memory_space<vmem>>) target(%dma_start3A_36 : memref<128x128xf32, #tpu.memory_space<vmem_shared>>) target_semaphore(%run_scoped3A : memref<!tpu.dma_semaphore, #tpu.memory_space<semaphore_mem>>)
      %dma_wait3A = arith.constant 0 : i32
      %dma_wait3A_37 = tpu.memref_slice %arg7[%add3A_12, %dma_wait3A] : memref<10240x128xf32, #tpu.memory_space<vmem_shared>> -> memref<128x128xf32, #tpu.memory_space<vmem_shared>>
      %dma_wait3A_38 = arith.constant 0 : i32
      %dma_wait3A_39 = tpu.memref_slice %arg7[%add3A_12, %dma_wait3A_38] : memref<10240x128xf32, #tpu.memory_space<vmem_shared>> -> memref<128x128xf32, #tpu.memory_space<vmem_shared>>
      tpu.wait_dma2 semaphore(%run_scoped3A : memref<!tpu.dma_semaphore, #tpu.memory_space<semaphore_mem>>) src(%arg10 : memref<128x128xf32, #tpu.memory_space<vmem>>) dst(%dma_wait3A_39 : memref<128x128xf32, #tpu.memory_space<vmem_shared>>)
      tpu.yield
    }) : () -> ()
    %add3A_13 = arith.constant 256 : i32
    %add3A_14 = arith.addi %mul3A_8, %add3A_13 : i32
    "tpu.region"() ({
      %run_scoped3A = tpu.sem_alloc : memref<!tpu.dma_semaphore, #tpu.memory_space<semaphore_mem>>
      %dma_start3A = arith.constant 0 : i32
      %dma_start3A_34 = tpu.memref_slice %arg7[%add3A_14, %dma_start3A] : memref<10240x128xf32, #tpu.memory_space<vmem_shared>> -> memref<128x128xf32, #tpu.memory_space<vmem_shared>>
      %dma_start3A_35 = arith.constant 0 : i32
      %dma_start3A_36 = tpu.memref_slice %arg7[%add3A_14, %dma_start3A_35] : memref<10240x128xf32, #tpu.memory_space<vmem_shared>> -> memref<128x128xf32, #tpu.memory_space<vmem_shared>>
      tpu.enqueue_dma source(%arg10 : memref<128x128xf32, #tpu.memory_space<vmem>>) target(%dma_start3A_36 : memref<128x128xf32, #tpu.memory_space<vmem_shared>>) target_semaphore(%run_scoped3A : memref<!tpu.dma_semaphore, #tpu.memory_space<semaphore_mem>>)
      %dma_wait3A = arith.constant 0 : i32
      %dma_wait3A_37 = tpu.memref_slice %arg7[%add3A_14, %dma_wait3A] : memref<10240x128xf32, #tpu.memory_space<vmem_shared>> -> memref<128x128xf32, #tpu.memory_space<vmem_shared>>
      %dma_wait3A_38 = arith.constant 0 : i32
      %dma_wait3A_39 = tpu.memref_slice %arg7[%add3A_14, %dma_wait3A_38] : memref<10240x128xf32, #tpu.memory_space<vmem_shared>> -> memref<128x128xf32, #tpu.memory_space<vmem_shared>>
      tpu.wait_dma2 semaphore(%run_scoped3A : memref<!tpu.dma_semaphore, #tpu.memory_space<semaphore_mem>>) src(%arg10 : memref<128x128xf32, #tpu.memory_space<vmem>>) dst(%dma_wait3A_39 : memref<128x128xf32, #tpu.memory_space<vmem_shared>>)
      tpu.yield
    }) : () -> ()
    %add3A_15 = arith.constant 384 : i32
    %add3A_16 = arith.addi %mul3A_8, %add3A_15 : i32
    "tpu.region"() ({
      %run_scoped3A = tpu.sem_alloc : memref<!tpu.dma_semaphore, #tpu.memory_space<semaphore_mem>>
      %dma_start3A = arith.constant 0 : i32
      %dma_start3A_34 = tpu.memref_slice %arg7[%add3A_16, %dma_start3A] : memref<10240x128xf32, #tpu.memory_space<vmem_shared>> -> memref<128x128xf32, #tpu.memory_space<vmem_shared>>
      %dma_start3A_35 = arith.constant 0 : i32
      %dma_start3A_36 = tpu.memref_slice %arg7[%add3A_16, %dma_start3A_35] : memref<10240x128xf32, #tpu.memory_space<vmem_shared>> -> memref<128x128xf32, #tpu.memory_space<vmem_shared>>
      tpu.enqueue_dma source(%arg10 : memref<128x128xf32, #tpu.memory_space<vmem>>) target(%dma_start3A_36 : memref<128x128xf32, #tpu.memory_space<vmem_shared>>) target_semaphore(%run_scoped3A : memref<!tpu.dma_semaphore, #tpu.memory_space<semaphore_mem>>)
      %dma_wait3A = arith.constant 0 : i32
      %dma_wait3A_37 = tpu.memref_slice %arg7[%add3A_16, %dma_wait3A] : memref<10240x128xf32, #tpu.memory_space<vmem_shared>> -> memref<128x128xf32, #tpu.memory_space<vmem_shared>>
      %dma_wait3A_38 = arith.constant 0 : i32
      %dma_wait3A_39 = tpu.memref_slice %arg7[%add3A_16, %dma_wait3A_38] : memref<10240x128xf32, #tpu.memory_space<vmem_shared>> -> memref<128x128xf32, #tpu.memory_space<vmem_shared>>
      tpu.wait_dma2 semaphore(%run_scoped3A : memref<!tpu.dma_semaphore, #tpu.memory_space<semaphore_mem>>) src(%arg10 : memref<128x128xf32, #tpu.memory_space<vmem>>) dst(%dma_wait3A_39 : memref<128x128xf32, #tpu.memory_space<vmem_shared>>)
      tpu.yield
    }) : () -> ()
    %add3A_17 = arith.constant 512 : i32
    %add3A_18 = arith.addi %mul3A_8, %add3A_17 : i32
    "tpu.region"() ({
      %run_scoped3A = tpu.sem_alloc : memref<!tpu.dma_semaphore, #tpu.memory_space<semaphore_mem>>
      %dma_start3A = arith.constant 0 : i32
      %dma_start3A_34 = tpu.memref_slice %arg7[%add3A_18, %dma_start3A] : memref<10240x128xf32, #tpu.memory_space<vmem_shared>> -> memref<128x128xf32, #tpu.memory_space<vmem_shared>>
      %dma_start3A_35 = arith.constant 0 : i32
      %dma_start3A_36 = tpu.memref_slice %arg7[%add3A_18, %dma_start3A_35] : memref<10240x128xf32, #tpu.memory_space<vmem_shared>> -> memref<128x128xf32, #tpu.memory_space<vmem_shared>>
      tpu.enqueue_dma source(%arg10 : memref<128x128xf32, #tpu.memory_space<vmem>>) target(%dma_start3A_36 : memref<128x128xf32, #tpu.memory_space<vmem_shared>>) target_semaphore(%run_scoped3A : memref<!tpu.dma_semaphore, #tpu.memory_space<semaphore_mem>>)
      %dma_wait3A = arith.constant 0 : i32
      %dma_wait3A_37 = tpu.memref_slice %arg7[%add3A_18, %dma_wait3A] : memref<10240x128xf32, #tpu.memory_space<vmem_shared>> -> memref<128x128xf32, #tpu.memory_space<vmem_shared>>
      %dma_wait3A_38 = arith.constant 0 : i32
      %dma_wait3A_39 = tpu.memref_slice %arg7[%add3A_18, %dma_wait3A_38] : memref<10240x128xf32, #tpu.memory_space<vmem_shared>> -> memref<128x128xf32, #tpu.memory_space<vmem_shared>>
      tpu.wait_dma2 semaphore(%run_scoped3A : memref<!tpu.dma_semaphore, #tpu.memory_space<semaphore_mem>>) src(%arg10 : memref<128x128xf32, #tpu.memory_space<vmem>>) dst(%dma_wait3A_39 : memref<128x128xf32, #tpu.memory_space<vmem_shared>>)
      tpu.yield
    }) : () -> ()
    %barrier3A = arith.constant 0 : index
    tpu.barrier barrier_id(%barrier3A)
    %scan3A_19 = arith.constant 0 : i32
    %scan3A_20 = arith.constant 0 : i32
    %scan3A_21 = arith.constant 80 : i32
    %scan3A_22 = arith.addi %scan3A_20, %scan3A_21 : i32
    %scan3A_23 = arith.constant 1 : i32
    %scan3A_24 = scf.for %scan3A_34 = %scan3A_20 to %scan3A_22 step %scan3A_23 iter_args(%scan3A_35 = %scan3A_19) -> (i32)  : i32 {
      %mul3A_36 = arith.constant 80 : i32
      %mul3A_37 = arith.muli %add3A, %mul3A_36 : i32
      %add3A_38 = arith.addi %mul3A_37, %scan3A_34 : i32
      "tpu.region"() ({
        %run_scoped3A_61 = tpu.sem_alloc : memref<!tpu.dma_semaphore, #tpu.memory_space<semaphore_mem>>
        %dma_start3A_62 = arith.constant 0 : i32
        %dma_start3A_63 = tpu.memref_slice %arg4[%add3A_38, %dma_start3A_62] : memref<2560x128xi32, #tpu.memory_space<hbm>> -> memref<1x128xi32, #tpu.memory_space<hbm>>
        %dma_start3A_64 = arith.constant 0 : i32
        %dma_start3A_65 = tpu.memref_slice %arg4[%add3A_38, %dma_start3A_64] : memref<2560x128xi32, #tpu.memory_space<hbm>> -> memref<1x128xi32, #tpu.memory_space<hbm>>
        tpu.enqueue_dma source(%dma_start3A_65 : memref<1x128xi32, #tpu.memory_space<hbm>>) target(%arg8 : memref<1x128xi32, #tpu.memory_space<vmem>>) target_semaphore(%run_scoped3A_61 : memref<!tpu.dma_semaphore, #tpu.memory_space<semaphore_mem>>)
        %dma_wait3A_66 = arith.constant 0 : i32
        %dma_wait3A_67 = tpu.memref_slice %arg4[%add3A_38, %dma_wait3A_66] : memref<2560x128xi32, #tpu.memory_space<hbm>> -> memref<1x128xi32, #tpu.memory_space<hbm>>
        %dma_wait3A_68 = arith.constant 0 : i32
        %dma_wait3A_69 = tpu.memref_slice %arg4[%add3A_38, %dma_wait3A_68] : memref<2560x128xi32, #tpu.memory_space<hbm>> -> memref<1x128xi32, #tpu.memory_space<hbm>>
        tpu.wait_dma2 semaphore(%run_scoped3A_61 : memref<!tpu.dma_semaphore, #tpu.memory_space<semaphore_mem>>) src(%dma_wait3A_69 : memref<1x128xi32, #tpu.memory_space<hbm>>) dst(%arg8 : memref<1x128xi32, #tpu.memory_space<vmem>>)
        tpu.yield
      }) : () -> ()
      "tpu.region"() ({
        %run_scoped3A_61 = tpu.sem_alloc : memref<!tpu.dma_semaphore, #tpu.memory_space<semaphore_mem>>
        %dma_start3A_62 = arith.constant 0 : i32
        %dma_start3A_63 = tpu.memref_slice %arg5[%add3A_38, %dma_start3A_62] : memref<2560x128xi32, #tpu.memory_space<hbm>> -> memref<1x128xi32, #tpu.memory_space<hbm>>
        %dma_start3A_64 = arith.constant 0 : i32
        %dma_start3A_65 = tpu.memref_slice %arg5[%add3A_38, %dma_start3A_64] : memref<2560x128xi32, #tpu.memory_space<hbm>> -> memref<1x128xi32, #tpu.memory_space<hbm>>
        tpu.enqueue_dma source(%dma_start3A_65 : memref<1x128xi32, #tpu.memory_space<hbm>>) target(%arg9 : memref<1x128xi32, #tpu.memory_space<vmem>>) target_semaphore(%run_scoped3A_61 : memref<!tpu.dma_semaphore, #tpu.memory_space<semaphore_mem>>)
        %dma_wait3A_66 = arith.constant 0 : i32
        %dma_wait3A_67 = tpu.memref_slice %arg5[%add3A_38, %dma_wait3A_66] : memref<2560x128xi32, #tpu.memory_space<hbm>> -> memref<1x128xi32, #tpu.memory_space<hbm>>
        %dma_wait3A_68 = arith.constant 0 : i32
        %dma_wait3A_69 = tpu.memref_slice %arg5[%add3A_38, %dma_wait3A_68] : memref<2560x128xi32, #tpu.memory_space<hbm>> -> memref<1x128xi32, #tpu.memory_space<hbm>>
        tpu.wait_dma2 semaphore(%run_scoped3A_61 : memref<!tpu.dma_semaphore, #tpu.memory_space<semaphore_mem>>) src(%dma_wait3A_69 : memref<1x128xi32, #tpu.memory_space<hbm>>) dst(%arg9 : memref<1x128xi32, #tpu.memory_space<vmem>>)
        tpu.yield
      }) : () -> ()
      %dma_start3A = arith.constant 0 : i32
      %dma_start3A_39 = arith.constant 0 : i32
      %dma_start3A_40 = tpu.memref_slice %arg8[%dma_start3A, %dma_start3A_39] : memref<1x128xi32, #tpu.memory_space<vmem>> -> memref<1x128xi32, #tpu.memory_space<vmem>>
      %dma_start3A_41 = tpu.memref_squeeze %dma_start3A_40 : memref<1x128xi32, #tpu.memory_space<vmem>> -> memref<128xi32, #tpu.memory_space<vmem>>
      %dma_start3A_42 = arith.constant 0 : i32
      %dma_start3A_43 = arith.constant 0 : i32
      %dma_start3A_44 = tpu.memref_slice %arg2[%dma_start3A_42, %dma_start3A_43] : memref<10000x128xf32, #tpu.memory_space<hbm>> -> memref<10000x128xf32, #tpu.memory_space<hbm>>
      tpu.enqueue_indirect_dma source(%dma_start3A_44 : memref<10000x128xf32, #tpu.memory_space<hbm>>) target(%arg10 : memref<128x128xf32, #tpu.memory_space<vmem>>) offsets(%dma_start3A_41 : memref<128xi32, #tpu.memory_space<vmem>>) semaphore(%arg12 : memref<!tpu.dma_semaphore, #tpu.memory_space<semaphore_mem>>)
      %mul3A_45 = arith.constant 128 : i32
      %mul3A_46 = arith.muli %add3A_38, %mul3A_45 : i32
      "tpu.region"() ({
        %run_scoped3A_61 = tpu.sem_alloc : memref<!tpu.dma_semaphore, #tpu.memory_space<semaphore_mem>>
        %dma_start3A_62 = arith.constant 0 : i32
        %dma_start3A_63 = tpu.memref_slice %arg3[%mul3A_46, %dma_start3A_62] : memref<327680x128xf32, #tpu.memory_space<hbm>> -> memref<128x128xf32, #tpu.memory_space<hbm>>
        %dma_start3A_64 = arith.constant 0 : i32
        %dma_start3A_65 = tpu.memref_slice %arg3[%mul3A_46, %dma_start3A_64] : memref<327680x128xf32, #tpu.memory_space<hbm>> -> memref<128x128xf32, #tpu.memory_space<hbm>>
        tpu.enqueue_dma source(%dma_start3A_65 : memref<128x128xf32, #tpu.memory_space<hbm>>) target(%arg11 : memref<128x128xf32, #tpu.memory_space<vmem>>) target_semaphore(%run_scoped3A_61 : memref<!tpu.dma_semaphore, #tpu.memory_space<semaphore_mem>>)
        %dma_wait3A_66 = arith.constant 0 : i32
        %dma_wait3A_67 = tpu.memref_slice %arg3[%mul3A_46, %dma_wait3A_66] : memref<327680x128xf32, #tpu.memory_space<hbm>> -> memref<128x128xf32, #tpu.memory_space<hbm>>
        %dma_wait3A_68 = arith.constant 0 : i32
        %dma_wait3A_69 = tpu.memref_slice %arg3[%mul3A_46, %dma_wait3A_68] : memref<327680x128xf32, #tpu.memory_space<hbm>> -> memref<128x128xf32, #tpu.memory_space<hbm>>
        tpu.wait_dma2 semaphore(%run_scoped3A_61 : memref<!tpu.dma_semaphore, #tpu.memory_space<semaphore_mem>>) src(%dma_wait3A_69 : memref<128x128xf32, #tpu.memory_space<hbm>>) dst(%arg11 : memref<128x128xf32, #tpu.memory_space<vmem>>)
        tpu.yield
      }) : () -> ()
      %dma_wait3A = arith.constant 0 : i32
      %dma_wait3A_47 = arith.constant 0 : i32
      %dma_wait3A_48 = tpu.memref_slice %arg8[%dma_wait3A, %dma_wait3A_47] : memref<1x128xi32, #tpu.memory_space<vmem>> -> memref<1x128xi32, #tpu.memory_space<vmem>>
      %dma_wait3A_49 = tpu.memref_squeeze %dma_wait3A_48 : memref<1x128xi32, #tpu.memory_space<vmem>> -> memref<128xi32, #tpu.memory_space<vmem>>
      %dma_wait3A_50 = arith.constant 0 : i32
      %dma_wait3A_51 = arith.constant 0 : i32
      %dma_wait3A_52 = tpu.memref_slice %arg2[%dma_wait3A_50, %dma_wait3A_51] : memref<10000x128xf32, #tpu.memory_space<hbm>> -> memref<10000x128xf32, #tpu.memory_space<hbm>>
      tpu.wait_indirect_dma semaphore(%arg12 : memref<!tpu.dma_semaphore, #tpu.memory_space<semaphore_mem>>) src(%dma_wait3A_52 : memref<10000x128xf32, #tpu.memory_space<hbm>>) dst(%arg10 : memref<128x128xf32, #tpu.memory_space<vmem>>)
      %scan3A_53 = arith.constant 0 : i32
      %scan3A_54 = arith.constant 0 : i32
      %scan3A_55 = arith.constant 128 : i32
      %scan3A_56 = arith.addi %scan3A_54, %scan3A_55 : i32
      %scan3A_57 = arith.constant 1 : i32
      %scan3A_58 = scf.for %scan3A_61 = %scan3A_54 to %scan3A_56 step %scan3A_57 iter_args(%scan3A_62 = %scan3A_53) -> (i32)  : i32 {
        %get3A = arith.index_cast %scan3A_61 : i32 to index
        %get3A_63 = arith.constant 0 : index
        %get3A_64 = tpu.vector_load %arg10[%get3A, %get3A_63] {strides = array<i32>} : memref<128x128xf32, #tpu.memory_space<vmem>>, vector<1x16xf32>,
        %get3A_65 = vector.shape_cast %get3A_64 : vector<1x16xf32> to vector<16xf32>
        %get3A_66 = arith.index_cast %scan3A_61 : i32 to index
        %get3A_67 = arith.constant 0 : index
        %get3A_68 = tpu.vector_load %arg11[%get3A_66, %get3A_67] {strides = array<i32>} : memref<128x128xf32, #tpu.memory_space<vmem>>, vector<1x16xf32>,
        %get3A_69 = vector.shape_cast %get3A_68 : vector<1x16xf32> to vector<16xf32>
        %add3A_70 = arith.addf %get3A_65, %get3A_69 : vector<16xf32>
        %max3A = arith.constant 0.000000e+00 : f32
        %max3A_71 = vector.broadcast %max3A : f32 to vector<16xf32>
        %max3A_72 = arith.maximumf %add3A_70, %max3A_71 : vector<16xf32>
        %swap3A = arith.index_cast %scan3A_61 : i32 to index
        %swap3A_73 = arith.constant 0 : index
        %swap3A_74 = tpu.vector_load %arg10[%swap3A, %swap3A_73] {strides = array<i32>} : memref<128x128xf32, #tpu.memory_space<vmem>>, vector<1x16xf32>,
        %swap3A_75 = vector.shape_cast %swap3A_74 : vector<1x16xf32> to vector<16xf32>
        %swap3A_76 = vector.shape_cast %max3A_72 : vector<16xf32> to vector<1x16xf32>
        tpu.vector_store %arg10[%swap3A, %swap3A_73], %swap3A_76 {strides = array<i32>} : memref<128x128xf32, #tpu.memory_space<vmem>>, vector<1x16xf32>,
        %get3A_77 = arith.index_cast %scan3A_61 : i32 to index
        %get3A_78 = arith.constant 16 : index
        %get3A_79 = tpu.vector_load %arg10[%get3A_77, %get3A_78] {strides = array<i32>} : memref<128x128xf32, #tpu.memory_space<vmem>>, vector<1x16xf32>,
        %get3A_80 = vector.shape_cast %get3A_79 : vector<1x16xf32> to vector<16xf32>
        %get3A_81 = arith.index_cast %scan3A_61 : i32 to index
        %get3A_82 = arith.constant 16 : index
        %get3A_83 = tpu.vector_load %arg11[%get3A_81, %get3A_82] {strides = array<i32>} : memref<128x128xf32, #tpu.memory_space<vmem>>, vector<1x16xf32>,
        %get3A_84 = vector.shape_cast %get3A_83 : vector<1x16xf32> to vector<16xf32>
        %add3A_85 = arith.addf %get3A_80, %get3A_84 : vector<16xf32>
        %max3A_86 = arith.constant 0.000000e+00 : f32
        %max3A_87 = vector.broadcast %max3A_86 : f32 to vector<16xf32>
        %max3A_88 = arith.maximumf %add3A_85, %max3A_87 : vector<16xf32>
        %swap3A_89 = arith.index_cast %scan3A_61 : i32 to index
        %swap3A_90 = arith.constant 16 : index
        %swap3A_91 = tpu.vector_load %arg10[%swap3A_89, %swap3A_90] {strides = array<i32>} : memref<128x128xf32, #tpu.memory_space<vmem>>, vector<1x16xf32>,
        %swap3A_92 = vector.shape_cast %swap3A_91 : vector<1x16xf32> to vector<16xf32>
        %swap3A_93 = vector.shape_cast %max3A_88 : vector<16xf32> to vector<1x16xf32>
        tpu.vector_store %arg10[%swap3A_89, %swap3A_90], %swap3A_93 {strides = array<i32>} : memref<128x128xf32, #tpu.memory_space<vmem>>, vector<1x16xf32>,
        %get3A_94 = arith.index_cast %scan3A_61 : i32 to index
        %get3A_95 = arith.constant 32 : index
        %get3A_96 = tpu.vector_load %arg10[%get3A_94, %get3A_95] {strides = array<i32>} : memref<128x128xf32, #tpu.memory_space<vmem>>, vector<1x16xf32>,
        %get3A_97 = vector.shape_cast %get3A_96 : vector<1x16xf32> to vector<16xf32>
        %get3A_98 = arith.index_cast %scan3A_61 : i32 to index
        %get3A_99 = arith.constant 32 : index
        %get3A_100 = tpu.vector_load %arg11[%get3A_98, %get3A_99] {strides = array<i32>} : memref<128x128xf32, #tpu.memory_space<vmem>>, vector<1x16xf32>,
        %get3A_101 = vector.shape_cast %get3A_100 : vector<1x16xf32> to vector<16xf32>
        %add3A_102 = arith.addf %get3A_97, %get3A_101 : vector<16xf32>
        %max3A_103 = arith.constant 0.000000e+00 : f32
        %max3A_104 = vector.broadcast %max3A_103 : f32 to vector<16xf32>
        %max3A_105 = arith.maximumf %add3A_102, %max3A_104 : vector<16xf32>
        %swap3A_106 = arith.index_cast %scan3A_61 : i32 to index
        %swap3A_107 = arith.constant 32 : index
        %swap3A_108 = tpu.vector_load %arg10[%swap3A_106, %swap3A_107] {strides = array<i32>} : memref<128x128xf32, #tpu.memory_space<vmem>>, vector<1x16xf32>,
        %swap3A_109 = vector.shape_cast %swap3A_108 : vector<1x16xf32> to vector<16xf32>
        %swap3A_110 = vector.shape_cast %max3A_105 : vector<16xf32> to vector<1x16xf32>
        tpu.vector_store %arg10[%swap3A_106, %swap3A_107], %swap3A_110 {strides = array<i32>} : memref<128x128xf32, #tpu.memory_space<vmem>>, vector<1x16xf32>,
        %get3A_111 = arith.index_cast %scan3A_61 : i32 to index
        %get3A_112 = arith.constant 48 : index
        %get3A_113 = tpu.vector_load %arg10[%get3A_111, %get3A_112] {strides = array<i32>} : memref<128x128xf32, #tpu.memory_space<vmem>>, vector<1x16xf32>,
        %get3A_114 = vector.shape_cast %get3A_113 : vector<1x16xf32> to vector<16xf32>
        %get3A_115 = arith.index_cast %scan3A_61 : i32 to index
        %get3A_116 = arith.constant 48 : index
        %get3A_117 = tpu.vector_load %arg11[%get3A_115, %get3A_116] {strides = array<i32>} : memref<128x128xf32, #tpu.memory_space<vmem>>, vector<1x16xf32>,
        %get3A_118 = vector.shape_cast %get3A_117 : vector<1x16xf32> to vector<16xf32>
        %add3A_119 = arith.addf %get3A_114, %get3A_118 : vector<16xf32>
        %max3A_120 = arith.constant 0.000000e+00 : f32
        %max3A_121 = vector.broadcast %max3A_120 : f32 to vector<16xf32>
        %max3A_122 = arith.maximumf %add3A_119, %max3A_121 : vector<16xf32>
        %swap3A_123 = arith.index_cast %scan3A_61 : i32 to index
        %swap3A_124 = arith.constant 48 : index
        %swap3A_125 = tpu.vector_load %arg10[%swap3A_123, %swap3A_124] {strides = array<i32>} : memref<128x128xf32, #tpu.memory_space<vmem>>, vector<1x16xf32>,
        %swap3A_126 = vector.shape_cast %swap3A_125 : vector<1x16xf32> to vector<16xf32>
        %swap3A_127 = vector.shape_cast %max3A_122 : vector<16xf32> to vector<1x16xf32>
        tpu.vector_store %arg10[%swap3A_123, %swap3A_124], %swap3A_127 {strides = array<i32>} : memref<128x128xf32, #tpu.memory_space<vmem>>, vector<1x16xf32>,
        %get3A_128 = arith.index_cast %scan3A_61 : i32 to index
        %get3A_129 = arith.constant 64 : index
        %get3A_130 = tpu.vector_load %arg10[%get3A_128, %get3A_129] {strides = array<i32>} : memref<128x128xf32, #tpu.memory_space<vmem>>, vector<1x16xf32>,
        %get3A_131 = vector.shape_cast %get3A_130 : vector<1x16xf32> to vector<16xf32>
        %get3A_132 = arith.index_cast %scan3A_61 : i32 to index
        %get3A_133 = arith.constant 64 : index
        %get3A_134 = tpu.vector_load %arg11[%get3A_132, %get3A_133] {strides = array<i32>} : memref<128x128xf32, #tpu.memory_space<vmem>>, vector<1x16xf32>,
        %get3A_135 = vector.shape_cast %get3A_134 : vector<1x16xf32> to vector<16xf32>
        %add3A_136 = arith.addf %get3A_131, %get3A_135 : vector<16xf32>
        %max3A_137 = arith.constant 0.000000e+00 : f32
        %max3A_138 = vector.broadcast %max3A_137 : f32 to vector<16xf32>
        %max3A_139 = arith.maximumf %add3A_136, %max3A_138 : vector<16xf32>
        %swap3A_140 = arith.index_cast %scan3A_61 : i32 to index
        %swap3A_141 = arith.constant 64 : index
        %swap3A_142 = tpu.vector_load %arg10[%swap3A_140, %swap3A_141] {strides = array<i32>} : memref<128x128xf32, #tpu.memory_space<vmem>>, vector<1x16xf32>,
        %swap3A_143 = vector.shape_cast %swap3A_142 : vector<1x16xf32> to vector<16xf32>
        %swap3A_144 = vector.shape_cast %max3A_139 : vector<16xf32> to vector<1x16xf32>
        tpu.vector_store %arg10[%swap3A_140, %swap3A_141], %swap3A_144 {strides = array<i32>} : memref<128x128xf32, #tpu.memory_space<vmem>>, vector<1x16xf32>,
        %get3A_145 = arith.index_cast %scan3A_61 : i32 to index
        %get3A_146 = arith.constant 80 : index
        %get3A_147 = tpu.vector_load %arg10[%get3A_145, %get3A_146] {strides = array<i32>} : memref<128x128xf32, #tpu.memory_space<vmem>>, vector<1x16xf32>,
        %get3A_148 = vector.shape_cast %get3A_147 : vector<1x16xf32> to vector<16xf32>
        %get3A_149 = arith.index_cast %scan3A_61 : i32 to index
        %get3A_150 = arith.constant 80 : index
        %get3A_151 = tpu.vector_load %arg11[%get3A_149, %get3A_150] {strides = array<i32>} : memref<128x128xf32, #tpu.memory_space<vmem>>, vector<1x16xf32>,
        %get3A_152 = vector.shape_cast %get3A_151 : vector<1x16xf32> to vector<16xf32>
        %add3A_153 = arith.addf %get3A_148, %get3A_152 : vector<16xf32>
        %max3A_154 = arith.constant 0.000000e+00 : f32
        %max3A_155 = vector.broadcast %max3A_154 : f32 to vector<16xf32>
        %max3A_156 = arith.maximumf %add3A_153, %max3A_155 : vector<16xf32>
        %swap3A_157 = arith.index_cast %scan3A_61 : i32 to index
        %swap3A_158 = arith.constant 80 : index
        %swap3A_159 = tpu.vector_load %arg10[%swap3A_157, %swap3A_158] {strides = array<i32>} : memref<128x128xf32, #tpu.memory_space<vmem>>, vector<1x16xf32>,
        %swap3A_160 = vector.shape_cast %swap3A_159 : vector<1x16xf32> to vector<16xf32>
        %swap3A_161 = vector.shape_cast %max3A_156 : vector<16xf32> to vector<1x16xf32>
        tpu.vector_store %arg10[%swap3A_157, %swap3A_158], %swap3A_161 {strides = array<i32>} : memref<128x128xf32, #tpu.memory_space<vmem>>, vector<1x16xf32>,
        %get3A_162 = arith.index_cast %scan3A_61 : i32 to index
        %get3A_163 = arith.constant 96 : index
        %get3A_164 = tpu.vector_load %arg10[%get3A_162, %get3A_163] {strides = array<i32>} : memref<128x128xf32, #tpu.memory_space<vmem>>, vector<1x16xf32>,
        %get3A_165 = vector.shape_cast %get3A_164 : vector<1x16xf32> to vector<16xf32>
        %get3A_166 = arith.index_cast %scan3A_61 : i32 to index
        %get3A_167 = arith.constant 96 : index
        %get3A_168 = tpu.vector_load %arg11[%get3A_166, %get3A_167] {strides = array<i32>} : memref<128x128xf32, #tpu.memory_space<vmem>>, vector<1x16xf32>,
        %get3A_169 = vector.shape_cast %get3A_168 : vector<1x16xf32> to vector<16xf32>
        %add3A_170 = arith.addf %get3A_165, %get3A_169 : vector<16xf32>
        %max3A_171 = arith.constant 0.000000e+00 : f32
        %max3A_172 = vector.broadcast %max3A_171 : f32 to vector<16xf32>
        %max3A_173 = arith.maximumf %add3A_170, %max3A_172 : vector<16xf32>
        %swap3A_174 = arith.index_cast %scan3A_61 : i32 to index
        %swap3A_175 = arith.constant 96 : index
        %swap3A_176 = tpu.vector_load %arg10[%swap3A_174, %swap3A_175] {strides = array<i32>} : memref<128x128xf32, #tpu.memory_space<vmem>>, vector<1x16xf32>,
        %swap3A_177 = vector.shape_cast %swap3A_176 : vector<1x16xf32> to vector<16xf32>
        %swap3A_178 = vector.shape_cast %max3A_173 : vector<16xf32> to vector<1x16xf32>
        tpu.vector_store %arg10[%swap3A_174, %swap3A_175], %swap3A_178 {strides = array<i32>} : memref<128x128xf32, #tpu.memory_space<vmem>>, vector<1x16xf32>,
        %get3A_179 = arith.index_cast %scan3A_61 : i32 to index
        %get3A_180 = arith.constant 112 : index
        %get3A_181 = tpu.vector_load %arg10[%get3A_179, %get3A_180] {strides = array<i32>} : memref<128x128xf32, #tpu.memory_space<vmem>>, vector<1x16xf32>,
        %get3A_182 = vector.shape_cast %get3A_181 : vector<1x16xf32> to vector<16xf32>
        %get3A_183 = arith.index_cast %scan3A_61 : i32 to index
        %get3A_184 = arith.constant 112 : index
        %get3A_185 = tpu.vector_load %arg11[%get3A_183, %get3A_184] {strides = array<i32>} : memref<128x128xf32, #tpu.memory_space<vmem>>, vector<1x16xf32>,
        %get3A_186 = vector.shape_cast %get3A_185 : vector<1x16xf32> to vector<16xf32>
        %add3A_187 = arith.addf %get3A_182, %get3A_186 : vector<16xf32>
        %max3A_188 = arith.constant 0.000000e+00 : f32
        %max3A_189 = vector.broadcast %max3A_188 : f32 to vector<16xf32>
        %max3A_190 = arith.maximumf %add3A_187, %max3A_189 : vector<16xf32>
        %swap3A_191 = arith.index_cast %scan3A_61 : i32 to index
        %swap3A_192 = arith.constant 112 : index
        %swap3A_193 = tpu.vector_load %arg10[%swap3A_191, %swap3A_192] {strides = array<i32>} : memref<128x128xf32, #tpu.memory_space<vmem>>, vector<1x16xf32>,
        %swap3A_194 = vector.shape_cast %swap3A_193 : vector<1x16xf32> to vector<16xf32>
        %swap3A_195 = vector.shape_cast %max3A_190 : vector<16xf32> to vector<1x16xf32>
        tpu.vector_store %arg10[%swap3A_191, %swap3A_192], %swap3A_195 {strides = array<i32>} : memref<128x128xf32, #tpu.memory_space<vmem>>, vector<1x16xf32>,
        %scan3A_196 = arith.constant 0 : i32
        scf.yield %scan3A_196 : i32
      }
      %scan3A_59 = arith.constant 128 : i32
      %run_scoped3A = arith.constant 0 : i32
      "tpu.region"() ({
        %run_scoped3A_61 = tpu.sem_alloc : memref<!tpu.dma_semaphore, #tpu.memory_space<semaphore_mem>>
        %dma_start3A_62 = arith.constant 0 : i32
        %dma_start3A_63 = tpu.memref_slice %arg9[%run_scoped3A, %dma_start3A_62] : memref<1x128xi32, #tpu.memory_space<vmem>> -> memref<1x128xi32, #tpu.memory_space<vmem>>
        %dma_start3A_64 = tpu.memref_squeeze %dma_start3A_63 : memref<1x128xi32, #tpu.memory_space<vmem>> -> memref<128xi32, #tpu.memory_space<vmem>>
        %dma_start3A_65 = arith.constant 0 : i32
        %dma_start3A_66 = arith.constant 0 : i32
        %dma_start3A_67 = tpu.memref_slice %arg7[%dma_start3A_65, %dma_start3A_66] : memref<10240x128xf32, #tpu.memory_space<vmem_shared>> -> memref<10240x128xf32, #tpu.memory_space<vmem_shared>>
        tpu.enqueue_indirect_dma source(%arg10 : memref<128x128xf32, #tpu.memory_space<vmem>>) target(%dma_start3A_67 : memref<10240x128xf32, #tpu.memory_space<vmem_shared>>) offsets(%dma_start3A_64 : memref<128xi32, #tpu.memory_space<vmem>>) semaphore(%run_scoped3A_61 : memref<!tpu.dma_semaphore, #tpu.memory_space<semaphore_mem>>) {add = true}
        %dma_wait3A_68 = arith.constant 0 : i32
        %dma_wait3A_69 = tpu.memref_slice %arg9[%run_scoped3A, %dma_wait3A_68] : memref<1x128xi32, #tpu.memory_space<vmem>> -> memref<1x128xi32, #tpu.memory_space<vmem>>
        %dma_wait3A_70 = tpu.memref_squeeze %dma_wait3A_69 : memref<1x128xi32, #tpu.memory_space<vmem>> -> memref<128xi32, #tpu.memory_space<vmem>>
        %dma_wait3A_71 = arith.constant 0 : i32
        %dma_wait3A_72 = arith.constant 0 : i32
        %dma_wait3A_73 = tpu.memref_slice %arg7[%dma_wait3A_71, %dma_wait3A_72] : memref<10240x128xf32, #tpu.memory_space<vmem_shared>> -> memref<10240x128xf32, #tpu.memory_space<vmem_shared>>
        tpu.wait_indirect_dma semaphore(%run_scoped3A_61 : memref<!tpu.dma_semaphore, #tpu.memory_space<semaphore_mem>>) src(%arg10 : memref<128x128xf32, #tpu.memory_space<vmem>>) dst(%dma_wait3A_73 : memref<10240x128xf32, #tpu.memory_space<vmem_shared>>)
        tpu.yield
      }) : () -> ()
      %scan3A_60 = arith.constant 0 : i32
      scf.yield %scan3A_60 : i32
    }
    %scan3A_25 = arith.constant 80 : i32
    %barrier3A_26 = arith.constant 0 : index
    tpu.barrier barrier_id(%barrier3A_26)
    %mul3A_27 = arith.constant 640 : i32
    %mul3A_28 = arith.muli %arg1, %mul3A_27 : i32
    %mul3A_29 = arith.constant 10240 : i32
    %mul3A_30 = arith.muli %arg0, %mul3A_29 : i32
    %mul3A_31 = arith.constant 640 : i32
    %mul3A_32 = arith.muli %arg1, %mul3A_31 : i32
    %add3A_33 = arith.addi %mul3A_30, %mul3A_32 : i32
    "tpu.region"() ({
      %run_scoped3A = tpu.sem_alloc : memref<!tpu.dma_semaphore, #tpu.memory_space<semaphore_mem>>
      %dma_start3A = arith.constant 0 : i32
      %dma_start3A_34 = tpu.memref_slice %arg6[%add3A_33, %dma_start3A] : memref<20480x128xf32, #tpu.memory_space<hbm>> -> memref<640x128xf32, #tpu.memory_space<hbm>>
      %dma_start3A_35 = arith.constant 0 : i32
      %dma_start3A_36 = tpu.memref_slice %arg7[%mul3A_28, %dma_start3A_35] : memref<10240x128xf32, #tpu.memory_space<vmem_shared>> -> memref<640x128xf32, #tpu.memory_space<vmem_shared>>
      tpu.enqueue_dma source(%dma_start3A_36 : memref<640x128xf32, #tpu.memory_space<vmem_shared>>) target(%dma_start3A_34 : memref<640x128xf32, #tpu.memory_space<hbm>>) target_semaphore(%run_scoped3A : memref<!tpu.dma_semaphore, #tpu.memory_space<semaphore_mem>>)
      %dma_wait3A = arith.constant 0 : i32
      %dma_wait3A_37 = tpu.memref_slice %arg6[%add3A_33, %dma_wait3A] : memref<20480x128xf32, #tpu.memory_space<hbm>> -> memref<640x128xf32, #tpu.memory_space<hbm>>
      %dma_wait3A_38 = arith.constant 0 : i32
      %dma_wait3A_39 = tpu.memref_slice %arg7[%mul3A_28, %dma_wait3A_38] : memref<10240x128xf32, #tpu.memory_space<vmem_shared>> -> memref<640x128xf32, #tpu.memory_space<vmem_shared>>
      tpu.wait_dma2 semaphore(%run_scoped3A : memref<!tpu.dma_semaphore, #tpu.memory_space<semaphore_mem>>) src(%dma_wait3A_39 : memref<640x128xf32, #tpu.memory_space<vmem_shared>>) dst(%dma_wait3A_37 : memref<640x128xf32, #tpu.memory_space<hbm>>)
      tpu.yield
    }) : () -> ()
    return
  }
}

#map = affine_map<(d0, d1) -> (0, 0)>
module attributes {stable_mosaic.version = 14 : i64} {
  func.func @_sc_msgpass_body(%arg0: i32, %arg1: i32, %arg2: memref<10000x128xf32, #tpu.memory_space<hbm>>, %arg3: memref<327680x128xf32, #tpu.memory_space<hbm>>, %arg4: memref<2560x128xi32, #tpu.memory_space<hbm>>, %arg5: memref<2560x128xi32, #tpu.memory_space<hbm>>, %arg6: memref<20480x128xf32, #tpu.memory_space<hbm>>, %arg7: memref<10240x128xf32, #tpu.memory_space<vmem_shared>>, %arg8: memref<1x128xi32, #tpu.memory_space<vmem>>, %arg9: memref<1x128xi32, #tpu.memory_space<vmem>>, %arg10: memref<128x128xf32, #tpu.memory_space<vmem>>, %arg11: memref<128x128xf32, #tpu.memory_space<vmem>>, %arg12: memref<!tpu.dma_semaphore, #tpu.memory_space<semaphore_mem>>) attributes {dimension_semantics = [#tpu.dimension_semantics<core_parallel>, #tpu.dimension_semantics<subcore_parallel>], iteration_bounds = array<i64: 2, 16>, scalar_prefetch = 0 : i64, scratch_operands = 6 : i64, tpu.core_type = #tpu.core_type<sc_vector_subcore>, window_params = [{transform_indices = #map}, {transform_indices = #map}, {transform_indices = #map}, {transform_indices = #map}, {transform_indices = #map}]} {
    %mul3A = arith.constant 16 : i32
    %mul3A_0 = arith.muli %arg0, %mul3A : i32
    %add3A = arith.addi %mul3A_0, %arg1 : i32
    %scan3A = arith.constant 0 : i32
    %scan3A_1 = arith.constant 0 : i32
    %scan3A_2 = arith.constant 128 : i32
    %scan3A_3 = arith.addi %scan3A_1, %scan3A_2 : i32
    %scan3A_4 = arith.constant 1 : i32
    %scan3A_5 = scf.for %scan3A_34 = %scan3A_1 to %scan3A_3 step %scan3A_4 iter_args(%scan3A_35 = %scan3A) -> (i32)  : i32 {
      %broadcast_in_dim3A = arith.constant 0.000000e+00 : f32
      %broadcast_in_dim3A_36 = vector.broadcast %broadcast_in_dim3A : f32 to vector<16xf32>
      %swap3A = arith.index_cast %scan3A_34 : i32 to index
      %swap3A_37 = arith.constant 0 : index
      %swap3A_38 = tpu.vector_load %arg10[%swap3A, %swap3A_37] {strides = array<i32>} : memref<128x128xf32, #tpu.memory_space<vmem>>, vector<1x16xf32>,
      %swap3A_39 = vector.shape_cast %swap3A_38 : vector<1x16xf32> to vector<16xf32>
      %swap3A_40 = vector.shape_cast %broadcast_in_dim3A_36 : vector<16xf32> to vector<1x16xf32>
      tpu.vector_store %arg10[%swap3A, %swap3A_37], %swap3A_40 {strides = array<i32>} : memref<128x128xf32, #tpu.memory_space<vmem>>, vector<1x16xf32>,
      %broadcast_in_dim3A_41 = arith.constant 0.000000e+00 : f32
      %broadcast_in_dim3A_42 = vector.broadcast %broadcast_in_dim3A_41 : f32 to vector<16xf32>
      %swap3A_43 = arith.index_cast %scan3A_34 : i32 to index
      %swap3A_44 = arith.constant 16 : index
      %swap3A_45 = tpu.vector_load %arg10[%swap3A_43, %swap3A_44] {strides = array<i32>} : memref<128x128xf32, #tpu.memory_space<vmem>>, vector<1x16xf32>,
      %swap3A_46 = vector.shape_cast %swap3A_45 : vector<1x16xf32> to vector<16xf32>
      %swap3A_47 = vector.shape_cast %broadcast_in_dim3A_42 : vector<16xf32> to vector<1x16xf32>
      tpu.vector_store %arg10[%swap3A_43, %swap3A_44], %swap3A_47 {strides = array<i32>} : memref<128x128xf32, #tpu.memory_space<vmem>>, vector<1x16xf32>,
      %broadcast_in_dim3A_48 = arith.constant 0.000000e+00 : f32
      %broadcast_in_dim3A_49 = vector.broadcast %broadcast_in_dim3A_48 : f32 to vector<16xf32>
      %swap3A_50 = arith.index_cast %scan3A_34 : i32 to index
      %swap3A_51 = arith.constant 32 : index
      %swap3A_52 = tpu.vector_load %arg10[%swap3A_50, %swap3A_51] {strides = array<i32>} : memref<128x128xf32, #tpu.memory_space<vmem>>, vector<1x16xf32>,
      %swap3A_53 = vector.shape_cast %swap3A_52 : vector<1x16xf32> to vector<16xf32>
      %swap3A_54 = vector.shape_cast %broadcast_in_dim3A_49 : vector<16xf32> to vector<1x16xf32>
      tpu.vector_store %arg10[%swap3A_50, %swap3A_51], %swap3A_54 {strides = array<i32>} : memref<128x128xf32, #tpu.memory_space<vmem>>, vector<1x16xf32>,
      %broadcast_in_dim3A_55 = arith.constant 0.000000e+00 : f32
      %broadcast_in_dim3A_56 = vector.broadcast %broadcast_in_dim3A_55 : f32 to vector<16xf32>
      %swap3A_57 = arith.index_cast %scan3A_34 : i32 to index
      %swap3A_58 = arith.constant 48 : index
      %swap3A_59 = tpu.vector_load %arg10[%swap3A_57, %swap3A_58] {strides = array<i32>} : memref<128x128xf32, #tpu.memory_space<vmem>>, vector<1x16xf32>,
      %swap3A_60 = vector.shape_cast %swap3A_59 : vector<1x16xf32> to vector<16xf32>
      %swap3A_61 = vector.shape_cast %broadcast_in_dim3A_56 : vector<16xf32> to vector<1x16xf32>
      tpu.vector_store %arg10[%swap3A_57, %swap3A_58], %swap3A_61 {strides = array<i32>} : memref<128x128xf32, #tpu.memory_space<vmem>>, vector<1x16xf32>,
      %broadcast_in_dim3A_62 = arith.constant 0.000000e+00 : f32
      %broadcast_in_dim3A_63 = vector.broadcast %broadcast_in_dim3A_62 : f32 to vector<16xf32>
      %swap3A_64 = arith.index_cast %scan3A_34 : i32 to index
      %swap3A_65 = arith.constant 64 : index
      %swap3A_66 = tpu.vector_load %arg10[%swap3A_64, %swap3A_65] {strides = array<i32>} : memref<128x128xf32, #tpu.memory_space<vmem>>, vector<1x16xf32>,
      %swap3A_67 = vector.shape_cast %swap3A_66 : vector<1x16xf32> to vector<16xf32>
      %swap3A_68 = vector.shape_cast %broadcast_in_dim3A_63 : vector<16xf32> to vector<1x16xf32>
      tpu.vector_store %arg10[%swap3A_64, %swap3A_65], %swap3A_68 {strides = array<i32>} : memref<128x128xf32, #tpu.memory_space<vmem>>, vector<1x16xf32>,
      %broadcast_in_dim3A_69 = arith.constant 0.000000e+00 : f32
      %broadcast_in_dim3A_70 = vector.broadcast %broadcast_in_dim3A_69 : f32 to vector<16xf32>
      %swap3A_71 = arith.index_cast %scan3A_34 : i32 to index
      %swap3A_72 = arith.constant 80 : index
      %swap3A_73 = tpu.vector_load %arg10[%swap3A_71, %swap3A_72] {strides = array<i32>} : memref<128x128xf32, #tpu.memory_space<vmem>>, vector<1x16xf32>,
      %swap3A_74 = vector.shape_cast %swap3A_73 : vector<1x16xf32> to vector<16xf32>
      %swap3A_75 = vector.shape_cast %broadcast_in_dim3A_70 : vector<16xf32> to vector<1x16xf32>
      tpu.vector_store %arg10[%swap3A_71, %swap3A_72], %swap3A_75 {strides = array<i32>} : memref<128x128xf32, #tpu.memory_space<vmem>>, vector<1x16xf32>,
      %broadcast_in_dim3A_76 = arith.constant 0.000000e+00 : f32
      %broadcast_in_dim3A_77 = vector.broadcast %broadcast_in_dim3A_76 : f32 to vector<16xf32>
      %swap3A_78 = arith.index_cast %scan3A_34 : i32 to index
      %swap3A_79 = arith.constant 96 : index
      %swap3A_80 = tpu.vector_load %arg10[%swap3A_78, %swap3A_79] {strides = array<i32>} : memref<128x128xf32, #tpu.memory_space<vmem>>, vector<1x16xf32>,
      %swap3A_81 = vector.shape_cast %swap3A_80 : vector<1x16xf32> to vector<16xf32>
      %swap3A_82 = vector.shape_cast %broadcast_in_dim3A_77 : vector<16xf32> to vector<1x16xf32>
      tpu.vector_store %arg10[%swap3A_78, %swap3A_79], %swap3A_82 {strides = array<i32>} : memref<128x128xf32, #tpu.memory_space<vmem>>, vector<1x16xf32>,
      %broadcast_in_dim3A_83 = arith.constant 0.000000e+00 : f32
      %broadcast_in_dim3A_84 = vector.broadcast %broadcast_in_dim3A_83 : f32 to vector<16xf32>
      %swap3A_85 = arith.index_cast %scan3A_34 : i32 to index
      %swap3A_86 = arith.constant 112 : index
      %swap3A_87 = tpu.vector_load %arg10[%swap3A_85, %swap3A_86] {strides = array<i32>} : memref<128x128xf32, #tpu.memory_space<vmem>>, vector<1x16xf32>,
      %swap3A_88 = vector.shape_cast %swap3A_87 : vector<1x16xf32> to vector<16xf32>
      %swap3A_89 = vector.shape_cast %broadcast_in_dim3A_84 : vector<16xf32> to vector<1x16xf32>
      tpu.vector_store %arg10[%swap3A_85, %swap3A_86], %swap3A_89 {strides = array<i32>} : memref<128x128xf32, #tpu.memory_space<vmem>>, vector<1x16xf32>,
      %scan3A_90 = arith.constant 0 : i32
      scf.yield %scan3A_90 : i32
    }
    %scan3A_6 = arith.constant 128 : i32
    %mul3A_7 = arith.constant 640 : i32
    %mul3A_8 = arith.muli %arg1, %mul3A_7 : i32
    %add3A_9 = arith.constant 0 : i32
    %add3A_10 = arith.addi %mul3A_8, %add3A_9 : i32
    "tpu.region"() ({
      %run_scoped3A = tpu.sem_alloc : memref<!tpu.dma_semaphore, #tpu.memory_space<semaphore_mem>>
      %dma_start3A = arith.constant 0 : i32
      %dma_start3A_34 = tpu.memref_slice %arg7[%add3A_10, %dma_start3A] : memref<10240x128xf32, #tpu.memory_space<vmem_shared>> -> memref<128x128xf32, #tpu.memory_space<vmem_shared>>
      %dma_start3A_35 = arith.constant 0 : i32
      %dma_start3A_36 = tpu.memref_slice %arg7[%add3A_10, %dma_start3A_35] : memref<10240x128xf32, #tpu.memory_space<vmem_shared>> -> memref<128x128xf32, #tpu.memory_space<vmem_shared>>
      tpu.enqueue_dma source(%arg10 : memref<128x128xf32, #tpu.memory_space<vmem>>) target(%dma_start3A_36 : memref<128x128xf32, #tpu.memory_space<vmem_shared>>) target_semaphore(%run_scoped3A : memref<!tpu.dma_semaphore, #tpu.memory_space<semaphore_mem>>)
      %dma_wait3A = arith.constant 0 : i32
      %dma_wait3A_37 = tpu.memref_slice %arg7[%add3A_10, %dma_wait3A] : memref<10240x128xf32, #tpu.memory_space<vmem_shared>> -> memref<128x128xf32, #tpu.memory_space<vmem_shared>>
      %dma_wait3A_38 = arith.constant 0 : i32
      %dma_wait3A_39 = tpu.memref_slice %arg7[%add3A_10, %dma_wait3A_38] : memref<10240x128xf32, #tpu.memory_space<vmem_shared>> -> memref<128x128xf32, #tpu.memory_space<vmem_shared>>
      tpu.wait_dma2 semaphore(%run_scoped3A : memref<!tpu.dma_semaphore, #tpu.memory_space<semaphore_mem>>) src(%arg10 : memref<128x128xf32, #tpu.memory_space<vmem>>) dst(%dma_wait3A_39 : memref<128x128xf32, #tpu.memory_space<vmem_shared>>)
      tpu.yield
    }) : () -> ()
    %add3A_11 = arith.constant 128 : i32
    %add3A_12 = arith.addi %mul3A_8, %add3A_11 : i32
    "tpu.region"() ({
      %run_scoped3A = tpu.sem_alloc : memref<!tpu.dma_semaphore, #tpu.memory_space<semaphore_mem>>
      %dma_start3A = arith.constant 0 : i32
      %dma_start3A_34 = tpu.memref_slice %arg7[%add3A_12, %dma_start3A] : memref<10240x128xf32, #tpu.memory_space<vmem_shared>> -> memref<128x128xf32, #tpu.memory_space<vmem_shared>>
      %dma_start3A_35 = arith.constant 0 : i32
      %dma_start3A_36 = tpu.memref_slice %arg7[%add3A_12, %dma_start3A_35] : memref<10240x128xf32, #tpu.memory_space<vmem_shared>> -> memref<128x128xf32, #tpu.memory_space<vmem_shared>>
      tpu.enqueue_dma source(%arg10 : memref<128x128xf32, #tpu.memory_space<vmem>>) target(%dma_start3A_36 : memref<128x128xf32, #tpu.memory_space<vmem_shared>>) target_semaphore(%run_scoped3A : memref<!tpu.dma_semaphore, #tpu.memory_space<semaphore_mem>>)
      %dma_wait3A = arith.constant 0 : i32
      %dma_wait3A_37 = tpu.memref_slice %arg7[%add3A_12, %dma_wait3A] : memref<10240x128xf32, #tpu.memory_space<vmem_shared>> -> memref<128x128xf32, #tpu.memory_space<vmem_shared>>
      %dma_wait3A_38 = arith.constant 0 : i32
      %dma_wait3A_39 = tpu.memref_slice %arg7[%add3A_12, %dma_wait3A_38] : memref<10240x128xf32, #tpu.memory_space<vmem_shared>> -> memref<128x128xf32, #tpu.memory_space<vmem_shared>>
      tpu.wait_dma2 semaphore(%run_scoped3A : memref<!tpu.dma_semaphore, #tpu.memory_space<semaphore_mem>>) src(%arg10 : memref<128x128xf32, #tpu.memory_space<vmem>>) dst(%dma_wait3A_39 : memref<128x128xf32, #tpu.memory_space<vmem_shared>>)
      tpu.yield
    }) : () -> ()
    %add3A_13 = arith.constant 256 : i32
    %add3A_14 = arith.addi %mul3A_8, %add3A_13 : i32
    "tpu.region"() ({
      %run_scoped3A = tpu.sem_alloc : memref<!tpu.dma_semaphore, #tpu.memory_space<semaphore_mem>>
      %dma_start3A = arith.constant 0 : i32
      %dma_start3A_34 = tpu.memref_slice %arg7[%add3A_14, %dma_start3A] : memref<10240x128xf32, #tpu.memory_space<vmem_shared>> -> memref<128x128xf32, #tpu.memory_space<vmem_shared>>
      %dma_start3A_35 = arith.constant 0 : i32
      %dma_start3A_36 = tpu.memref_slice %arg7[%add3A_14, %dma_start3A_35] : memref<10240x128xf32, #tpu.memory_space<vmem_shared>> -> memref<128x128xf32, #tpu.memory_space<vmem_shared>>
      tpu.enqueue_dma source(%arg10 : memref<128x128xf32, #tpu.memory_space<vmem>>) target(%dma_start3A_36 : memref<128x128xf32, #tpu.memory_space<vmem_shared>>) target_semaphore(%run_scoped3A : memref<!tpu.dma_semaphore, #tpu.memory_space<semaphore_mem>>)
      %dma_wait3A = arith.constant 0 : i32
      %dma_wait3A_37 = tpu.memref_slice %arg7[%add3A_14, %dma_wait3A] : memref<10240x128xf32, #tpu.memory_space<vmem_shared>> -> memref<128x128xf32, #tpu.memory_space<vmem_shared>>
      %dma_wait3A_38 = arith.constant 0 : i32
      %dma_wait3A_39 = tpu.memref_slice %arg7[%add3A_14, %dma_wait3A_38] : memref<10240x128xf32, #tpu.memory_space<vmem_shared>> -> memref<128x128xf32, #tpu.memory_space<vmem_shared>>
      tpu.wait_dma2 semaphore(%run_scoped3A : memref<!tpu.dma_semaphore, #tpu.memory_space<semaphore_mem>>) src(%arg10 : memref<128x128xf32, #tpu.memory_space<vmem>>) dst(%dma_wait3A_39 : memref<128x128xf32, #tpu.memory_space<vmem_shared>>)
      tpu.yield
    }) : () -> ()
    %add3A_15 = arith.constant 384 : i32
    %add3A_16 = arith.addi %mul3A_8, %add3A_15 : i32
    "tpu.region"() ({
      %run_scoped3A = tpu.sem_alloc : memref<!tpu.dma_semaphore, #tpu.memory_space<semaphore_mem>>
      %dma_start3A = arith.constant 0 : i32
      %dma_start3A_34 = tpu.memref_slice %arg7[%add3A_16, %dma_start3A] : memref<10240x128xf32, #tpu.memory_space<vmem_shared>> -> memref<128x128xf32, #tpu.memory_space<vmem_shared>>
      %dma_start3A_35 = arith.constant 0 : i32
      %dma_start3A_36 = tpu.memref_slice %arg7[%add3A_16, %dma_start3A_35] : memref<10240x128xf32, #tpu.memory_space<vmem_shared>> -> memref<128x128xf32, #tpu.memory_space<vmem_shared>>
      tpu.enqueue_dma source(%arg10 : memref<128x128xf32, #tpu.memory_space<vmem>>) target(%dma_start3A_36 : memref<128x128xf32, #tpu.memory_space<vmem_shared>>) target_semaphore(%run_scoped3A : memref<!tpu.dma_semaphore, #tpu.memory_space<semaphore_mem>>)
      %dma_wait3A = arith.constant 0 : i32
      %dma_wait3A_37 = tpu.memref_slice %arg7[%add3A_16, %dma_wait3A] : memref<10240x128xf32, #tpu.memory_space<vmem_shared>> -> memref<128x128xf32, #tpu.memory_space<vmem_shared>>
      %dma_wait3A_38 = arith.constant 0 : i32
      %dma_wait3A_39 = tpu.memref_slice %arg7[%add3A_16, %dma_wait3A_38] : memref<10240x128xf32, #tpu.memory_space<vmem_shared>> -> memref<128x128xf32, #tpu.memory_space<vmem_shared>>
      tpu.wait_dma2 semaphore(%run_scoped3A : memref<!tpu.dma_semaphore, #tpu.memory_space<semaphore_mem>>) src(%arg10 : memref<128x128xf32, #tpu.memory_space<vmem>>) dst(%dma_wait3A_39 : memref<128x128xf32, #tpu.memory_space<vmem_shared>>)
      tpu.yield
    }) : () -> ()
    %add3A_17 = arith.constant 512 : i32
    %add3A_18 = arith.addi %mul3A_8, %add3A_17 : i32
    "tpu.region"() ({
      %run_scoped3A = tpu.sem_alloc : memref<!tpu.dma_semaphore, #tpu.memory_space<semaphore_mem>>
      %dma_start3A = arith.constant 0 : i32
      %dma_start3A_34 = tpu.memref_slice %arg7[%add3A_18, %dma_start3A] : memref<10240x128xf32, #tpu.memory_space<vmem_shared>> -> memref<128x128xf32, #tpu.memory_space<vmem_shared>>
      %dma_start3A_35 = arith.constant 0 : i32
      %dma_start3A_36 = tpu.memref_slice %arg7[%add3A_18, %dma_start3A_35] : memref<10240x128xf32, #tpu.memory_space<vmem_shared>> -> memref<128x128xf32, #tpu.memory_space<vmem_shared>>
      tpu.enqueue_dma source(%arg10 : memref<128x128xf32, #tpu.memory_space<vmem>>) target(%dma_start3A_36 : memref<128x128xf32, #tpu.memory_space<vmem_shared>>) target_semaphore(%run_scoped3A : memref<!tpu.dma_semaphore, #tpu.memory_space<semaphore_mem>>)
      %dma_wait3A = arith.constant 0 : i32
      %dma_wait3A_37 = tpu.memref_slice %arg7[%add3A_18, %dma_wait3A] : memref<10240x128xf32, #tpu.memory_space<vmem_shared>> -> memref<128x128xf32, #tpu.memory_space<vmem_shared>>
      %dma_wait3A_38 = arith.constant 0 : i32
      %dma_wait3A_39 = tpu.memref_slice %arg7[%add3A_18, %dma_wait3A_38] : memref<10240x128xf32, #tpu.memory_space<vmem_shared>> -> memref<128x128xf32, #tpu.memory_space<vmem_shared>>
      tpu.wait_dma2 semaphore(%run_scoped3A : memref<!tpu.dma_semaphore, #tpu.memory_space<semaphore_mem>>) src(%arg10 : memref<128x128xf32, #tpu.memory_space<vmem>>) dst(%dma_wait3A_39 : memref<128x128xf32, #tpu.memory_space<vmem_shared>>)
      tpu.yield
    }) : () -> ()
    %barrier3A = arith.constant 0 : index
    tpu.barrier barrier_id(%barrier3A)
    %scan3A_19 = arith.constant 0 : i32
    %scan3A_20 = arith.constant 0 : i32
    %scan3A_21 = arith.constant 80 : i32
    %scan3A_22 = arith.addi %scan3A_20, %scan3A_21 : i32
    %scan3A_23 = arith.constant 1 : i32
    %scan3A_24 = scf.for %scan3A_34 = %scan3A_20 to %scan3A_22 step %scan3A_23 iter_args(%scan3A_35 = %scan3A_19) -> (i32)  : i32 {
      %mul3A_36 = arith.constant 80 : i32
      %mul3A_37 = arith.muli %add3A, %mul3A_36 : i32
      %add3A_38 = arith.addi %mul3A_37, %scan3A_34 : i32
      "tpu.region"() ({
        %run_scoped3A_61 = tpu.sem_alloc : memref<!tpu.dma_semaphore, #tpu.memory_space<semaphore_mem>>
        %dma_start3A_62 = arith.constant 0 : i32
        %dma_start3A_63 = tpu.memref_slice %arg4[%add3A_38, %dma_start3A_62] : memref<2560x128xi32, #tpu.memory_space<hbm>> -> memref<1x128xi32, #tpu.memory_space<hbm>>
        %dma_start3A_64 = arith.constant 0 : i32
        %dma_start3A_65 = tpu.memref_slice %arg4[%add3A_38, %dma_start3A_64] : memref<2560x128xi32, #tpu.memory_space<hbm>> -> memref<1x128xi32, #tpu.memory_space<hbm>>
        tpu.enqueue_dma source(%dma_start3A_65 : memref<1x128xi32, #tpu.memory_space<hbm>>) target(%arg8 : memref<1x128xi32, #tpu.memory_space<vmem>>) target_semaphore(%run_scoped3A_61 : memref<!tpu.dma_semaphore, #tpu.memory_space<semaphore_mem>>)
        %dma_wait3A_66 = arith.constant 0 : i32
        %dma_wait3A_67 = tpu.memref_slice %arg4[%add3A_38, %dma_wait3A_66] : memref<2560x128xi32, #tpu.memory_space<hbm>> -> memref<1x128xi32, #tpu.memory_space<hbm>>
        %dma_wait3A_68 = arith.constant 0 : i32
        %dma_wait3A_69 = tpu.memref_slice %arg4[%add3A_38, %dma_wait3A_68] : memref<2560x128xi32, #tpu.memory_space<hbm>> -> memref<1x128xi32, #tpu.memory_space<hbm>>
        tpu.wait_dma2 semaphore(%run_scoped3A_61 : memref<!tpu.dma_semaphore, #tpu.memory_space<semaphore_mem>>) src(%dma_wait3A_69 : memref<1x128xi32, #tpu.memory_space<hbm>>) dst(%arg8 : memref<1x128xi32, #tpu.memory_space<vmem>>)
        tpu.yield
      }) : () -> ()
      "tpu.region"() ({
        %run_scoped3A_61 = tpu.sem_alloc : memref<!tpu.dma_semaphore, #tpu.memory_space<semaphore_mem>>
        %dma_start3A_62 = arith.constant 0 : i32
        %dma_start3A_63 = tpu.memref_slice %arg5[%add3A_38, %dma_start3A_62] : memref<2560x128xi32, #tpu.memory_space<hbm>> -> memref<1x128xi32, #tpu.memory_space<hbm>>
        %dma_start3A_64 = arith.constant 0 : i32
        %dma_start3A_65 = tpu.memref_slice %arg5[%add3A_38, %dma_start3A_64] : memref<2560x128xi32, #tpu.memory_space<hbm>> -> memref<1x128xi32, #tpu.memory_space<hbm>>
        tpu.enqueue_dma source(%dma_start3A_65 : memref<1x128xi32, #tpu.memory_space<hbm>>) target(%arg9 : memref<1x128xi32, #tpu.memory_space<vmem>>) target_semaphore(%run_scoped3A_61 : memref<!tpu.dma_semaphore, #tpu.memory_space<semaphore_mem>>)
        %dma_wait3A_66 = arith.constant 0 : i32
        %dma_wait3A_67 = tpu.memref_slice %arg5[%add3A_38, %dma_wait3A_66] : memref<2560x128xi32, #tpu.memory_space<hbm>> -> memref<1x128xi32, #tpu.memory_space<hbm>>
        %dma_wait3A_68 = arith.constant 0 : i32
        %dma_wait3A_69 = tpu.memref_slice %arg5[%add3A_38, %dma_wait3A_68] : memref<2560x128xi32, #tpu.memory_space<hbm>> -> memref<1x128xi32, #tpu.memory_space<hbm>>
        tpu.wait_dma2 semaphore(%run_scoped3A_61 : memref<!tpu.dma_semaphore, #tpu.memory_space<semaphore_mem>>) src(%dma_wait3A_69 : memref<1x128xi32, #tpu.memory_space<hbm>>) dst(%arg9 : memref<1x128xi32, #tpu.memory_space<vmem>>)
        tpu.yield
      }) : () -> ()
      %dma_start3A = arith.constant 0 : i32
      %dma_start3A_39 = arith.constant 0 : i32
      %dma_start3A_40 = tpu.memref_slice %arg8[%dma_start3A, %dma_start3A_39] : memref<1x128xi32, #tpu.memory_space<vmem>> -> memref<1x128xi32, #tpu.memory_space<vmem>>
      %dma_start3A_41 = tpu.memref_squeeze %dma_start3A_40 : memref<1x128xi32, #tpu.memory_space<vmem>> -> memref<128xi32, #tpu.memory_space<vmem>>
      %dma_start3A_42 = arith.constant 0 : i32
      %dma_start3A_43 = arith.constant 0 : i32
      %dma_start3A_44 = tpu.memref_slice %arg2[%dma_start3A_42, %dma_start3A_43] : memref<10000x128xf32, #tpu.memory_space<hbm>> -> memref<10000x128xf32, #tpu.memory_space<hbm>>
      tpu.enqueue_indirect_dma source(%dma_start3A_44 : memref<10000x128xf32, #tpu.memory_space<hbm>>) target(%arg10 : memref<128x128xf32, #tpu.memory_space<vmem>>) offsets(%dma_start3A_41 : memref<128xi32, #tpu.memory_space<vmem>>) semaphore(%arg12 : memref<!tpu.dma_semaphore, #tpu.memory_space<semaphore_mem>>)
      %mul3A_45 = arith.constant 128 : i32
      %mul3A_46 = arith.muli %add3A_38, %mul3A_45 : i32
      "tpu.region"() ({
        %run_scoped3A_61 = tpu.sem_alloc : memref<!tpu.dma_semaphore, #tpu.memory_space<semaphore_mem>>
        %dma_start3A_62 = arith.constant 0 : i32
        %dma_start3A_63 = tpu.memref_slice %arg3[%mul3A_46, %dma_start3A_62] : memref<327680x128xf32, #tpu.memory_space<hbm>> -> memref<128x128xf32, #tpu.memory_space<hbm>>
        %dma_start3A_64 = arith.constant 0 : i32
        %dma_start3A_65 = tpu.memref_slice %arg3[%mul3A_46, %dma_start3A_64] : memref<327680x128xf32, #tpu.memory_space<hbm>> -> memref<128x128xf32, #tpu.memory_space<hbm>>
        tpu.enqueue_dma source(%dma_start3A_65 : memref<128x128xf32, #tpu.memory_space<hbm>>) target(%arg11 : memref<128x128xf32, #tpu.memory_space<vmem>>) target_semaphore(%run_scoped3A_61 : memref<!tpu.dma_semaphore, #tpu.memory_space<semaphore_mem>>)
        %dma_wait3A_66 = arith.constant 0 : i32
        %dma_wait3A_67 = tpu.memref_slice %arg3[%mul3A_46, %dma_wait3A_66] : memref<327680x128xf32, #tpu.memory_space<hbm>> -> memref<128x128xf32, #tpu.memory_space<hbm>>
        %dma_wait3A_68 = arith.constant 0 : i32
        %dma_wait3A_69 = tpu.memref_slice %arg3[%mul3A_46, %dma_wait3A_68] : memref<327680x128xf32, #tpu.memory_space<hbm>> -> memref<128x128xf32, #tpu.memory_space<hbm>>
        tpu.wait_dma2 semaphore(%run_scoped3A_61 : memref<!tpu.dma_semaphore, #tpu.memory_space<semaphore_mem>>) src(%dma_wait3A_69 : memref<128x128xf32, #tpu.memory_space<hbm>>) dst(%arg11 : memref<128x128xf32, #tpu.memory_space<vmem>>)
        tpu.yield
      }) : () -> ()
      %dma_wait3A = arith.constant 0 : i32
      %dma_wait3A_47 = arith.constant 0 : i32
      %dma_wait3A_48 = tpu.memref_slice %arg8[%dma_wait3A, %dma_wait3A_47] : memref<1x128xi32, #tpu.memory_space<vmem>> -> memref<1x128xi32, #tpu.memory_space<vmem>>
      %dma_wait3A_49 = tpu.memref_squeeze %dma_wait3A_48 : memref<1x128xi32, #tpu.memory_space<vmem>> -> memref<128xi32, #tpu.memory_space<vmem>>
      %dma_wait3A_50 = arith.constant 0 : i32
      %dma_wait3A_51 = arith.constant 0 : i32
      %dma_wait3A_52 = tpu.memref_slice %arg2[%dma_wait3A_50, %dma_wait3A_51] : memref<10000x128xf32, #tpu.memory_space<hbm>> -> memref<10000x128xf32, #tpu.memory_space<hbm>>
      tpu.wait_indirect_dma semaphore(%arg12 : memref<!tpu.dma_semaphore, #tpu.memory_space<semaphore_mem>>) src(%dma_wait3A_52 : memref<10000x128xf32, #tpu.memory_space<hbm>>) dst(%arg10 : memref<128x128xf32, #tpu.memory_space<vmem>>)
      %scan3A_53 = arith.constant 0 : i32
      %scan3A_54 = arith.constant 0 : i32
      %scan3A_55 = arith.constant 128 : i32
      %scan3A_56 = arith.addi %scan3A_54, %scan3A_55 : i32
      %scan3A_57 = arith.constant 1 : i32
      %scan3A_58 = scf.for %scan3A_61 = %scan3A_54 to %scan3A_56 step %scan3A_57 iter_args(%scan3A_62 = %scan3A_53) -> (i32)  : i32 {
        %get3A = arith.index_cast %scan3A_61 : i32 to index
        %get3A_63 = arith.constant 0 : index
        %get3A_64 = tpu.vector_load %arg10[%get3A, %get3A_63] {strides = array<i32>} : memref<128x128xf32, #tpu.memory_space<vmem>>, vector<1x16xf32>,
        %get3A_65 = vector.shape_cast %get3A_64 : vector<1x16xf32> to vector<16xf32>
        %get3A_66 = arith.index_cast %scan3A_61 : i32 to index
        %get3A_67 = arith.constant 0 : index
        %get3A_68 = tpu.vector_load %arg11[%get3A_66, %get3A_67] {strides = array<i32>} : memref<128x128xf32, #tpu.memory_space<vmem>>, vector<1x16xf32>,
        %get3A_69 = vector.shape_cast %get3A_68 : vector<1x16xf32> to vector<16xf32>
        %add3A_70 = arith.addf %get3A_65, %get3A_69 : vector<16xf32>
        %max3A = arith.constant 0.000000e+00 : f32
        %max3A_71 = vector.broadcast %max3A : f32 to vector<16xf32>
        %max3A_72 = arith.maximumf %add3A_70, %max3A_71 : vector<16xf32>
        %swap3A = arith.index_cast %scan3A_61 : i32 to index
        %swap3A_73 = arith.constant 0 : index
        %swap3A_74 = tpu.vector_load %arg10[%swap3A, %swap3A_73] {strides = array<i32>} : memref<128x128xf32, #tpu.memory_space<vmem>>, vector<1x16xf32>,
        %swap3A_75 = vector.shape_cast %swap3A_74 : vector<1x16xf32> to vector<16xf32>
        %swap3A_76 = vector.shape_cast %max3A_72 : vector<16xf32> to vector<1x16xf32>
        tpu.vector_store %arg10[%swap3A, %swap3A_73], %swap3A_76 {strides = array<i32>} : memref<128x128xf32, #tpu.memory_space<vmem>>, vector<1x16xf32>,
        %get3A_77 = arith.index_cast %scan3A_61 : i32 to index
        %get3A_78 = arith.constant 16 : index
        %get3A_79 = tpu.vector_load %arg10[%get3A_77, %get3A_78] {strides = array<i32>} : memref<128x128xf32, #tpu.memory_space<vmem>>, vector<1x16xf32>,
        %get3A_80 = vector.shape_cast %get3A_79 : vector<1x16xf32> to vector<16xf32>
        %get3A_81 = arith.index_cast %scan3A_61 : i32 to index
        %get3A_82 = arith.constant 16 : index
        %get3A_83 = tpu.vector_load %arg11[%get3A_81, %get3A_82] {strides = array<i32>} : memref<128x128xf32, #tpu.memory_space<vmem>>, vector<1x16xf32>,
        %get3A_84 = vector.shape_cast %get3A_83 : vector<1x16xf32> to vector<16xf32>
        %add3A_85 = arith.addf %get3A_80, %get3A_84 : vector<16xf32>
        %max3A_86 = arith.constant 0.000000e+00 : f32
        %max3A_87 = vector.broadcast %max3A_86 : f32 to vector<16xf32>
        %max3A_88 = arith.maximumf %add3A_85, %max3A_87 : vector<16xf32>
        %swap3A_89 = arith.index_cast %scan3A_61 : i32 to index
        %swap3A_90 = arith.constant 16 : index
        %swap3A_91 = tpu.vector_load %arg10[%swap3A_89, %swap3A_90] {strides = array<i32>} : memref<128x128xf32, #tpu.memory_space<vmem>>, vector<1x16xf32>,
        %swap3A_92 = vector.shape_cast %swap3A_91 : vector<1x16xf32> to vector<16xf32>
        %swap3A_93 = vector.shape_cast %max3A_88 : vector<16xf32> to vector<1x16xf32>
        tpu.vector_store %arg10[%swap3A_89, %swap3A_90], %swap3A_93 {strides = array<i32>} : memref<128x128xf32, #tpu.memory_space<vmem>>, vector<1x16xf32>,
        %get3A_94 = arith.index_cast %scan3A_61 : i32 to index
        %get3A_95 = arith.constant 32 : index
        %get3A_96 = tpu.vector_load %arg10[%get3A_94, %get3A_95] {strides = array<i32>} : memref<128x128xf32, #tpu.memory_space<vmem>>, vector<1x16xf32>,
        %get3A_97 = vector.shape_cast %get3A_96 : vector<1x16xf32> to vector<16xf32>
        %get3A_98 = arith.index_cast %scan3A_61 : i32 to index
        %get3A_99 = arith.constant 32 : index
        %get3A_100 = tpu.vector_load %arg11[%get3A_98, %get3A_99] {strides = array<i32>} : memref<128x128xf32, #tpu.memory_space<vmem>>, vector<1x16xf32>,
        %get3A_101 = vector.shape_cast %get3A_100 : vector<1x16xf32> to vector<16xf32>
        %add3A_102 = arith.addf %get3A_97, %get3A_101 : vector<16xf32>
        %max3A_103 = arith.constant 0.000000e+00 : f32
        %max3A_104 = vector.broadcast %max3A_103 : f32 to vector<16xf32>
        %max3A_105 = arith.maximumf %add3A_102, %max3A_104 : vector<16xf32>
        %swap3A_106 = arith.index_cast %scan3A_61 : i32 to index
        %swap3A_107 = arith.constant 32 : index
        %swap3A_108 = tpu.vector_load %arg10[%swap3A_106, %swap3A_107] {strides = array<i32>} : memref<128x128xf32, #tpu.memory_space<vmem>>, vector<1x16xf32>,
        %swap3A_109 = vector.shape_cast %swap3A_108 : vector<1x16xf32> to vector<16xf32>
        %swap3A_110 = vector.shape_cast %max3A_105 : vector<16xf32> to vector<1x16xf32>
        tpu.vector_store %arg10[%swap3A_106, %swap3A_107], %swap3A_110 {strides = array<i32>} : memref<128x128xf32, #tpu.memory_space<vmem>>, vector<1x16xf32>,
        %get3A_111 = arith.index_cast %scan3A_61 : i32 to index
        %get3A_112 = arith.constant 48 : index
        %get3A_113 = tpu.vector_load %arg10[%get3A_111, %get3A_112] {strides = array<i32>} : memref<128x128xf32, #tpu.memory_space<vmem>>, vector<1x16xf32>,
        %get3A_114 = vector.shape_cast %get3A_113 : vector<1x16xf32> to vector<16xf32>
        %get3A_115 = arith.index_cast %scan3A_61 : i32 to index
        %get3A_116 = arith.constant 48 : index
        %get3A_117 = tpu.vector_load %arg11[%get3A_115, %get3A_116] {strides = array<i32>} : memref<128x128xf32, #tpu.memory_space<vmem>>, vector<1x16xf32>,
        %get3A_118 = vector.shape_cast %get3A_117 : vector<1x16xf32> to vector<16xf32>
        %add3A_119 = arith.addf %get3A_114, %get3A_118 : vector<16xf32>
        %max3A_120 = arith.constant 0.000000e+00 : f32
        %max3A_121 = vector.broadcast %max3A_120 : f32 to vector<16xf32>
        %max3A_122 = arith.maximumf %add3A_119, %max3A_121 : vector<16xf32>
        %swap3A_123 = arith.index_cast %scan3A_61 : i32 to index
        %swap3A_124 = arith.constant 48 : index
        %swap3A_125 = tpu.vector_load %arg10[%swap3A_123, %swap3A_124] {strides = array<i32>} : memref<128x128xf32, #tpu.memory_space<vmem>>, vector<1x16xf32>,
        %swap3A_126 = vector.shape_cast %swap3A_125 : vector<1x16xf32> to vector<16xf32>
        %swap3A_127 = vector.shape_cast %max3A_122 : vector<16xf32> to vector<1x16xf32>
        tpu.vector_store %arg10[%swap3A_123, %swap3A_124], %swap3A_127 {strides = array<i32>} : memref<128x128xf32, #tpu.memory_space<vmem>>, vector<1x16xf32>,
        %get3A_128 = arith.index_cast %scan3A_61 : i32 to index
        %get3A_129 = arith.constant 64 : index
        %get3A_130 = tpu.vector_load %arg10[%get3A_128, %get3A_129] {strides = array<i32>} : memref<128x128xf32, #tpu.memory_space<vmem>>, vector<1x16xf32>,
        %get3A_131 = vector.shape_cast %get3A_130 : vector<1x16xf32> to vector<16xf32>
        %get3A_132 = arith.index_cast %scan3A_61 : i32 to index
        %get3A_133 = arith.constant 64 : index
        %get3A_134 = tpu.vector_load %arg11[%get3A_132, %get3A_133] {strides = array<i32>} : memref<128x128xf32, #tpu.memory_space<vmem>>, vector<1x16xf32>,
        %get3A_135 = vector.shape_cast %get3A_134 : vector<1x16xf32> to vector<16xf32>
        %add3A_136 = arith.addf %get3A_131, %get3A_135 : vector<16xf32>
        %max3A_137 = arith.constant 0.000000e+00 : f32
        %max3A_138 = vector.broadcast %max3A_137 : f32 to vector<16xf32>
        %max3A_139 = arith.maximumf %add3A_136, %max3A_138 : vector<16xf32>
        %swap3A_140 = arith.index_cast %scan3A_61 : i32 to index
        %swap3A_141 = arith.constant 64 : index
        %swap3A_142 = tpu.vector_load %arg10[%swap3A_140, %swap3A_141] {strides = array<i32>} : memref<128x128xf32, #tpu.memory_space<vmem>>, vector<1x16xf32>,
        %swap3A_143 = vector.shape_cast %swap3A_142 : vector<1x16xf32> to vector<16xf32>
        %swap3A_144 = vector.shape_cast %max3A_139 : vector<16xf32> to vector<1x16xf32>
        tpu.vector_store %arg10[%swap3A_140, %swap3A_141], %swap3A_144 {strides = array<i32>} : memref<128x128xf32, #tpu.memory_space<vmem>>, vector<1x16xf32>,
        %get3A_145 = arith.index_cast %scan3A_61 : i32 to index
        %get3A_146 = arith.constant 80 : index
        %get3A_147 = tpu.vector_load %arg10[%get3A_145, %get3A_146] {strides = array<i32>} : memref<128x128xf32, #tpu.memory_space<vmem>>, vector<1x16xf32>,
        %get3A_148 = vector.shape_cast %get3A_147 : vector<1x16xf32> to vector<16xf32>
        %get3A_149 = arith.index_cast %scan3A_61 : i32 to index
        %get3A_150 = arith.constant 80 : index
        %get3A_151 = tpu.vector_load %arg11[%get3A_149, %get3A_150] {strides = array<i32>} : memref<128x128xf32, #tpu.memory_space<vmem>>, vector<1x16xf32>,
        %get3A_152 = vector.shape_cast %get3A_151 : vector<1x16xf32> to vector<16xf32>
        %add3A_153 = arith.addf %get3A_148, %get3A_152 : vector<16xf32>
        %max3A_154 = arith.constant 0.000000e+00 : f32
        %max3A_155 = vector.broadcast %max3A_154 : f32 to vector<16xf32>
        %max3A_156 = arith.maximumf %add3A_153, %max3A_155 : vector<16xf32>
        %swap3A_157 = arith.index_cast %scan3A_61 : i32 to index
        %swap3A_158 = arith.constant 80 : index
        %swap3A_159 = tpu.vector_load %arg10[%swap3A_157, %swap3A_158] {strides = array<i32>} : memref<128x128xf32, #tpu.memory_space<vmem>>, vector<1x16xf32>,
        %swap3A_160 = vector.shape_cast %swap3A_159 : vector<1x16xf32> to vector<16xf32>
        %swap3A_161 = vector.shape_cast %max3A_156 : vector<16xf32> to vector<1x16xf32>
        tpu.vector_store %arg10[%swap3A_157, %swap3A_158], %swap3A_161 {strides = array<i32>} : memref<128x128xf32, #tpu.memory_space<vmem>>, vector<1x16xf32>,
        %get3A_162 = arith.index_cast %scan3A_61 : i32 to index
        %get3A_163 = arith.constant 96 : index
        %get3A_164 = tpu.vector_load %arg10[%get3A_162, %get3A_163] {strides = array<i32>} : memref<128x128xf32, #tpu.memory_space<vmem>>, vector<1x16xf32>,
        %get3A_165 = vector.shape_cast %get3A_164 : vector<1x16xf32> to vector<16xf32>
        %get3A_166 = arith.index_cast %scan3A_61 : i32 to index
        %get3A_167 = arith.constant 96 : index
        %get3A_168 = tpu.vector_load %arg11[%get3A_166, %get3A_167] {strides = array<i32>} : memref<128x128xf32, #tpu.memory_space<vmem>>, vector<1x16xf32>,
        %get3A_169 = vector.shape_cast %get3A_168 : vector<1x16xf32> to vector<16xf32>
        %add3A_170 = arith.addf %get3A_165, %get3A_169 : vector<16xf32>
        %max3A_171 = arith.constant 0.000000e+00 : f32
        %max3A_172 = vector.broadcast %max3A_171 : f32 to vector<16xf32>
        %max3A_173 = arith.maximumf %add3A_170, %max3A_172 : vector<16xf32>
        %swap3A_174 = arith.index_cast %scan3A_61 : i32 to index
        %swap3A_175 = arith.constant 96 : index
        %swap3A_176 = tpu.vector_load %arg10[%swap3A_174, %swap3A_175] {strides = array<i32>} : memref<128x128xf32, #tpu.memory_space<vmem>>, vector<1x16xf32>,
        %swap3A_177 = vector.shape_cast %swap3A_176 : vector<1x16xf32> to vector<16xf32>
        %swap3A_178 = vector.shape_cast %max3A_173 : vector<16xf32> to vector<1x16xf32>
        tpu.vector_store %arg10[%swap3A_174, %swap3A_175], %swap3A_178 {strides = array<i32>} : memref<128x128xf32, #tpu.memory_space<vmem>>, vector<1x16xf32>,
        %get3A_179 = arith.index_cast %scan3A_61 : i32 to index
        %get3A_180 = arith.constant 112 : index
        %get3A_181 = tpu.vector_load %arg10[%get3A_179, %get3A_180] {strides = array<i32>} : memref<128x128xf32, #tpu.memory_space<vmem>>, vector<1x16xf32>,
        %get3A_182 = vector.shape_cast %get3A_181 : vector<1x16xf32> to vector<16xf32>
        %get3A_183 = arith.index_cast %scan3A_61 : i32 to index
        %get3A_184 = arith.constant 112 : index
        %get3A_185 = tpu.vector_load %arg11[%get3A_183, %get3A_184] {strides = array<i32>} : memref<128x128xf32, #tpu.memory_space<vmem>>, vector<1x16xf32>,
        %get3A_186 = vector.shape_cast %get3A_185 : vector<1x16xf32> to vector<16xf32>
        %add3A_187 = arith.addf %get3A_182, %get3A_186 : vector<16xf32>
        %max3A_188 = arith.constant 0.000000e+00 : f32
        %max3A_189 = vector.broadcast %max3A_188 : f32 to vector<16xf32>
        %max3A_190 = arith.maximumf %add3A_187, %max3A_189 : vector<16xf32>
        %swap3A_191 = arith.index_cast %scan3A_61 : i32 to index
        %swap3A_192 = arith.constant 112 : index
        %swap3A_193 = tpu.vector_load %arg10[%swap3A_191, %swap3A_192] {strides = array<i32>} : memref<128x128xf32, #tpu.memory_space<vmem>>, vector<1x16xf32>,
        %swap3A_194 = vector.shape_cast %swap3A_193 : vector<1x16xf32> to vector<16xf32>
        %swap3A_195 = vector.shape_cast %max3A_190 : vector<16xf32> to vector<1x16xf32>
        tpu.vector_store %arg10[%swap3A_191, %swap3A_192], %swap3A_195 {strides = array<i32>} : memref<128x128xf32, #tpu.memory_space<vmem>>, vector<1x16xf32>,
        %scan3A_196 = arith.constant 0 : i32
        scf.yield %scan3A_196 : i32
      }
      %scan3A_59 = arith.constant 128 : i32
      %run_scoped3A = arith.constant 0 : i32
      "tpu.region"() ({
        %run_scoped3A_61 = tpu.sem_alloc : memref<!tpu.dma_semaphore, #tpu.memory_space<semaphore_mem>>
        %dma_start3A_62 = arith.constant 0 : i32
        %dma_start3A_63 = tpu.memref_slice %arg9[%run_scoped3A, %dma_start3A_62] : memref<1x128xi32, #tpu.memory_space<vmem>> -> memref<1x128xi32, #tpu.memory_space<vmem>>
        %dma_start3A_64 = tpu.memref_squeeze %dma_start3A_63 : memref<1x128xi32, #tpu.memory_space<vmem>> -> memref<128xi32, #tpu.memory_space<vmem>>
        %dma_start3A_65 = arith.constant 0 : i32
        %dma_start3A_66 = arith.constant 0 : i32
        %dma_start3A_67 = tpu.memref_slice %arg7[%dma_start3A_65, %dma_start3A_66] : memref<10240x128xf32, #tpu.memory_space<vmem_shared>> -> memref<10240x128xf32, #tpu.memory_space<vmem_shared>>
        tpu.enqueue_indirect_dma source(%arg10 : memref<128x128xf32, #tpu.memory_space<vmem>>) target(%dma_start3A_67 : memref<10240x128xf32, #tpu.memory_space<vmem_shared>>) offsets(%dma_start3A_64 : memref<128xi32, #tpu.memory_space<vmem>>) semaphore(%run_scoped3A_61 : memref<!tpu.dma_semaphore, #tpu.memory_space<semaphore_mem>>) {add = true}
        %dma_wait3A_68 = arith.constant 0 : i32
        %dma_wait3A_69 = tpu.memref_slice %arg9[%run_scoped3A, %dma_wait3A_68] : memref<1x128xi32, #tpu.memory_space<vmem>> -> memref<1x128xi32, #tpu.memory_space<vmem>>
        %dma_wait3A_70 = tpu.memref_squeeze %dma_wait3A_69 : memref<1x128xi32, #tpu.memory_space<vmem>> -> memref<128xi32, #tpu.memory_space<vmem>>
        %dma_wait3A_71 = arith.constant 0 : i32
        %dma_wait3A_72 = arith.constant 0 : i32
        %dma_wait3A_73 = tpu.memref_slice %arg7[%dma_wait3A_71, %dma_wait3A_72] : memref<10240x128xf32, #tpu.memory_space<vmem_shared>> -> memref<10240x128xf32, #tpu.memory_space<vmem_shared>>
        tpu.wait_indirect_dma semaphore(%run_scoped3A_61 : memref<!tpu.dma_semaphore, #tpu.memory_space<semaphore_mem>>) src(%arg10 : memref<128x128xf32, #tpu.memory_space<vmem>>) dst(%dma_wait3A_73 : memref<10240x128xf32, #tpu.memory_space<vmem_shared>>)
        tpu.yield
      }) : () -> ()
      %scan3A_60 = arith.constant 0 : i32
      scf.yield %scan3A_60 : i32
    }
    %scan3A_25 = arith.constant 80 : i32
    %barrier3A_26 = arith.constant 0 : index
    tpu.barrier barrier_id(%barrier3A_26)
    %mul3A_27 = arith.constant 640 : i32
    %mul3A_28 = arith.muli %arg1, %mul3A_27 : i32
    %mul3A_29 = arith.constant 10240 : i32
    %mul3A_30 = arith.muli %arg0, %mul3A_29 : i32
    %mul3A_31 = arith.constant 640 : i32
    %mul3A_32 = arith.muli %arg1, %mul3A_31 : i32
    %add3A_33 = arith.addi %mul3A_30, %mul3A_32 : i32
    "tpu.region"() ({
      %run_scoped3A = tpu.sem_alloc : memref<!tpu.dma_semaphore, #tpu.memory_space<semaphore_mem>>
      %dma_start3A = arith.constant 0 : i32
      %dma_start3A_34 = tpu.memref_slice %arg6[%add3A_33, %dma_start3A] : memref<20480x128xf32, #tpu.memory_space<hbm>> -> memref<640x128xf32, #tpu.memory_space<hbm>>
      %dma_start3A_35 = arith.constant 0 : i32
      %dma_start3A_36 = tpu.memref_slice %arg7[%mul3A_28, %dma_start3A_35] : memref<10240x128xf32, #tpu.memory_space<vmem_shared>> -> memref<640x128xf32, #tpu.memory_space<vmem_shared>>
      tpu.enqueue_dma source(%dma_start3A_36 : memref<640x128xf32, #tpu.memory_space<vmem_shared>>) target(%dma_start3A_34 : memref<640x128xf32, #tpu.memory_space<hbm>>) target_semaphore(%run_scoped3A : memref<!tpu.dma_semaphore, #tpu.memory_space<semaphore_mem>>)
      %dma_wait3A = arith.constant 0 : i32
      %dma_wait3A_37 = tpu.memref_slice %arg6[%add3A_33, %dma_wait3A] : memref<20480x128xf32, #tpu.memory_space<hbm>> -> memref<640x128xf32, #tpu.memory_space<hbm>>
      %dma_wait3A_38 = arith.constant 0 : i32
      %dma_wait3A_39 = tpu.memref_slice %arg7[%mul3A_28, %dma_wait3A_38] : memref<10240x128xf32, #tpu.memory_space<vmem_shared>> -> memref<640x128xf32, #tpu.memory_space<vmem_shared>>
      tpu.wait_dma2 semaphore(%run_scoped3A : memref<!tpu.dma_semaphore, #tpu.memory_space<semaphore_mem>>) src(%dma_wait3A_39 : memref<640x128xf32, #tpu.memory_space<vmem_shared>>) dst(%dma_wait3A_37 : memref<640x128xf32, #tpu.memory_space<hbm>>)
      tpu.yield
    }) : () -> ()
    return
  }
}

module attributes {stable_mosaic.version = 14 : i64} {
  func.func @_proj_body(%arg0: memref<10000x128xf32, #tpu.memory_space<vmem>>, %arg1: memref<128x128xf32, #tpu.memory_space<vmem>>, %arg2: memref<1x128xf32, #tpu.memory_space<vmem>>, %arg3: memref<10000x128xf32, #tpu.memory_space<vmem>>) attributes {dimension_semantics = [], scalar_prefetch = 0 : i64, scratch_operands = 0 : i64, tpu.core_type = #tpu.core_type<tc>} {
    %get3A = arith.constant 0 : index
    %get3A_0 = arith.constant 0 : index
    %get3A_1 = vector.load %arg0[%get3A, %get3A_0] : memref<10000x128xf32, #tpu.memory_space<vmem>>, vector<10000x128xf32>
    %get3A_2 = arith.constant 0 : index
    %get3A_3 = arith.constant 0 : index
    %get3A_4 = vector.load %arg1[%get3A_2, %get3A_3] : memref<128x128xf32, #tpu.memory_space<vmem>>, vector<128x128xf32>
    %dot_general3A = arith.constant dense<0.000000e+00> : vector<10000x128xf32>
    %dot_general3A_5 = tpu.matmul %get3A_1, %get3A_4, %dot_general3A {dimension_numbers = #tpu.dot_dimension_numbers<[1], [0], [0], [1], [0, 0, 1, 1], [], []>, transpose_lhs_hint = false} : vector<10000x128xf32>, vector<128x128xf32>, vector<10000x128xf32> -> vector<10000x128xf32>
    %get3A_6 = arith.constant 0 : index
    %get3A_7 = arith.constant 0 : index
    %get3A_8 = vector.load %arg2[%get3A_6, %get3A_7] : memref<1x128xf32, #tpu.memory_space<vmem>>, vector<1x128xf32>
    %add3A = vector.broadcast %get3A_8 : vector<1x128xf32> to vector<10000x128xf32>
    %add3A_9 = arith.addf %dot_general3A_5, %add3A : vector<10000x128xf32>
    %swap3A = arith.constant 0 : index
    %swap3A_10 = arith.constant 0 : index
    %swap3A_11 = vector.load %arg3[%swap3A, %swap3A_10] : memref<10000x128xf32, #tpu.memory_space<vmem>>, vector<10000x128xf32>
    tpu.vector_store %arg3[%swap3A, %swap3A_10], %add3A_9 {strides = array<i32>} : memref<10000x128xf32, #tpu.memory_space<vmem>>, vector<10000x128xf32>,
    return
  }
}

module attributes {stable_mosaic.version = 14 : i64} {
  func.func @_edge_body(%arg0: i32, %arg1: memref<4096x16xf32, #tpu.memory_space<vmem>>, %arg2: memref<16x128xf32, #tpu.memory_space<vmem>>, %arg3: memref<16x128xf32, #tpu.memory_space<vmem>>, %arg4: memref<16x128xf32, #tpu.memory_space<vmem>>, %arg5: memref<1x128xf32, #tpu.memory_space<vmem>>, %arg6: memref<1x128xf32, #tpu.memory_space<vmem>>, %arg7: memref<1x128xf32, #tpu.memory_space<vmem>>, %arg8: memref<4096x128xf32, #tpu.memory_space<vmem>>, %arg9: memref<4096x128xf32, #tpu.memory_space<vmem>>, %arg10: memref<4096x128xf32, #tpu.memory_space<vmem>>) attributes {dimension_semantics = [#tpu.dimension_semantics<arbitrary>], iteration_bounds = array<i64: 80>, scalar_prefetch = 0 : i64, scratch_operands = 0 : i64, tpu.core_type = #tpu.core_type<tc>, window_params = [{transform_indices = @transform_0, window_bounds = array<i64: 4096, 16>}, {pipeline_mode = #tpu.pipeline_mode<synchronous>, transform_indices = @transform_1, window_bounds = array<i64: 16, 128>}, {pipeline_mode = #tpu.pipeline_mode<synchronous>, transform_indices = @transform_2, window_bounds = array<i64: 16, 128>}, {pipeline_mode = #tpu.pipeline_mode<synchronous>, transform_indices = @transform_3, window_bounds = array<i64: 16, 128>}, {pipeline_mode = #tpu.pipeline_mode<synchronous>, transform_indices = @transform_4, window_bounds = array<i64: 1, 128>}, {pipeline_mode = #tpu.pipeline_mode<synchronous>, transform_indices = @transform_5, window_bounds = array<i64: 1, 128>}, {pipeline_mode = #tpu.pipeline_mode<synchronous>, transform_indices = @transform_6, window_bounds = array<i64: 1, 128>}, {transform_indices = @transform_7, window_bounds = array<i64: 4096, 128>}, {transform_indices = @transform_8, window_bounds = array<i64: 4096, 128>}, {transform_indices = @transform_9, window_bounds = array<i64: 4096, 128>}]} {
    %get3A = arith.constant 0 : index
    %get3A_0 = arith.constant 0 : index
    %get3A_1 = vector.load %arg1[%get3A, %get3A_0] : memref<4096x16xf32, #tpu.memory_space<vmem>>, vector<4096x16xf32>
    %get3A_2 = arith.constant 0 : index
    %get3A_3 = arith.constant 0 : index
    %get3A_4 = vector.load %arg2[%get3A_2, %get3A_3] : memref<16x128xf32, #tpu.memory_space<vmem>>, vector<16x128xf32>
    %dot_general3A = arith.constant dense<0.000000e+00> : vector<4096x128xf32>
    %dot_general3A_5 = tpu.matmul %get3A_1, %get3A_4, %dot_general3A {dimension_numbers = #tpu.dot_dimension_numbers<[1], [0], [0], [1], [0, 0, 1, 1], [], []>, transpose_lhs_hint = false} : vector<4096x16xf32>, vector<16x128xf32>, vector<4096x128xf32> -> vector<4096x128xf32>
    %get3A_6 = arith.constant 0 : index
    %get3A_7 = arith.constant 0 : index
    %get3A_8 = vector.load %arg5[%get3A_6, %get3A_7] : memref<1x128xf32, #tpu.memory_space<vmem>>, vector<1x128xf32>
    %add3A = vector.broadcast %get3A_8 : vector<1x128xf32> to vector<4096x128xf32>
    %add3A_9 = arith.addf %dot_general3A_5, %add3A : vector<4096x128xf32>
    %swap3A = arith.constant 0 : index
    %swap3A_10 = arith.constant 0 : index
    %swap3A_11 = vector.load %arg8[%swap3A, %swap3A_10] : memref<4096x128xf32, #tpu.memory_space<vmem>>, vector<4096x128xf32>
    tpu.vector_store %arg8[%swap3A, %swap3A_10], %add3A_9 {strides = array<i32>} : memref<4096x128xf32, #tpu.memory_space<vmem>>, vector<4096x128xf32>,
    %get3A_12 = arith.constant 0 : index
    %get3A_13 = arith.constant 0 : index
    %get3A_14 = vector.load %arg3[%get3A_12, %get3A_13] : memref<16x128xf32, #tpu.memory_space<vmem>>, vector<16x128xf32>
    %dot_general3A_15 = arith.constant dense<0.000000e+00> : vector<4096x128xf32>
    %dot_general3A_16 = tpu.matmul %get3A_1, %get3A_14, %dot_general3A_15 {dimension_numbers = #tpu.dot_dimension_numbers<[1], [0], [0], [1], [0, 0, 1, 1], [], []>, transpose_lhs_hint = false} : vector<4096x16xf32>, vector<16x128xf32>, vector<4096x128xf32> -> vector<4096x128xf32>
    %get3A_17 = arith.constant 0 : index
    %get3A_18 = arith.constant 0 : index
    %get3A_19 = vector.load %arg6[%get3A_17, %get3A_18] : memref<1x128xf32, #tpu.memory_space<vmem>>, vector<1x128xf32>
    %add3A_20 = vector.broadcast %get3A_19 : vector<1x128xf32> to vector<4096x128xf32>
    %add3A_21 = arith.addf %dot_general3A_16, %add3A_20 : vector<4096x128xf32>
    %swap3A_22 = arith.constant 0 : index
    %swap3A_23 = arith.constant 0 : index
    %swap3A_24 = vector.load %arg9[%swap3A_22, %swap3A_23] : memref<4096x128xf32, #tpu.memory_space<vmem>>, vector<4096x128xf32>
    tpu.vector_store %arg9[%swap3A_22, %swap3A_23], %add3A_21 {strides = array<i32>} : memref<4096x128xf32, #tpu.memory_space<vmem>>, vector<4096x128xf32>,
    %get3A_25 = arith.constant 0 : index
    %get3A_26 = arith.constant 0 : index
    %get3A_27 = vector.load %arg4[%get3A_25, %get3A_26] : memref<16x128xf32, #tpu.memory_space<vmem>>, vector<16x128xf32>
    %dot_general3A_28 = arith.constant dense<0.000000e+00> : vector<4096x128xf32>
    %dot_general3A_29 = tpu.matmul %get3A_1, %get3A_27, %dot_general3A_28 {dimension_numbers = #tpu.dot_dimension_numbers<[1], [0], [0], [1], [0, 0, 1, 1], [], []>, transpose_lhs_hint = false} : vector<4096x16xf32>, vector<16x128xf32>, vector<4096x128xf32> -> vector<4096x128xf32>
    %get3A_30 = arith.constant 0 : index
    %get3A_31 = arith.constant 0 : index
    %get3A_32 = vector.load %arg7[%get3A_30, %get3A_31] : memref<1x128xf32, #tpu.memory_space<vmem>>, vector<1x128xf32>
    %add3A_33 = vector.broadcast %get3A_32 : vector<1x128xf32> to vector<4096x128xf32>
    %add3A_34 = arith.addf %dot_general3A_29, %add3A_33 : vector<4096x128xf32>
    %swap3A_35 = arith.constant 0 : index
    %swap3A_36 = arith.constant 0 : index
    %swap3A_37 = vector.load %arg10[%swap3A_35, %swap3A_36] : memref<4096x128xf32, #tpu.memory_space<vmem>>, vector<4096x128xf32>
    tpu.vector_store %arg10[%swap3A_35, %swap3A_36], %add3A_34 {strides = array<i32>} : memref<4096x128xf32, #tpu.memory_space<vmem>>, vector<4096x128xf32>,
    return
  }
  func.func @transform_0(%arg0: i32) -> (i32, i32) {
    %c0_i32 = arith.constant 0 : i32
    %c0_i32_0 = arith.constant 0 : i32
    return %arg0, %c0_i32 : i32, i32
  }
  func.func @transform_1(%arg0: i32) -> (i32, i32) {
    %c0_i32 = arith.constant 0 : i32
    %c0_i32_0 = arith.constant 0 : i32
    %c0_i32_1 = arith.constant 0 : i32
    return %c0_i32, %c0_i32_0 : i32, i32
  }
  func.func @transform_2(%arg0: i32) -> (i32, i32) {
    %c0_i32 = arith.constant 0 : i32
    %c0_i32_0 = arith.constant 0 : i32
    %c0_i32_1 = arith.constant 0 : i32
    return %c0_i32, %c0_i32_0 : i32, i32
  }
  func.func @transform_3(%arg0: i32) -> (i32, i32) {
    %c0_i32 = arith.constant 0 : i32
    %c0_i32_0 = arith.constant 0 : i32
    %c0_i32_1 = arith.constant 0 : i32
    return %c0_i32, %c0_i32_0 : i32, i32
  }
  func.func @transform_4(%arg0: i32) -> (i32, i32) {
    %c0_i32 = arith.constant 0 : i32
    %c0_i32_0 = arith.constant 0 : i32
    %c0_i32_1 = arith.constant 0 : i32
    return %c0_i32, %c0_i32_0 : i32, i32
  }
  func.func @transform_5(%arg0: i32) -> (i32, i32) {
    %c0_i32 = arith.constant 0 : i32
    %c0_i32_0 = arith.constant 0 : i32
    %c0_i32_1 = arith.constant 0 : i32
    return %c0_i32, %c0_i32_0 : i32, i32
  }
  func.func @transform_6(%arg0: i32) -> (i32, i32) {
    %c0_i32 = arith.constant 0 : i32
    %c0_i32_0 = arith.constant 0 : i32
    %c0_i32_1 = arith.constant 0 : i32
    return %c0_i32, %c0_i32_0 : i32, i32
  }
  func.func @transform_7(%arg0: i32) -> (i32, i32) {
    %c0_i32 = arith.constant 0 : i32
    %c0_i32_0 = arith.constant 0 : i32
    return %arg0, %c0_i32 : i32, i32
  }
  func.func @transform_8(%arg0: i32) -> (i32, i32) {
    %c0_i32 = arith.constant 0 : i32
    %c0_i32_0 = arith.constant 0 : i32
    return %arg0, %c0_i32 : i32, i32
  }
  func.func @transform_9(%arg0: i32) -> (i32, i32) {
    %c0_i32 = arith.constant 0 : i32
    %c0_i32_0 = arith.constant 0 : i32
    return %arg0, %c0_i32 : i32, i32
  }
}

module attributes {stable_mosaic.version = 14 : i64} {
  func.func @_layer_body(%arg0: memref<10000x128xf32, #tpu.memory_space<vmem>>, %arg1: memref<20480x128xf32, #tpu.memory_space<vmem>>, %arg2: memref<128x128xf32, #tpu.memory_space<vmem>>, %arg3: memref<1x128xf32, #tpu.memory_space<vmem>>, %arg4: memref<1x128xf32, #tpu.memory_space<vmem>>, %arg5: memref<1x128xf32, #tpu.memory_space<vmem>>, %arg6: memref<128x128xf32, #tpu.memory_space<vmem>>, %arg7: memref<1x128xf32, #tpu.memory_space<vmem>>, %arg8: memref<1x128xf32, #tpu.memory_space<vmem>>, %arg9: memref<1x128xf32, #tpu.memory_space<vmem>>, %arg10: memref<10000x128xf32, #tpu.memory_space<vmem>>) attributes {dimension_semantics = [], scalar_prefetch = 0 : i64, scratch_operands = 0 : i64, tpu.core_type = #tpu.core_type<tc>} {
    %get3A = arith.constant 0 : index
    %get3A_0 = arith.constant 0 : index
    %get3A_1 = vector.load %arg1[%get3A, %get3A_0] : memref<20480x128xf32, #tpu.memory_space<vmem>>, vector<20480x128xf32>
    %get3A_2 = arith.constant 0 : index
    %get3A_3 = arith.constant 0 : index
    %get3A_4 = vector.load %arg0[%get3A_2, %get3A_3] : memref<10000x128xf32, #tpu.memory_space<vmem>>, vector<10000x128xf32>
    %slice3A = vector.extract_strided_slice %get3A_1 {offsets = [0, 0], sizes = [10000, 128], strides = [1, 1]} : vector<20480x128xf32> to vector<10000x128xf32>
    %add3A = arith.addf %get3A_4, %slice3A : vector<10000x128xf32>
    %slice3A_5 = vector.extract_strided_slice %get3A_1 {offsets = [10240, 0], sizes = [10000, 128], strides = [1, 1]} : vector<20480x128xf32> to vector<10000x128xf32>
    %add3A_6 = arith.addf %add3A, %slice3A_5 : vector<10000x128xf32>
    %get3A_7 = arith.constant 0 : index
    %get3A_8 = arith.constant 0 : index
    %get3A_9 = vector.load %arg2[%get3A_7, %get3A_8] : memref<128x128xf32, #tpu.memory_space<vmem>>, vector<128x128xf32>
    %dot_general3A = arith.constant dense<0.000000e+00> : vector<10000x128xf32>
    %dot_general3A_10 = tpu.matmul %add3A_6, %get3A_9, %dot_general3A {dimension_numbers = #tpu.dot_dimension_numbers<[1], [0], [0], [1], [0, 0, 1, 1], [], []>, transpose_lhs_hint = false} : vector<10000x128xf32>, vector<128x128xf32>, vector<10000x128xf32> -> vector<10000x128xf32>
    %get3A_11 = arith.constant 0 : index
    %get3A_12 = arith.constant 0 : index
    %get3A_13 = vector.load %arg3[%get3A_11, %get3A_12] : memref<1x128xf32, #tpu.memory_space<vmem>>, vector<1x128xf32>
    %add3A_14 = vector.broadcast %get3A_13 : vector<1x128xf32> to vector<10000x128xf32>
    %add3A_15 = arith.addf %dot_general3A_10, %add3A_14 : vector<10000x128xf32>
    %get3A_16 = arith.constant 0 : index
    %get3A_17 = arith.constant 0 : index
    %get3A_18 = vector.load %arg4[%get3A_16, %get3A_17] : memref<1x128xf32, #tpu.memory_space<vmem>>, vector<1x128xf32>
    %get3A_19 = arith.constant 0 : index
    %get3A_20 = arith.constant 0 : index
    %get3A_21 = vector.load %arg5[%get3A_19, %get3A_20] : memref<1x128xf32, #tpu.memory_space<vmem>>, vector<1x128xf32>
    %reduce_sum3A = arith.constant dense<0.000000e+00> : vector<128xf32>
    %reduce_sum3A_22 = vector.multi_reduction <add>, %add3A_15, %reduce_sum3A [0] : vector<10000x128xf32> to vector<128xf32>
    %broadcast_in_dim3A = vector.shape_cast %reduce_sum3A_22 : vector<128xf32> to vector<1x128xf32>
    %div3A = arith.constant 1.000000e+04 : f32
    %div3A_23 = vector.broadcast %div3A : f32 to vector<1x128xf32>
    %div3A_24 = arith.divf %broadcast_in_dim3A, %div3A_23 : vector<1x128xf32>
    %sub3A = vector.broadcast %div3A_24 : vector<1x128xf32> to vector<10000x128xf32>
    %sub3A_25 = arith.subf %add3A_15, %sub3A : vector<10000x128xf32>
    %integer_pow3A = arith.mulf %sub3A_25, %sub3A_25 : vector<10000x128xf32>
    %reduce_sum3A_26 = arith.constant dense<0.000000e+00> : vector<128xf32>
    %reduce_sum3A_27 = vector.multi_reduction <add>, %integer_pow3A, %reduce_sum3A_26 [0] : vector<10000x128xf32> to vector<128xf32>
    %broadcast_in_dim3A_28 = vector.shape_cast %reduce_sum3A_27 : vector<128xf32> to vector<1x128xf32>
    %div3A_29 = arith.constant 1.000000e+04 : f32
    %div3A_30 = vector.broadcast %div3A_29 : f32 to vector<1x128xf32>
    %div3A_31 = arith.divf %broadcast_in_dim3A_28, %div3A_30 : vector<1x128xf32>
    %sub3A_32 = vector.broadcast %div3A_24 : vector<1x128xf32> to vector<10000x128xf32>
    %sub3A_33 = arith.subf %add3A_15, %sub3A_32 : vector<10000x128xf32>
    %add3A_34 = arith.constant 9.99999974E-6 : f32
    %add3A_35 = vector.broadcast %add3A_34 : f32 to vector<1x128xf32>
    %add3A_36 = arith.addf %div3A_31, %add3A_35 : vector<1x128xf32>
    %sqrt3A = math.sqrt %add3A_36 : vector<1x128xf32>
    %div3A_37 = vector.broadcast %sqrt3A : vector<1x128xf32> to vector<10000x128xf32>
    %div3A_38 = arith.divf %sub3A_33, %div3A_37 : vector<10000x128xf32>
    %mul3A = vector.broadcast %get3A_18 : vector<1x128xf32> to vector<10000x128xf32>
    %mul3A_39 = arith.mulf %div3A_38, %mul3A : vector<10000x128xf32>
    %add3A_40 = vector.broadcast %get3A_21 : vector<1x128xf32> to vector<10000x128xf32>
    %add3A_41 = arith.addf %mul3A_39, %add3A_40 : vector<10000x128xf32>
    %max3A = arith.constant 0.000000e+00 : f32
    %max3A_42 = vector.broadcast %max3A : f32 to vector<10000x128xf32>
    %max3A_43 = arith.maximumf %add3A_41, %max3A_42 : vector<10000x128xf32>
    %get3A_44 = arith.constant 0 : index
    %get3A_45 = arith.constant 0 : index
    %get3A_46 = vector.load %arg6[%get3A_44, %get3A_45] : memref<128x128xf32, #tpu.memory_space<vmem>>, vector<128x128xf32>
    %dot_general3A_47 = arith.constant dense<0.000000e+00> : vector<10000x128xf32>
    %dot_general3A_48 = tpu.matmul %max3A_43, %get3A_46, %dot_general3A_47 {dimension_numbers = #tpu.dot_dimension_numbers<[1], [0], [0], [1], [0, 0, 1, 1], [], []>, transpose_lhs_hint = false} : vector<10000x128xf32>, vector<128x128xf32>, vector<10000x128xf32> -> vector<10000x128xf32>
    %get3A_49 = arith.constant 0 : index
    %get3A_50 = arith.constant 0 : index
    %get3A_51 = vector.load %arg7[%get3A_49, %get3A_50] : memref<1x128xf32, #tpu.memory_space<vmem>>, vector<1x128xf32>
    %add3A_52 = vector.broadcast %get3A_51 : vector<1x128xf32> to vector<10000x128xf32>
    %add3A_53 = arith.addf %dot_general3A_48, %add3A_52 : vector<10000x128xf32>
    %get3A_54 = arith.constant 0 : index
    %get3A_55 = arith.constant 0 : index
    %get3A_56 = vector.load %arg8[%get3A_54, %get3A_55] : memref<1x128xf32, #tpu.memory_space<vmem>>, vector<1x128xf32>
    %get3A_57 = arith.constant 0 : index
    %get3A_58 = arith.constant 0 : index
    %get3A_59 = vector.load %arg9[%get3A_57, %get3A_58] : memref<1x128xf32, #tpu.memory_space<vmem>>, vector<1x128xf32>
    %reduce_sum3A_60 = arith.constant dense<0.000000e+00> : vector<128xf32>
    %reduce_sum3A_61 = vector.multi_reduction <add>, %add3A_53, %reduce_sum3A_60 [0] : vector<10000x128xf32> to vector<128xf32>
    %broadcast_in_dim3A_62 = vector.shape_cast %reduce_sum3A_61 : vector<128xf32> to vector<1x128xf32>
    %div3A_63 = arith.constant 1.000000e+04 : f32
    %div3A_64 = vector.broadcast %div3A_63 : f32 to vector<1x128xf32>
    %div3A_65 = arith.divf %broadcast_in_dim3A_62, %div3A_64 : vector<1x128xf32>
    %sub3A_66 = vector.broadcast %div3A_65 : vector<1x128xf32> to vector<10000x128xf32>
    %sub3A_67 = arith.subf %add3A_53, %sub3A_66 : vector<10000x128xf32>
    %integer_pow3A_68 = arith.mulf %sub3A_67, %sub3A_67 : vector<10000x128xf32>
    %reduce_sum3A_69 = arith.constant dense<0.000000e+00> : vector<128xf32>
    %reduce_sum3A_70 = vector.multi_reduction <add>, %integer_pow3A_68, %reduce_sum3A_69 [0] : vector<10000x128xf32> to vector<128xf32>
    %broadcast_in_dim3A_71 = vector.shape_cast %reduce_sum3A_70 : vector<128xf32> to vector<1x128xf32>
    %div3A_72 = arith.constant 1.000000e+04 : f32
    %div3A_73 = vector.broadcast %div3A_72 : f32 to vector<1x128xf32>
    %div3A_74 = arith.divf %broadcast_in_dim3A_71, %div3A_73 : vector<1x128xf32>
    %sub3A_75 = vector.broadcast %div3A_65 : vector<1x128xf32> to vector<10000x128xf32>
    %sub3A_76 = arith.subf %add3A_53, %sub3A_75 : vector<10000x128xf32>
    %add3A_77 = arith.constant 9.99999974E-6 : f32
    %add3A_78 = vector.broadcast %add3A_77 : f32 to vector<1x128xf32>
    %add3A_79 = arith.addf %div3A_74, %add3A_78 : vector<1x128xf32>
    %sqrt3A_80 = math.sqrt %add3A_79 : vector<1x128xf32>
    %div3A_81 = vector.broadcast %sqrt3A_80 : vector<1x128xf32> to vector<10000x128xf32>
    %div3A_82 = arith.divf %sub3A_76, %div3A_81 : vector<10000x128xf32>
    %mul3A_83 = vector.broadcast %get3A_56 : vector<1x128xf32> to vector<10000x128xf32>
    %mul3A_84 = arith.mulf %div3A_82, %mul3A_83 : vector<10000x128xf32>
    %add3A_85 = vector.broadcast %get3A_59 : vector<1x128xf32> to vector<10000x128xf32>
    %add3A_86 = arith.addf %mul3A_84, %add3A_85 : vector<10000x128xf32>
    %max3A_87 = arith.constant 0.000000e+00 : f32
    %max3A_88 = vector.broadcast %max3A_87 : f32 to vector<10000x128xf32>
    %max3A_89 = arith.maximumf %add3A_86, %max3A_88 : vector<10000x128xf32>
    %swap3A = arith.constant 0 : index
    %swap3A_90 = arith.constant 0 : index
    %swap3A_91 = vector.load %arg10[%swap3A, %swap3A_90] : memref<10000x128xf32, #tpu.memory_space<vmem>>, vector<10000x128xf32>
    tpu.vector_store %arg10[%swap3A, %swap3A_90], %max3A_89 {strides = array<i32>} : memref<10000x128xf32, #tpu.memory_space<vmem>>, vector<10000x128xf32>,
    return
  }
}

module attributes {stable_mosaic.version = 14 : i64} {
  func.func @_head_body(%arg0: i32, %arg1: memref<2000x128xf32, #tpu.memory_space<vmem>>, %arg2: memref<2000x1xi32, #tpu.memory_space<vmem>>, %arg3: memref<2000x8xf32, #tpu.memory_space<vmem>>, %arg4: memref<128x64xf32, #tpu.memory_space<vmem>>, %arg5: memref<1x64xf32, #tpu.memory_space<vmem>>, %arg6: memref<64x8xf32, #tpu.memory_space<vmem>>, %arg7: memref<1x8xf32, #tpu.memory_space<vmem>>, %arg8: memref<128x128xf32, #tpu.memory_space<vmem>>, %arg9: memref<1x128xf32, #tpu.memory_space<vmem>>, %arg10: memref<1x128xf32, #tpu.memory_space<vmem>>, %arg11: memref<1x128xf32, #tpu.memory_space<vmem>>, %arg12: memref<128x128xf32, #tpu.memory_space<vmem>>, %arg13: memref<128x128xf32, #tpu.memory_space<vmem>>, %arg14: memref<1x128xf32, #tpu.memory_space<vmem>>, %arg15: memref<1x128xf32, #tpu.memory_space<vmem>>, %arg16: memref<1x128xf32, #tpu.memory_space<vmem>>, %arg17: memref<128x10xf32, #tpu.memory_space<vmem>>, %arg18: memref<1x10xf32, #tpu.memory_space<vmem>>, %arg19: memref<16x10xf32, #tpu.memory_space<vmem>>, %arg20: memref<16x128xf32, #tpu.memory_space<vmem>>, %arg21: memref<16x1xf32, #tpu.memory_space<vmem>>, %arg22: memref<128x128xf32, #tpu.memory_space<vmem>>, %arg23: memref<128x1xf32, #tpu.memory_space<vmem>>) attributes {dimension_semantics = [#tpu.dimension_semantics<arbitrary>], iteration_bounds = array<i64: 5>, scalar_prefetch = 0 : i64, scratch_operands = 4 : i64, tpu.core_type = #tpu.core_type<tc>, window_params = [{transform_indices = @transform_0, window_bounds = array<i64: 2000, 128>}, {transform_indices = @transform_1, window_bounds = array<i64: 2000, 1>}, {transform_indices = @transform_2, window_bounds = array<i64: 2000, 8>}, {pipeline_mode = #tpu.pipeline_mode<synchronous>, transform_indices = @transform_3, window_bounds = array<i64: 128, 64>}, {pipeline_mode = #tpu.pipeline_mode<synchronous>, transform_indices = @transform_4, window_bounds = array<i64: 1, 64>}, {pipeline_mode = #tpu.pipeline_mode<synchronous>, transform_indices = @transform_5, window_bounds = array<i64: 64, 8>}, {pipeline_mode = #tpu.pipeline_mode<synchronous>, transform_indices = @transform_6, window_bounds = array<i64: 1, 8>}, {pipeline_mode = #tpu.pipeline_mode<synchronous>, transform_indices = @transform_7, window_bounds = array<i64: 128, 128>}, {pipeline_mode = #tpu.pipeline_mode<synchronous>, transform_indices = @transform_8, window_bounds = array<i64: 1, 128>}, {pipeline_mode = #tpu.pipeline_mode<synchronous>, transform_indices = @transform_9, window_bounds = array<i64: 1, 128>}, {pipeline_mode = #tpu.pipeline_mode<synchronous>, transform_indices = @transform_10, window_bounds = array<i64: 1, 128>}, {pipeline_mode = #tpu.pipeline_mode<synchronous>, transform_indices = @transform_11, window_bounds = array<i64: 128, 128>}, {pipeline_mode = #tpu.pipeline_mode<synchronous>, transform_indices = @transform_12, window_bounds = array<i64: 128, 128>}, {pipeline_mode = #tpu.pipeline_mode<synchronous>, transform_indices = @transform_13, window_bounds = array<i64: 1, 128>}, {pipeline_mode = #tpu.pipeline_mode<synchronous>, transform_indices = @transform_14, window_bounds = array<i64: 1, 128>}, {pipeline_mode = #tpu.pipeline_mode<synchronous>, transform_indices = @transform_15, window_bounds = array<i64: 1, 128>}, {pipeline_mode = #tpu.pipeline_mode<synchronous>, transform_indices = @transform_16, window_bounds = array<i64: 128, 10>}, {pipeline_mode = #tpu.pipeline_mode<synchronous>, transform_indices = @transform_17, window_bounds = array<i64: 1, 10>}, {pipeline_mode = #tpu.pipeline_mode<synchronous>, transform_indices = @transform_18, window_bounds = array<i64: 16, 10>}]} {
    %get3A = arith.constant 0 : index
    %get3A_0 = arith.constant 0 : index
    %get3A_1 = vector.load %arg1[%get3A, %get3A_0] : memref<2000x128xf32, #tpu.memory_space<vmem>>, vector<2000x128xf32>
    %get3A_2 = arith.constant 0 : index
    %get3A_3 = arith.constant 0 : index
    %get3A_4 = vector.load %arg4[%get3A_2, %get3A_3] : memref<128x64xf32, #tpu.memory_space<vmem>>, vector<128x64xf32>
    %dot_general3A = arith.constant dense<0.000000e+00> : vector<2000x64xf32>
    %dot_general3A_5 = tpu.matmul %get3A_1, %get3A_4, %dot_general3A {dimension_numbers = #tpu.dot_dimension_numbers<[1], [0], [0], [1], [0, 0, 1, 1], [], []>, transpose_lhs_hint = false} : vector<2000x128xf32>, vector<128x64xf32>, vector<2000x64xf32> -> vector<2000x64xf32>
    %get3A_6 = arith.constant 0 : index
    %get3A_7 = arith.constant 0 : index
    %get3A_8 = vector.load %arg5[%get3A_6, %get3A_7] : memref<1x64xf32, #tpu.memory_space<vmem>>, vector<1x64xf32>
    %add3A = vector.broadcast %get3A_8 : vector<1x64xf32> to vector<2000x64xf32>
    %add3A_9 = arith.addf %dot_general3A_5, %add3A : vector<2000x64xf32>
    %max3A = arith.constant 0.000000e+00 : f32
    %max3A_10 = vector.broadcast %max3A : f32 to vector<2000x64xf32>
    %max3A_11 = arith.maximumf %add3A_9, %max3A_10 : vector<2000x64xf32>
    %get3A_12 = arith.constant 0 : index
    %get3A_13 = arith.constant 0 : index
    %get3A_14 = vector.load %arg6[%get3A_12, %get3A_13] : memref<64x8xf32, #tpu.memory_space<vmem>>, vector<64x8xf32>
    %dot_general3A_15 = arith.constant dense<0.000000e+00> : vector<2000x8xf32>
    %dot_general3A_16 = tpu.matmul %max3A_11, %get3A_14, %dot_general3A_15 {dimension_numbers = #tpu.dot_dimension_numbers<[1], [0], [0], [1], [0, 0, 1, 1], [], []>, transpose_lhs_hint = false} : vector<2000x64xf32>, vector<64x8xf32>, vector<2000x8xf32> -> vector<2000x8xf32>
    %get3A_17 = arith.constant 0 : index
    %get3A_18 = arith.constant 0 : index
    %get3A_19 = vector.load %arg7[%get3A_17, %get3A_18] : memref<1x8xf32, #tpu.memory_space<vmem>>, vector<1x8xf32>
    %add3A_20 = vector.broadcast %get3A_19 : vector<1x8xf32> to vector<2000x8xf32>
    %add3A_21 = arith.addf %dot_general3A_16, %add3A_20 : vector<2000x8xf32>
    %get3A_22 = arith.constant 0 : index
    %get3A_23 = arith.constant 0 : index
    %get3A_24 = vector.load %arg3[%get3A_22, %get3A_23] : memref<2000x8xf32, #tpu.memory_space<vmem>>, vector<2000x8xf32>
    %add3A_25 = arith.addf %add3A_21, %get3A_24 : vector<2000x8xf32>
    %reduce_max3A = arith.constant dense<0xFF800000> : vector<2000xf32>
    %reduce_max3A_26 = vector.multi_reduction <maximumf>, %add3A_25, %reduce_max3A [1] : vector<2000x8xf32> to vector<2000xf32>
    %broadcast_in_dim3A = vector.shape_cast %reduce_max3A_26 : vector<2000xf32> to vector<2000x1xf32>
    %sub3A = vector.broadcast %broadcast_in_dim3A : vector<2000x1xf32> to vector<2000x8xf32>
    %sub3A_27 = arith.subf %add3A_25, %sub3A : vector<2000x8xf32>
    %exp3A = math.exp %sub3A_27 : vector<2000x8xf32>
    %reduce_sum3A = arith.constant dense<0.000000e+00> : vector<2000xf32>
    %reduce_sum3A_28 = vector.multi_reduction <add>, %exp3A, %reduce_sum3A [1] : vector<2000x8xf32> to vector<2000xf32>
    %broadcast_in_dim3A_29 = vector.shape_cast %reduce_sum3A_28 : vector<2000xf32> to vector<2000x1xf32>
    %div3A = vector.broadcast %broadcast_in_dim3A_29 : vector<2000x1xf32> to vector<2000x8xf32>
    %div3A_30 = arith.divf %exp3A, %div3A : vector<2000x8xf32>
    %get3A_31 = arith.constant 0 : index
    %get3A_32 = arith.constant 0 : index
    %get3A_33 = vector.load %arg2[%get3A_31, %get3A_32] : memref<2000x1xi32, #tpu.memory_space<vmem>>, vector<2000x1xi32>
    %iota3A = tpu.iota {dimensions = array<i32: 1>} : vector<2000x16xi32>
    %eq3A = vector.broadcast %get3A_33 : vector<2000x1xi32> to vector<2000x16xi32>
    %eq3A_34 = arith.cmpi eq, %iota3A, %eq3A : vector<2000x16xi32>
    %convert_element_type3A = arith.extui %eq3A_34 : vector<2000x16xi1> to vector<2000x16xi32>
    %convert_element_type3A_35 = arith.sitofp %convert_element_type3A : vector<2000x16xi32> to vector<2000x16xf32>
    %broadcast_in_dim3A_36 = arith.constant 1.000000e+00 : f32
    %broadcast_in_dim3A_37 = vector.broadcast %broadcast_in_dim3A_36 : f32 to vector<2000x1xf32>
    %slice3A = vector.extract_strided_slice %div3A_30 {offsets = [0, 0], sizes = [2000, 1], strides = [1, 1]} : vector<2000x8xf32> to vector<2000x1xf32>
    %mul3A = vector.broadcast %slice3A : vector<2000x1xf32> to vector<2000x16xf32>
    %mul3A_38 = arith.mulf %mul3A, %convert_element_type3A_35 : vector<2000x16xf32>
    %slice3A_39 = vector.extract_strided_slice %div3A_30 {offsets = [0, 1], sizes = [2000, 1], strides = [1, 1]} : vector<2000x8xf32> to vector<2000x1xf32>
    %mul3A_40 = vector.broadcast %slice3A_39 : vector<2000x1xf32> to vector<2000x16xf32>
    %mul3A_41 = arith.mulf %mul3A_40, %convert_element_type3A_35 : vector<2000x16xf32>
    %slice3A_42 = vector.extract_strided_slice %div3A_30 {offsets = [0, 2], sizes = [2000, 1], strides = [1, 1]} : vector<2000x8xf32> to vector<2000x1xf32>
    %mul3A_43 = vector.broadcast %slice3A_42 : vector<2000x1xf32> to vector<2000x16xf32>
    %mul3A_44 = arith.mulf %mul3A_43, %convert_element_type3A_35 : vector<2000x16xf32>
    %slice3A_45 = vector.extract_strided_slice %div3A_30 {offsets = [0, 3], sizes = [2000, 1], strides = [1, 1]} : vector<2000x8xf32> to vector<2000x1xf32>
    %mul3A_46 = vector.broadcast %slice3A_45 : vector<2000x1xf32> to vector<2000x16xf32>
    %mul3A_47 = arith.mulf %mul3A_46, %convert_element_type3A_35 : vector<2000x16xf32>
    %slice3A_48 = vector.extract_strided_slice %div3A_30 {offsets = [0, 4], sizes = [2000, 1], strides = [1, 1]} : vector<2000x8xf32> to vector<2000x1xf32>
    %mul3A_49 = vector.broadcast %slice3A_48 : vector<2000x1xf32> to vector<2000x16xf32>
    %mul3A_50 = arith.mulf %mul3A_49, %convert_element_type3A_35 : vector<2000x16xf32>
    %slice3A_51 = vector.extract_strided_slice %div3A_30 {offsets = [0, 5], sizes = [2000, 1], strides = [1, 1]} : vector<2000x8xf32> to vector<2000x1xf32>
    %mul3A_52 = vector.broadcast %slice3A_51 : vector<2000x1xf32> to vector<2000x16xf32>
    %mul3A_53 = arith.mulf %mul3A_52, %convert_element_type3A_35 : vector<2000x16xf32>
    %slice3A_54 = vector.extract_strided_slice %div3A_30 {offsets = [0, 6], sizes = [2000, 1], strides = [1, 1]} : vector<2000x8xf32> to vector<2000x1xf32>
    %mul3A_55 = vector.broadcast %slice3A_54 : vector<2000x1xf32> to vector<2000x16xf32>
    %mul3A_56 = arith.mulf %mul3A_55, %convert_element_type3A_35 : vector<2000x16xf32>
    %slice3A_57 = vector.extract_strided_slice %div3A_30 {offsets = [0, 7], sizes = [2000, 1], strides = [1, 1]} : vector<2000x8xf32> to vector<2000x1xf32>
    %mul3A_58 = vector.broadcast %slice3A_57 : vector<2000x1xf32> to vector<2000x16xf32>
    %mul3A_59 = arith.mulf %mul3A_58, %convert_element_type3A_35 : vector<2000x16xf32>
    %concatenate3A = tpu.concatenate %mul3A_38, %mul3A_41, %mul3A_44, %mul3A_47, %mul3A_50, %mul3A_53, %mul3A_56, %mul3A_59 in 1 : vector<2000x16xf32>, vector<2000x16xf32>, vector<2000x16xf32>, vector<2000x16xf32>, vector<2000x16xf32>, vector<2000x16xf32>, vector<2000x16xf32>, vector<2000x16xf32> -> vector<2000x128xf32>
    %dot_general3A_60 = arith.constant dense<0.000000e+00> : vector<16x128xf32>
    %dot_general3A_61 = tpu.matmul %convert_element_type3A_35, %get3A_1, %dot_general3A_60 {dimension_numbers = #tpu.dot_dimension_numbers<[0], [0], [1], [1], [0, 1, 1, 1], [], []>, precision = #tpu.contract_precision<fp32>, transpose_lhs_hint = false} : vector<2000x16xf32>, vector<2000x128xf32>, vector<16x128xf32> -> vector<16x128xf32>
    %dot_general3A_62 = arith.constant dense<0.000000e+00> : vector<16x1xf32>
    %dot_general3A_63 = tpu.matmul %convert_element_type3A_35, %broadcast_in_dim3A_37, %dot_general3A_62 {dimension_numbers = #tpu.dot_dimension_numbers<[0], [0], [1], [1], [0, 1, 1, 1], [], []>, precision = #tpu.contract_precision<fp32>, transpose_lhs_hint = false} : vector<2000x16xf32>, vector<2000x1xf32>, vector<16x1xf32> -> vector<16x1xf32>
    %dot_general3A_64 = arith.constant dense<0.000000e+00> : vector<128x128xf32>
    %dot_general3A_65 = tpu.matmul %concatenate3A, %get3A_1, %dot_general3A_64 {dimension_numbers = #tpu.dot_dimension_numbers<[0], [0], [1], [1], [0, 1, 1, 1], [], []>, precision = #tpu.contract_precision<fp32>, transpose_lhs_hint = false} : vector<2000x128xf32>, vector<2000x128xf32>, vector<128x128xf32> -> vector<128x128xf32>
    %dot_general3A_66 = arith.constant dense<0.000000e+00> : vector<128x1xf32>
    %dot_general3A_67 = tpu.matmul %concatenate3A, %broadcast_in_dim3A_37, %dot_general3A_66 {dimension_numbers = #tpu.dot_dimension_numbers<[0], [0], [1], [1], [0, 1, 1, 1], [], []>, precision = #tpu.contract_precision<fp32>, transpose_lhs_hint = false} : vector<2000x128xf32>, vector<2000x1xf32>, vector<128x1xf32> -> vector<128x1xf32>
    %eq3A_68 = arith.constant 0 : i32
    %eq3A_69 = arith.cmpi eq, %arg0, %eq3A_68 : i32
    %convert_element_type3A_70 = arith.extui %eq3A_69 : i1 to i32
    %cond3A = arith.constant 0 : i32
    %cond3A_71 = arith.cmpi ne, %convert_element_type3A_70, %cond3A : i32
    scf.if %cond3A_71 {
      %swap3A = arith.constant 0 : index
      %swap3A_81 = arith.constant 0 : index
      %swap3A_82 = vector.load %arg20[%swap3A, %swap3A_81] : memref<16x128xf32, #tpu.memory_space<vmem>>, vector<16x128xf32>
      tpu.vector_store %arg20[%swap3A, %swap3A_81], %dot_general3A_61 {strides = array<i32>} : memref<16x128xf32, #tpu.memory_space<vmem>>, vector<16x128xf32>,
      %swap3A_83 = arith.constant 0 : index
      %swap3A_84 = arith.constant 0 : index
      %swap3A_85 = vector.load %arg21[%swap3A_83, %swap3A_84] : memref<16x1xf32, #tpu.memory_space<vmem>>, vector<16x1xf32>
      tpu.vector_store %arg21[%swap3A_83, %swap3A_84], %dot_general3A_63 {strides = array<i32>} : memref<16x1xf32, #tpu.memory_space<vmem>>, vector<16x1xf32>,
      %swap3A_86 = arith.constant 0 : index
      %swap3A_87 = arith.constant 0 : index
      %swap3A_88 = vector.load %arg22[%swap3A_86, %swap3A_87] : memref<128x128xf32, #tpu.memory_space<vmem>>, vector<128x128xf32>
      tpu.vector_store %arg22[%swap3A_86, %swap3A_87], %dot_general3A_65 {strides = array<i32>} : memref<128x128xf32, #tpu.memory_space<vmem>>, vector<128x128xf32>,
      %swap3A_89 = arith.constant 0 : index
      %swap3A_90 = arith.constant 0 : index
      %swap3A_91 = vector.load %arg23[%swap3A_89, %swap3A_90] : memref<128x1xf32, #tpu.memory_space<vmem>>, vector<128x1xf32>
      tpu.vector_store %arg23[%swap3A_89, %swap3A_90], %dot_general3A_67 {strides = array<i32>} : memref<128x1xf32, #tpu.memory_space<vmem>>, vector<128x1xf32>,
    } else {
    }
    %gt3A = arith.constant 0 : i32
    %gt3A_72 = arith.cmpi sgt, %arg0, %gt3A : i32
    %convert_element_type3A_73 = arith.extui %gt3A_72 : i1 to i32
    %cond3A_74 = arith.constant 0 : i32
    %cond3A_75 = arith.cmpi ne, %convert_element_type3A_73, %cond3A_74 : i32
    scf.if %cond3A_75 {
      %get3A_81 = arith.constant 0 : index
      %get3A_82 = arith.constant 0 : index
      %get3A_83 = vector.load %arg20[%get3A_81, %get3A_82] : memref<16x128xf32, #tpu.memory_space<vmem>>, vector<16x128xf32>
      %add3A_84 = arith.addf %get3A_83, %dot_general3A_61 : vector<16x128xf32>
      %swap3A = arith.constant 0 : index
      %swap3A_85 = arith.constant 0 : index
      %swap3A_86 = vector.load %arg20[%swap3A, %swap3A_85] : memref<16x128xf32, #tpu.memory_space<vmem>>, vector<16x128xf32>
      tpu.vector_store %arg20[%swap3A, %swap3A_85], %add3A_84 {strides = array<i32>} : memref<16x128xf32, #tpu.memory_space<vmem>>, vector<16x128xf32>,
      %get3A_87 = arith.constant 0 : index
      %get3A_88 = arith.constant 0 : index
      %get3A_89 = vector.load %arg21[%get3A_87, %get3A_88] : memref<16x1xf32, #tpu.memory_space<vmem>>, vector<16x1xf32>
      %add3A_90 = arith.addf %get3A_89, %dot_general3A_63 : vector<16x1xf32>
      %swap3A_91 = arith.constant 0 : index
      %swap3A_92 = arith.constant 0 : index
      %swap3A_93 = vector.load %arg21[%swap3A_91, %swap3A_92] : memref<16x1xf32, #tpu.memory_space<vmem>>, vector<16x1xf32>
      tpu.vector_store %arg21[%swap3A_91, %swap3A_92], %add3A_90 {strides = array<i32>} : memref<16x1xf32, #tpu.memory_space<vmem>>, vector<16x1xf32>,
      %get3A_94 = arith.constant 0 : index
      %get3A_95 = arith.constant 0 : index
      %get3A_96 = vector.load %arg22[%get3A_94, %get3A_95] : memref<128x128xf32, #tpu.memory_space<vmem>>, vector<128x128xf32>
      %add3A_97 = arith.addf %get3A_96, %dot_general3A_65 : vector<128x128xf32>
      %swap3A_98 = arith.constant 0 : index
      %swap3A_99 = arith.constant 0 : index
      %swap3A_100 = vector.load %arg22[%swap3A_98, %swap3A_99] : memref<128x128xf32, #tpu.memory_space<vmem>>, vector<128x128xf32>
      tpu.vector_store %arg22[%swap3A_98, %swap3A_99], %add3A_97 {strides = array<i32>} : memref<128x128xf32, #tpu.memory_space<vmem>>, vector<128x128xf32>,
      %get3A_101 = arith.constant 0 : index
      %get3A_102 = arith.constant 0 : index
      %get3A_103 = vector.load %arg23[%get3A_101, %get3A_102] : memref<128x1xf32, #tpu.memory_space<vmem>>, vector<128x1xf32>
      %add3A_104 = arith.addf %get3A_103, %dot_general3A_67 : vector<128x1xf32>
      %swap3A_105 = arith.constant 0 : index
      %swap3A_106 = arith.constant 0 : index
      %swap3A_107 = vector.load %arg23[%swap3A_105, %swap3A_106] : memref<128x1xf32, #tpu.memory_space<vmem>>, vector<128x1xf32>
      tpu.vector_store %arg23[%swap3A_105, %swap3A_106], %add3A_104 {strides = array<i32>} : memref<128x1xf32, #tpu.memory_space<vmem>>, vector<128x1xf32>,
    } else {
    }
    %eq3A_76 = arith.constant 4 : i32
    %eq3A_77 = arith.cmpi eq, %arg0, %eq3A_76 : i32
    %convert_element_type3A_78 = arith.extui %eq3A_77 : i1 to i32
    %cond3A_79 = arith.constant 0 : i32
    %cond3A_80 = arith.cmpi ne, %convert_element_type3A_78, %cond3A_79 : i32
    scf.if %cond3A_80 {
      %get3A_81 = arith.constant 0 : index
      %get3A_82 = arith.constant 0 : index
      %get3A_83 = vector.load %arg20[%get3A_81, %get3A_82] : memref<16x128xf32, #tpu.memory_space<vmem>>, vector<16x128xf32>
      %get3A_84 = arith.constant 0 : index
      %get3A_85 = arith.constant 0 : index
      %get3A_86 = vector.load %arg21[%get3A_84, %get3A_85] : memref<16x1xf32, #tpu.memory_space<vmem>>, vector<16x1xf32>
      %max3A_87 = arith.constant 1.000000e+00 : f32
      %max3A_88 = vector.broadcast %max3A_87 : f32 to vector<16x1xf32>
      %max3A_89 = arith.maximumf %get3A_86, %max3A_88 : vector<16x1xf32>
      %div3A_90 = vector.broadcast %max3A_89 : vector<16x1xf32> to vector<16x128xf32>
      %div3A_91 = arith.divf %get3A_83, %div3A_90 : vector<16x128xf32>
      %get3A_92 = arith.constant 0 : index
      %get3A_93 = arith.constant 0 : index
      %get3A_94 = vector.load %arg22[%get3A_92, %get3A_93] : memref<128x128xf32, #tpu.memory_space<vmem>>, vector<128x128xf32>
      %get3A_95 = arith.constant 0 : index
      %get3A_96 = arith.constant 0 : index
      %get3A_97 = vector.load %arg23[%get3A_95, %get3A_96] : memref<128x1xf32, #tpu.memory_space<vmem>>, vector<128x1xf32>
      %add3A_98 = arith.constant 9.99999993E-9 : f32
      %add3A_99 = vector.broadcast %add3A_98 : f32 to vector<128x1xf32>
      %add3A_100 = arith.addf %get3A_97, %add3A_99 : vector<128x1xf32>
      %div3A_101 = vector.broadcast %add3A_100 : vector<128x1xf32> to vector<128x128xf32>
      %div3A_102 = arith.divf %get3A_94, %div3A_101 : vector<128x128xf32>
      %get3A_103 = arith.constant 0 : index
      %get3A_104 = arith.constant 0 : index
      %get3A_105 = vector.load %arg8[%get3A_103, %get3A_104] : memref<128x128xf32, #tpu.memory_space<vmem>>, vector<128x128xf32>
      %dot_general3A_106 = arith.constant dense<0.000000e+00> : vector<128x128xf32>
      %dot_general3A_107 = tpu.matmul %div3A_102, %get3A_105, %dot_general3A_106 {dimension_numbers = #tpu.dot_dimension_numbers<[1], [0], [0], [1], [0, 0, 1, 1], [], []>, transpose_lhs_hint = false} : vector<128x128xf32>, vector<128x128xf32>, vector<128x128xf32> -> vector<128x128xf32>
      %get3A_108 = arith.constant 0 : index
      %get3A_109 = arith.constant 0 : index
      %get3A_110 = vector.load %arg9[%get3A_108, %get3A_109] : memref<1x128xf32, #tpu.memory_space<vmem>>, vector<1x128xf32>
      %add3A_111 = vector.broadcast %get3A_110 : vector<1x128xf32> to vector<128x128xf32>
      %add3A_112 = arith.addf %dot_general3A_107, %add3A_111 : vector<128x128xf32>
      %max3A_113 = arith.constant 0.000000e+00 : f32
      %max3A_114 = vector.broadcast %max3A_113 : f32 to vector<128x128xf32>
      %max3A_115 = arith.maximumf %add3A_112, %max3A_114 : vector<128x128xf32>
      %reduce_sum3A_116 = arith.constant dense<0.000000e+00> : vector<128xf32>
      %reduce_sum3A_117 = vector.multi_reduction <add>, %max3A_115, %reduce_sum3A_116 [1] : vector<128x128xf32> to vector<128xf32>
      %broadcast_in_dim3A_118 = vector.shape_cast %reduce_sum3A_117 : vector<128xf32> to vector<128x1xf32>
      %div3A_119 = arith.constant 1.280000e+02 : f32
      %div3A_120 = vector.broadcast %div3A_119 : f32 to vector<128x1xf32>
      %div3A_121 = arith.divf %broadcast_in_dim3A_118, %div3A_120 : vector<128x1xf32>
      %sub3A_122 = vector.broadcast %div3A_121 : vector<128x1xf32> to vector<128x128xf32>
      %sub3A_123 = arith.subf %max3A_115, %sub3A_122 : vector<128x128xf32>
      %integer_pow3A = arith.mulf %sub3A_123, %sub3A_123 : vector<128x128xf32>
      %reduce_sum3A_124 = arith.constant dense<0.000000e+00> : vector<128xf32>
      %reduce_sum3A_125 = vector.multi_reduction <add>, %integer_pow3A, %reduce_sum3A_124 [1] : vector<128x128xf32> to vector<128xf32>
      %broadcast_in_dim3A_126 = vector.shape_cast %reduce_sum3A_125 : vector<128xf32> to vector<128x1xf32>
      %div3A_127 = arith.constant 1.280000e+02 : f32
      %div3A_128 = vector.broadcast %div3A_127 : f32 to vector<128x1xf32>
      %div3A_129 = arith.divf %broadcast_in_dim3A_126, %div3A_128 : vector<128x1xf32>
      %sub3A_130 = vector.broadcast %div3A_121 : vector<128x1xf32> to vector<128x128xf32>
      %sub3A_131 = arith.subf %max3A_115, %sub3A_130 : vector<128x128xf32>
      %add3A_132 = arith.constant 9.99999974E-6 : f32
      %add3A_133 = vector.broadcast %add3A_132 : f32 to vector<128x1xf32>
      %add3A_134 = arith.addf %div3A_129, %add3A_133 : vector<128x1xf32>
      %sqrt3A = math.sqrt %add3A_134 : vector<128x1xf32>
      %div3A_135 = vector.broadcast %sqrt3A : vector<128x1xf32> to vector<128x128xf32>
      %div3A_136 = arith.divf %sub3A_131, %div3A_135 : vector<128x128xf32>
      %get3A_137 = arith.constant 0 : index
      %get3A_138 = arith.constant 0 : index
      %get3A_139 = vector.load %arg10[%get3A_137, %get3A_138] : memref<1x128xf32, #tpu.memory_space<vmem>>, vector<1x128xf32>
      %mul3A_140 = vector.broadcast %get3A_139 : vector<1x128xf32> to vector<128x128xf32>
      %mul3A_141 = arith.mulf %div3A_136, %mul3A_140 : vector<128x128xf32>
      %get3A_142 = arith.constant 0 : index
      %get3A_143 = arith.constant 0 : index
      %get3A_144 = vector.load %arg11[%get3A_142, %get3A_143] : memref<1x128xf32, #tpu.memory_space<vmem>>, vector<1x128xf32>
      %add3A_145 = vector.broadcast %get3A_144 : vector<1x128xf32> to vector<128x128xf32>
      %add3A_146 = arith.addf %mul3A_141, %add3A_145 : vector<128x128xf32>
      %slice3A_147 = vector.extract_strided_slice %add3A_146 {offsets = [0, 0], sizes = [16, 128], strides = [1, 1]} : vector<128x128xf32> to vector<16x128xf32>
      %slice3A_148 = vector.extract_strided_slice %add3A_146 {offsets = [16, 0], sizes = [16, 128], strides = [1, 1]} : vector<128x128xf32> to vector<16x128xf32>
      %max3A_149 = arith.maximumf %slice3A_147, %slice3A_148 : vector<16x128xf32>
      %slice3A_150 = vector.extract_strided_slice %add3A_146 {offsets = [32, 0], sizes = [16, 128], strides = [1, 1]} : vector<128x128xf32> to vector<16x128xf32>
      %max3A_151 = arith.maximumf %max3A_149, %slice3A_150 : vector<16x128xf32>
      %slice3A_152 = vector.extract_strided_slice %add3A_146 {offsets = [48, 0], sizes = [16, 128], strides = [1, 1]} : vector<128x128xf32> to vector<16x128xf32>
      %max3A_153 = arith.maximumf %max3A_151, %slice3A_152 : vector<16x128xf32>
      %slice3A_154 = vector.extract_strided_slice %add3A_146 {offsets = [64, 0], sizes = [16, 128], strides = [1, 1]} : vector<128x128xf32> to vector<16x128xf32>
      %max3A_155 = arith.maximumf %max3A_153, %slice3A_154 : vector<16x128xf32>
      %slice3A_156 = vector.extract_strided_slice %add3A_146 {offsets = [80, 0], sizes = [16, 128], strides = [1, 1]} : vector<128x128xf32> to vector<16x128xf32>
      %max3A_157 = arith.maximumf %max3A_155, %slice3A_156 : vector<16x128xf32>
      %slice3A_158 = vector.extract_strided_slice %add3A_146 {offsets = [96, 0], sizes = [16, 128], strides = [1, 1]} : vector<128x128xf32> to vector<16x128xf32>
      %max3A_159 = arith.maximumf %max3A_157, %slice3A_158 : vector<16x128xf32>
      %slice3A_160 = vector.extract_strided_slice %add3A_146 {offsets = [112, 0], sizes = [16, 128], strides = [1, 1]} : vector<128x128xf32> to vector<16x128xf32>
      %max3A_161 = arith.maximumf %max3A_159, %slice3A_160 : vector<16x128xf32>
      %get3A_162 = arith.constant 0 : index
      %get3A_163 = arith.constant 0 : index
      %get3A_164 = vector.load %arg12[%get3A_162, %get3A_163] : memref<128x128xf32, #tpu.memory_space<vmem>>, vector<128x128xf32>
      %dot_general3A_165 = arith.constant dense<0.000000e+00> : vector<16x128xf32>
      %dot_general3A_166 = tpu.matmul %div3A_91, %get3A_164, %dot_general3A_165 {dimension_numbers = #tpu.dot_dimension_numbers<[1], [0], [0], [1], [0, 0, 1, 1], [], []>, transpose_lhs_hint = false} : vector<16x128xf32>, vector<128x128xf32>, vector<16x128xf32> -> vector<16x128xf32>
      %get3A_167 = arith.constant 0 : index
      %get3A_168 = arith.constant 0 : index
      %get3A_169 = vector.load %arg13[%get3A_167, %get3A_168] : memref<128x128xf32, #tpu.memory_space<vmem>>, vector<128x128xf32>
      %dot_general3A_170 = arith.constant dense<0.000000e+00> : vector<16x128xf32>
      %dot_general3A_171 = tpu.matmul %max3A_161, %get3A_169, %dot_general3A_170 {dimension_numbers = #tpu.dot_dimension_numbers<[1], [0], [0], [1], [0, 0, 1, 1], [], []>, transpose_lhs_hint = false} : vector<16x128xf32>, vector<128x128xf32>, vector<16x128xf32> -> vector<16x128xf32>
      %add3A_172 = arith.addf %dot_general3A_166, %dot_general3A_171 : vector<16x128xf32>
      %get3A_173 = arith.constant 0 : index
      %get3A_174 = arith.constant 0 : index
      %get3A_175 = vector.load %arg14[%get3A_173, %get3A_174] : memref<1x128xf32, #tpu.memory_space<vmem>>, vector<1x128xf32>
      %add3A_176 = vector.broadcast %get3A_175 : vector<1x128xf32> to vector<16x128xf32>
      %add3A_177 = arith.addf %add3A_172, %add3A_176 : vector<16x128xf32>
      %get3A_178 = arith.constant 0 : index
      %get3A_179 = arith.constant 0 : index
      %get3A_180 = vector.load %arg15[%get3A_178, %get3A_179] : memref<1x128xf32, #tpu.memory_space<vmem>>, vector<1x128xf32>
      %get3A_181 = arith.constant 0 : index
      %get3A_182 = arith.constant 0 : index
      %get3A_183 = vector.load %arg16[%get3A_181, %get3A_182] : memref<1x128xf32, #tpu.memory_space<vmem>>, vector<1x128xf32>
      %reduce_sum3A_184 = arith.constant dense<0.000000e+00> : vector<128xf32>
      %reduce_sum3A_185 = vector.multi_reduction <add>, %add3A_177, %reduce_sum3A_184 [0] : vector<16x128xf32> to vector<128xf32>
      %broadcast_in_dim3A_186 = vector.shape_cast %reduce_sum3A_185 : vector<128xf32> to vector<1x128xf32>
      %div3A_187 = arith.constant 1.600000e+01 : f32
      %div3A_188 = vector.broadcast %div3A_187 : f32 to vector<1x128xf32>
      %div3A_189 = arith.divf %broadcast_in_dim3A_186, %div3A_188 : vector<1x128xf32>
      %sub3A_190 = vector.broadcast %div3A_189 : vector<1x128xf32> to vector<16x128xf32>
      %sub3A_191 = arith.subf %add3A_177, %sub3A_190 : vector<16x128xf32>
      %integer_pow3A_192 = arith.mulf %sub3A_191, %sub3A_191 : vector<16x128xf32>
      %reduce_sum3A_193 = arith.constant dense<0.000000e+00> : vector<128xf32>
      %reduce_sum3A_194 = vector.multi_reduction <add>, %integer_pow3A_192, %reduce_sum3A_193 [0] : vector<16x128xf32> to vector<128xf32>
      %broadcast_in_dim3A_195 = vector.shape_cast %reduce_sum3A_194 : vector<128xf32> to vector<1x128xf32>
      %div3A_196 = arith.constant 1.600000e+01 : f32
      %div3A_197 = vector.broadcast %div3A_196 : f32 to vector<1x128xf32>
      %div3A_198 = arith.divf %broadcast_in_dim3A_195, %div3A_197 : vector<1x128xf32>
      %sub3A_199 = vector.broadcast %div3A_189 : vector<1x128xf32> to vector<16x128xf32>
      %sub3A_200 = arith.subf %add3A_177, %sub3A_199 : vector<16x128xf32>
      %add3A_201 = arith.constant 9.99999974E-6 : f32
      %add3A_202 = vector.broadcast %add3A_201 : f32 to vector<1x128xf32>
      %add3A_203 = arith.addf %div3A_198, %add3A_202 : vector<1x128xf32>
      %sqrt3A_204 = math.sqrt %add3A_203 : vector<1x128xf32>
      %div3A_205 = vector.broadcast %sqrt3A_204 : vector<1x128xf32> to vector<16x128xf32>
      %div3A_206 = arith.divf %sub3A_200, %div3A_205 : vector<16x128xf32>
      %mul3A_207 = vector.broadcast %get3A_180 : vector<1x128xf32> to vector<16x128xf32>
      %mul3A_208 = arith.mulf %div3A_206, %mul3A_207 : vector<16x128xf32>
      %add3A_209 = vector.broadcast %get3A_183 : vector<1x128xf32> to vector<16x128xf32>
      %add3A_210 = arith.addf %mul3A_208, %add3A_209 : vector<16x128xf32>
      %max3A_211 = arith.constant 0.000000e+00 : f32
      %max3A_212 = vector.broadcast %max3A_211 : f32 to vector<16x128xf32>
      %max3A_213 = arith.maximumf %add3A_210, %max3A_212 : vector<16x128xf32>
      %get3A_214 = arith.constant 0 : index
      %get3A_215 = arith.constant 0 : index
      %get3A_216 = vector.load %arg17[%get3A_214, %get3A_215] : memref<128x10xf32, #tpu.memory_space<vmem>>, vector<128x10xf32>
      %dot_general3A_217 = arith.constant dense<0.000000e+00> : vector<16x10xf32>
      %dot_general3A_218 = tpu.matmul %max3A_213, %get3A_216, %dot_general3A_217 {dimension_numbers = #tpu.dot_dimension_numbers<[1], [0], [0], [1], [0, 0, 1, 1], [], []>, transpose_lhs_hint = false} : vector<16x128xf32>, vector<128x10xf32>, vector<16x10xf32> -> vector<16x10xf32>
      %get3A_219 = arith.constant 0 : index
      %get3A_220 = arith.constant 0 : index
      %get3A_221 = vector.load %arg18[%get3A_219, %get3A_220] : memref<1x10xf32, #tpu.memory_space<vmem>>, vector<1x10xf32>
      %add3A_222 = vector.broadcast %get3A_221 : vector<1x10xf32> to vector<16x10xf32>
      %add3A_223 = arith.addf %dot_general3A_218, %add3A_222 : vector<16x10xf32>
      %swap3A = arith.constant 0 : index
      %swap3A_224 = arith.constant 0 : index
      %swap3A_225 = vector.load %arg19[%swap3A, %swap3A_224] : memref<16x10xf32, #tpu.memory_space<vmem>>, vector<16x10xf32>
      tpu.vector_store %arg19[%swap3A, %swap3A_224], %add3A_223 {strides = array<i32>} : memref<16x10xf32, #tpu.memory_space<vmem>>, vector<16x10xf32>,
    } else {
    }
    return
  }
  func.func @transform_0(%arg0: i32) -> (i32, i32) {
    %c0_i32 = arith.constant 0 : i32
    %c0_i32_0 = arith.constant 0 : i32
    return %arg0, %c0_i32 : i32, i32
  }
  func.func @transform_1(%arg0: i32) -> (i32, i32) {
    %c0_i32 = arith.constant 0 : i32
    %c0_i32_0 = arith.constant 0 : i32
    return %arg0, %c0_i32 : i32, i32
  }
  func.func @transform_2(%arg0: i32) -> (i32, i32) {
    %c0_i32 = arith.constant 0 : i32
    %c0_i32_0 = arith.constant 0 : i32
    return %arg0, %c0_i32 : i32, i32
  }
  func.func @transform_3(%arg0: i32) -> (i32, i32) {
    %c0_i32 = arith.constant 0 : i32
    %c0_i32_0 = arith.constant 0 : i32
    %c0_i32_1 = arith.constant 0 : i32
    return %c0_i32, %c0_i32_0 : i32, i32
  }
  func.func @transform_4(%arg0: i32) -> (i32, i32) {
    %c0_i32 = arith.constant 0 : i32
    %c0_i32_0 = arith.constant 0 : i32
    %c0_i32_1 = arith.constant 0 : i32
    return %c0_i32, %c0_i32_0 : i32, i32
  }
  func.func @transform_5(%arg0: i32) -> (i32, i32) {
    %c0_i32 = arith.constant 0 : i32
    %c0_i32_0 = arith.constant 0 : i32
    %c0_i32_1 = arith.constant 0 : i32
    return %c0_i32, %c0_i32_0 : i32, i32
  }
  func.func @transform_6(%arg0: i32) -> (i32, i32) {
    %c0_i32 = arith.constant 0 : i32
    %c0_i32_0 = arith.constant 0 : i32
    %c0_i32_1 = arith.constant 0 : i32
    return %c0_i32, %c0_i32_0 : i32, i32
  }
  func.func @transform_7(%arg0: i32) -> (i32, i32) {
    %c0_i32 = arith.constant 0 : i32
    %c0_i32_0 = arith.constant 0 : i32
    %c0_i32_1 = arith.constant 0 : i32
    return %c0_i32, %c0_i32_0 : i32, i32
  }
  func.func @transform_8(%arg0: i32) -> (i32, i32) {
    %c0_i32 = arith.constant 0 : i32
    %c0_i32_0 = arith.constant 0 : i32
    %c0_i32_1 = arith.constant 0 : i32
    return %c0_i32, %c0_i32_0 : i32, i32
  }
  func.func @transform_9(%arg0: i32) -> (i32, i32) {
    %c0_i32 = arith.constant 0 : i32
    %c0_i32_0 = arith.constant 0 : i32
    %c0_i32_1 = arith.constant 0 : i32
    return %c0_i32, %c0_i32_0 : i32, i32
  }
  func.func @transform_10(%arg0: i32) -> (i32, i32) {
    %c0_i32 = arith.constant 0 : i32
    %c0_i32_0 = arith.constant 0 : i32
    %c0_i32_1 = arith.constant 0 : i32
    return %c0_i32, %c0_i32_0 : i32, i32
  }
  func.func @transform_11(%arg0: i32) -> (i32, i32) {
    %c0_i32 = arith.constant 0 : i32
    %c0_i32_0 = arith.constant 0 : i32
    %c0_i32_1 = arith.constant 0 : i32
    return %c0_i32, %c0_i32_0 : i32, i32
  }
  func.func @transform_12(%arg0: i32) -> (i32, i32) {
    %c0_i32 = arith.constant 0 : i32
    %c0_i32_0 = arith.constant 0 : i32
    %c0_i32_1 = arith.constant 0 : i32
    return %c0_i32, %c0_i32_0 : i32, i32
  }
  func.func @transform_13(%arg0: i32) -> (i32, i32) {
    %c0_i32 = arith.constant 0 : i32
    %c0_i32_0 = arith.constant 0 : i32
    %c0_i32_1 = arith.constant 0 : i32
    return %c0_i32, %c0_i32_0 : i32, i32
  }
  func.func @transform_14(%arg0: i32) -> (i32, i32) {
    %c0_i32 = arith.constant 0 : i32
    %c0_i32_0 = arith.constant 0 : i32
    %c0_i32_1 = arith.constant 0 : i32
    return %c0_i32, %c0_i32_0 : i32, i32
  }
  func.func @transform_15(%arg0: i32) -> (i32, i32) {
    %c0_i32 = arith.constant 0 : i32
    %c0_i32_0 = arith.constant 0 : i32
    %c0_i32_1 = arith.constant 0 : i32
    return %c0_i32, %c0_i32_0 : i32, i32
  }
  func.func @transform_16(%arg0: i32) -> (i32, i32) {
    %c0_i32 = arith.constant 0 : i32
    %c0_i32_0 = arith.constant 0 : i32
    %c0_i32_1 = arith.constant 0 : i32
    return %c0_i32, %c0_i32_0 : i32, i32
  }
  func.func @transform_17(%arg0: i32) -> (i32, i32) {
    %c0_i32 = arith.constant 0 : i32
    %c0_i32_0 = arith.constant 0 : i32
    %c0_i32_1 = arith.constant 0 : i32
    return %c0_i32, %c0_i32_0 : i32, i32
  }
  func.func @transform_18(%arg0: i32) -> (i32, i32) {
    %c0_i32 = arith.constant 0 : i32
    %c0_i32_0 = arith.constant 0 : i32
    %c0_i32_1 = arith.constant 0 : i32
    return %c0_i32, %c0_i32_0 : i32, i32
  }
}

</mosaic_0001>

<sc_bundles>
// kernel: kernel.11.cloned.1.call-start
scs
__scs_entry_jumppad:
0x0: {  	(pc) =	sbr.rel $0x88, $3  }
0x1: {  	(tag) =	ssettag $0x0;
	lr =	simm.s32 $0x1  }
0x2: {  	[smem:$0x3F6F] =	sst lr;
	_ =	strace $0xD0000000  }
0x3: {  	_ = 	snop  }
0x4: {  	_ = 	snop  }
0x5: {  	_ = 	snop  }
0x6: {  	_ = 	snop  }
0x7: {  	_ = 	snop  }
__scs_overlays_trampoline_lowered:
0x8: {  	[smem:$0x3F7E] =	sst s0  }
0x9: {  	[smem:$0x3F7F] =	sst s1  }
0xa: {  	[smem:$0x3F80] =	sst s2  }
0xb: {  	[smem:$0x3F81] =	sst s3  }
0xc: {  	[smem:$0x3F82] =	sst s4  }
0xd: {  	[smem:$0x3F83] =	sst s5  }
0xe: {  	[smem:$0x3F84] =	sst s6  }
0xf: {  	[smem:$0x3F85] =	sst s7  }
0x10: {  	[smem:$0x3F86] =	sst s8  }
0x11: {  	[smem:$0x3F87] =	sst s9;
	s0 =	simm.s32 @!p0 $0x0  }
0x12: {  	s1 =	sld [smem:$0x3F6D];
	s0 =	simm.s32 @p0 $0x1  }
0x13: {  	[smem:$0x3F88] =	sst s0;
	s0 =	simm.s32 @!p1 $0x0  }
0x14: {  	s2 =	sld [smem:$0x3F6C];
	s0 =	simm.s32 @p1 $0x1  }
0x15: {  	[smem:$0x3F89] =	sst s0;
	s0 =	simm.s32 @!p2 $0x0  }
0x16: {  	s3 =	sld [smem:$0x3FDB];
	s0 =	simm.s32 @p2 $0x1  }
0x17: {  	s4 =	simm.s32 $0x1BF5;
	[smem:$0x3F8B] =	sst s0  }
0x18: {  	s0 =	sld [smem:$0x3F6E];
	_ =	swait.ge [sflag:s4], $0x0  }
0x19: {  	s7 =	sld [smem:$0x3F6F]  }
0x1a: {  	s8 =	sadd.s32 $0xFFFFE003, lr  }
0x1b: {  	s9 =	sadd.s32 $0xFFFFFEF7, lr;
	s5 =	simm.s32 $0xFFFFFFFF;
	p2 =	slt.u32 s8, $0xFFFFF086  }
0x1c: {  	p1 =	slt.u32 s9, $0xF7A;
	s5 =	simm.s32 @!p2 $0x0  }
0x1d: {  	s5 =	simm.s32 @p1 $0x1;
	p0 =	seq.s32 s7, s2  }
0x1e: {  	s7 =	smul.u32 @!p0 $0xF7A, s2;
	p2 =	seq.s32 @!p0 s5, $0x0  }
0x1f: {  	s9 =	smul.u32 $0xF7A, s1;
	s8 =	simm.s32 @!p0 $0x1BF5;
	p2 =	por !p2, p0  }
0x20: {  	[sflag:s8] =	ssyncset.s32 @!p0 $0xFFFFF086;
	s6 =	sadd.s32 @!p0 s3, s7;
	s7 =	simm.s32 @!p0 $0x108  }
0x21: {  	s3 =	sadd.s32 s3, s9;
	s6 =	sadd.s32 @!p0 $0x88, s6;
	s7 =	simm.s32 @p2 $0x1082  }
0x22: {  	[simem:s7], [sflag:s8] =	dma.local @!p0 [hbm:s6], $0xF7A  }
0x23: {  	s9 =	sor.u32 $0xD0000000, s2;
	s6 =	simm.s32 $0x108;
	_ =	swait.ge @!p0 [sflag:s8], $0x0  }
0x24: {  	s3 =	sadd.s32 $0x88, s3;
	s6 =	simm.s32 @!p1 $0x1082;
	[sflag:s4] =	ssyncset.s32 $0xFFFFF086  }
0x25: {  	[simem:s6], [sflag:s4] =	dma.local [hbm:s3], $0xF7A  }
0x26: {  	[smem:$0x3F6F] =	sst s1;
	(tag) =	ssettag s2;
	_ =	strace s9  }
0x27: {  	s1 =	sld [smem:$0x3F7F]  }
0x28: {  	s2 =	sld [smem:$0x3F80]  }
0x29: {  	s4 =	sld [smem:$0x3F82]  }
0x2a: {  	p0 =	seq.s32 s5, $0x0;
	s5 =	sld [smem:$0x3F83]  }
0x2b: {  	s6 =	sld [smem:$0x3F84]  }
0x2c: {  	s7 =	sld [smem:$0x3F85]  }
0x2d: {  	s3 =	simm.s32 $0x108;
	s8 =	sld [smem:$0x3F86]  }
0x2e: {  	s3 =	simm.s32 @!p0 $0x1082;
	s9 =	sld [smem:$0x3F87]  }
0x2f: {  	lr =	sadd.s32 s0, s3;
	s0 =	sld [smem:$0x3F7E]  }
0x30: {  	s3 =	sld [smem:$0x3F81]  }
0x31: {  	[smem:$0x3F8A] =	sst s10  }
0x32: {  	s10 =	sld [smem:$0x3F88];
	_ =	sdelay $0x3  }
0x33: {  	p0 =	seq.s32 s10, $0x1;
	s10 =	sld [smem:$0x3F8A];
	_ =	sdelay $0x3  }
0x34: {  	[smem:$0x3F8A] =	sst s10  }
0x35: {  	s10 =	sld [smem:$0x3F89];
	_ =	sdelay $0x3  }
0x36: {  	p1 =	seq.s32 s10, $0x1;
	s10 =	sld [smem:$0x3F8A];
	_ =	sdelay $0x3  }
0x37: {  	[smem:$0x3F8A] =	sst s10  }
0x38: {  	s10 =	sld [smem:$0x3F8B]  }
0x39: {  	_ = 	snop;
	(pc) =	sbr.ind lr, $3  }
0x3a: {  	_ = 	snop  }
0x3b: {  	_ = 	snop  }
0x3c: {  	p2 =	seq.s32 s10, $0x1;
	s10 =	sld [smem:$0x3F8A]  }
0x3d: {  	_ =	shalt  }
0x3e: {  	_ =	shalt  }
0x3f: {  	_ =	shalt  }
0x40: {  	_ =	shalt  }
0x41: {  	_ =	shalt  }
0x42: {  	_ =	shalt  }
0x43: {  	_ =	shalt  }
0x44: {  	_ =	shalt  }
0x45: {  	_ =	shalt  }
0x46: {  	_ =	shalt  }
0x47: {  	_ =	shalt  }
0x48: {  	_ =	shalt  }
0x49: {  	_ =	shalt  }
0x4a: {  	_ =	shalt  }
0x4b: {  	_ =	shalt  }
0x4c: {  	_ =	shalt  }
0x4d: {  	_ =	shalt  }
0x4e: {  	_ =	shalt  }
0x4f: {  	_ =	shalt  }
0x50: {  	_ =	shalt  }
0x51: {  	_ =	shalt  }
0x52: {  	_ =	shalt  }
0x53: {  	_ =	shalt  }
0x54: {  	_ =	shalt  }
0x55: {  	_ =	shalt  }
0x56: {  	_ =	shalt  }
0x57: {  	_ =	shalt  }
0x58: {  	_ =	shalt  }
0x59: {  	_ =	shalt  }
0x5a: {  	_ =	shalt  }
0x5b: {  	_ =	shalt  }
0x5c: {  	_ =	shalt  }
0x5d: {  	_ =	shalt  }
0x5e: {  	_ =	shalt  }
0x5f: {  	_ =	shalt  }
0x60: {  	_ =	shalt  }
0x61: {  	_ =	shalt  }
0x62: {  	_ =	shalt  }
0x63: {  	_ =	shalt  }
0x64: {  	_ =	shalt  }
0x65: {  	_ =	shalt  }
0x66: {  	_ =	shalt  }
0x67: {  	_ =	shalt  }
0x68: {  	_ =	shalt  }
0x69: {  	_ =	shalt  }
0x6a: {  	_ =	shalt  }
0x6b: {  	_ =	shalt  }
0x6c: {  	_ =	shalt  }
0x6d: {  	_ =	shalt  }
0x6e: {  	_ =	shalt  }
0x6f: {  	_ =	shalt  }
0x70: {  	_ =	shalt  }
0x71: {  	_ =	shalt  }
0x72: {  	_ =	shalt  }
0x73: {  	_ =	shalt  }
0x74: {  	_ =	shalt  }
0x75: {  	_ =	shalt  }
0x76: {  	_ =	shalt  }
0x77: {  	_ =	shalt  }
0x78: {  	_ =	shalt  }
0x79: {  	_ =	shalt  }
0x7a: {  	_ =	shalt  }
0x7b: {  	_ =	shalt  }
0x7c: {  	_ =	shalt  }
0x7d: {  	_ =	shalt  }
0x7e: {  	_ =	shalt  }
0x7f: {  	_ =	shalt  }
0x80: {  	_ =	shalt  }
0x81: {  	_ =	shalt  }
0x82: {  	_ =	shalt  }
0x83: {  	_ =	shalt  }
0x84: {  	_ =	shalt  }
0x85: {  	_ =	shalt  }
0x86: {  	_ =	shalt  }
0x87: {  	_ =	shalt  }
.Lfunc_end0:
.L_simem_size_0:
called_computation_lowered:
.L_overlay_start_0:
0x88: {  	s2 =	sld [smem:$0x3FD9]  }
0x89: {  	s3 =	sld [smem:$0x3FFE];
	_ =	sdelay $0x1  }
0x8a: {  	s1 =	srdreg.scid  }
0x8b: {  	s0 =	sand.u32 $0x1, s1  }
0x8c: {  	s16 =	sshll.u32 s0, $0xA;
	s2 =	sadd.s32 s3, s2  }
0x8d: {  	s2 =	sadd.s32 s2, s16  }
0x8e: {  	[smem:$0x3F96] =	sst s2  }
0x8f: {  	_ = 	snop  }
0x90: {  	(tm) =	ssettm $0x1  }
0x91: {  	s17 =	sld [smem:$0x3FFB];
	_ =	sdelay $0x3  }
0x92: {  	_ =	strace s17  }
0x93: {  	s2 =	sld [smem:$0x3FFC];
	_ =	sdelay $0x3  }
0x94: {  	_ =	strace s2  }
0x95: {  	s2 =	sld [smem:$0x3FFD];
	_ =	sdelay $0x3  }
0x96: {  	_ =	strace s2  }
0x97: {  	_ =	strace $0x8FFFFFFF  }
0x98: {  	s18 =	sld [smem:$0x3FDB];
	_ =	sdelay $0x1  }
0x99: {  	s19 =	simm.s32 $_scs_section_size  }
0x9a: {  	s4 =	simm.s32 $_size__tile_overlayer_lowered;
	s5 =	simm.s32 $_tile_overlayer_lowered  }
0x9b: {  	s22 =	simm.s32 $0x1BFF;
	s21 =	sshll.u32 s5, $0x1;
	s2 =	sadd.s32 s19, s18  }
0x9c: {  	s6 =	simm.s32 $0x0;
	s20 =	sshll.u32 s4, $0x1;
	s4 =	sadd.s32 s21, s2  }
0x9d: {  	[timem:s6], [sflag:s22] =	dma.local [hbm:s4], s20  }
0x9e: {  	_ =	swait.ge [sflag:s22], s20  }
0x9f: {  	s3 =	ssub.s32 $0x0, s20;
	[sflag:s22] =	ssyncset.done $0x0  }
0xa0: {  	[sflag:s22] =	ssyncadd.s32 s3;
	_ =	sdelay $0x1  }
0xa1: {  	s23 =	simm.s32 $0x1B8B  }
0xa2: {  	_ =	swait.ge [sflag:s23], $0x1  }
0xa3: {  	[sflag:s23] =	ssyncset.done $0x0  }
0xa4: {  	s25 =	simm.s32 $0x1B8E;
	s24 =	sld [smem:$0x3FFE];
	[sflag:s23] =	ssyncadd.s32 $0xFFFFFFFF  }
0xa5: {  	s26 =	simm.s32 $execute0_lowered;
	[smem:$0x3FD2] =	sst s25  }
0xa6: {  	s4 =	sshll.u32 s26, $0x1;
	_ =	strace $0x80000046;
	[dreg:$0x1] =	wrdreg $0xFFFFFFFF  }
0xa7: {  	s28 =	simm.s32 $_size_execute0_lowered;
	s2 =	sadd.s32 s2, s4;
	[dreg:$0x0] =	wrdreg $0x0  }
0xa8: {  	s4 =	sshll.u32 s28, $0x1;
	[dreg:$0x2] =	wrdreg s2  }
0xa9: {  	[dreg:$0x3] =	wrdreg s4  }
0xaa: {  	[dreg:$0x4] =	wrdreg $0xC0  }
0xab: {  	_ =	task [dreg:s6], $0x5FFFF  }
0xac: {  	[dreg:$0x1] =	wrdreg $0xFFFFFFFF  }
0xad: {  	[dreg:$0x0] =	wrdreg $0x60  }
0xae: {  	[dreg:$0x2] =	wrdreg s24  }
0xaf: {  	[dreg:$0x3] =	wrdreg $0x0  }
0xb0: {  	[dreg:$0x4] =	wrdreg $0x9  }
0xb1: {  	_ =	task.clear_ibuf [dreg:s6], $0x5FFFF;
	_ =	strace $0x90000046  }
0xb2: {  	s29 =	simm.s32 $0x9;
	_ =	strace $0x80000048  }
0xb3: {  	_ =	swait.ge [sflag:s29], $0x1  }
0xb4: {  	[sflag:s29] =	ssyncadd.s32 $0xFFFFFFFF  }
0xb5: {  	_ =	strace $0x90000048  }
0xb6: {  	_ =	sfence  }
0xb7: {  	s30 =	sld [smem:$0x0];
	_ =	sdelay $0x2  }
0xb8: {  	s31 =	sshll.u32 s1, $0xD;
	s1 =	sshrl.u32 s1, $0x2  }
0xb9: {  	s3 =	sand.u32 $0x4000, s31;
	s1 =	sadd.s32 s1, s30  }
0xba: {  	s0 =	sor.u32 s3, s0;
	s1 =	sshll.u32 s1, $0x11  }
0xbb: {  	s0 =	sor.u32 s1, s0  }
0xbc: {  	s0 =	sadd.s32 $0x8F2B, s0  }
0xbd: {  	[sflag:s0] =	ssyncadd.remote.s32 $0x1  }
0xbe: {  	_ =	sfence.sel $0xFFFF  }
0xbf: {  	[dreg:$0x0] =	wrdreg $0xFFFFFFFF;
	(pc) =	sbr.abs _section_cstart, $3  }
0xc0: {  	[dreg:$0x1] =	wrdreg $0xFFFFFFFF  }
0xc1: {  	_ =	task.clear_ibuf [dreg:s6], $0x2FFFF;
	_ =	strace $0x9FFFFFFF  }
0xc2: {  	(tm) =	ssettm $0x7FFFFFFF  }
0xc3: {  	_ =	shalt  }
tec
execute0_lowered:
.L_overlay_start_1:
0x0: {  	(tag) =	ssettag $0x1  }
0x1: {  	s8 =	rddreg [dreg:$0x0]  }
0x2: {  	s1 =	rddreg [dreg:$0x1]  }
0x3: {  	s0 =	rddreg [dreg:$0x2]  }
0x4: {  	s3 =	simm.s32 $0x0;
	s4 =	srdreg.scid;
	s2 =	stileid.u32  }
0x5: {  	s16 =	simm.s32 $0x14100;
	s17 =	simm.s32 $0x2;
	s18 =	simm.s32 $0x14000  }
0x6: {  	s19 =	simm.s32 $0x14080;
	s20 =	simm.s32 $0x80;
	s21 =	simm.s32 $0x18100  }
0x7: {  	s22 =	simm.s32 $0x1;
	[smem:$0x7FF] =	sst s3;
	s10 =	smul.u32 $0x2800, s2  }
0x8: {  	s9 =	sand.u32 $0x1, s4;
	s4 =	sadd.s32 $0x9FDE00, s8;
	s6 =	sadd.s32 $0x4F3E00, s8  }
0x9: {  	s5 =	sadd.s32 $0x7E00, s8;
	s12 =	smul.u32 $0x50000, s2;
	s7 =	sadd.s32 $0x4E9E00, s8  }
0xa: {  	_ =	strace $0x80000047;
	s11 =	smul.u32 $0x28000, s9;
	s29 =	ssub.s32 $0x2, s9  }
0xb: {  	s9 =	sshll.u32 s9, $0x4;
	s30 =	sshrl.u32 s29, $0x1;
	s31 =	sshrl.u32 s12, $0x2  }
0xc: {  	s13 =	sor.u32 s2, s9;
	s10 =	sadd.s32 s10, s11;
	s15 =	ssub.s32 s29, s30  }
0xd: {  	s13 =	smul.u32 $0x50, s13;
	s14 =	sadd.s32 s10, s8;
	s8 =	sadd.s32 s31, s1  }
0xe: {  	s15 =	smax.u32 s15, $0x1;
	s9 =	sadd.s32 $0x4000, s8;
	s10 =	sadd.s32 $0x8000, s8  }
0xf: {  	v0 =	vimm.f32 $0.0e+00;
	s11 =	sadd.s32 $0xC000, s8;
	s12 =	sadd.s32 $0x10000, s8;
	s14 =	sadd.s32 $0x2F000, s14  }
.LBB2_1:
0x10: {  	s23 =	simm.s32 $0x0;
	s24 =	simm.s32 $0x200  }
.LBB2_2:
0x11: {  	p0 =	sne.s32 s24, $0xFE00;
	[tilespmem:s23+$0x14170] =	vst v0  }
0x12: {  	[tilespmem:s23+$0x14100] =	vst v0  }
0x13: {  	[tilespmem:s23+$0x14110] =	vst v0  }
.Ltmp0:
0x14: {  	[tilespmem:s23+$0x14120] =	vst v0;
	(pc) =	sbr.rel @p0 .LBB2_2-.Ltmp0, $4  }
0x15: {  	[tilespmem:s23+$0x14130] =	vst v0  }
0x16: {  	[tilespmem:s23+$0x14140] =	vst v0  }
0x17: {  	[tilespmem:s23+$0x14150] =	vst v0  }
0x18: {  	[tilespmem:s23+$0x14160] =	vst v0;
	s23 =	sshra.s32 s24, $0x2;
	s24 =	sadd.s32 $0x200, s24  }
0x19: {  	[tilespmem:s23+$0x14170] =	vst v0  }
0x1a: {  	[tilespmem:s23+$0x14100] =	vst v0  }
0x1b: {  	[tilespmem:s23+$0x14110] =	vst v0  }
0x1c: {  	[tilespmem:s23+$0x14120] =	vst v0  }
0x1d: {  	[tilespmem:s23+$0x14130] =	vst v0  }
0x1e: {  	[tilespmem:s23+$0x14140] =	vst v0  }
0x1f: {  	[tilespmem:s23+$0x14150] =	vst v0  }
0x20: {  	[tilespmem:s23+$0x14160] =	vst v0  }
0x21: {  	[spmem:s8] =	stream.linear.scatter [tilespmem:s16], [sflag:$0x2], $0x4000, $0x38;
	[tilespmem:$0x1C100] =	vst v63  }
0x22: {  	_ =	swait.ge [sflag:s17], $0x4000  }
0x23: {  	[sflag:s17] =	ssyncset.done $0x0  }
0x24: {  	[sflag:s17] =	ssyncadd.s32 $0xFFFFC000  }
0x25: {  	[spmem:s9] =	stream.linear.scatter [tilespmem:s16], [sflag:$0x2], $0x4000, $0x38;
	[tilespmem:$0x1C100] =	vst v63  }
0x26: {  	_ =	swait.ge [sflag:s17], $0x4000  }
0x27: {  	[sflag:s17] =	ssyncset.done $0x0  }
0x28: {  	[sflag:s17] =	ssyncadd.s32 $0xFFFFC000  }
0x29: {  	[spmem:s10] =	stream.linear.scatter [tilespmem:s16], [sflag:$0x2], $0x4000, $0x38;
	[tilespmem:$0x1C100] =	vst v63  }
0x2a: {  	_ =	swait.ge [sflag:s17], $0x4000  }
0x2b: {  	[sflag:s17] =	ssyncset.done $0x0  }
0x2c: {  	[sflag:s17] =	ssyncadd.s32 $0xFFFFC000  }
0x2d: {  	[spmem:s11] =	stream.linear.scatter [tilespmem:s16], [sflag:$0x2], $0x4000, $0x38;
	[tilespmem:$0x1C100] =	vst v63  }
0x2e: {  	_ =	swait.ge [sflag:s17], $0x4000  }
0x2f: {  	[sflag:s17] =	ssyncset.done $0x0  }
0x30: {  	[sflag:s17] =	ssyncadd.s32 $0xFFFFC000  }
0x31: {  	[spmem:s12] =	stream.linear.scatter [tilespmem:s16], [sflag:$0x2], $0x4000, $0x38;
	[tilespmem:$0x1C100] =	vst v63  }
0x32: {  	_ =	swait.ge [sflag:s17], $0x4000  }
0x33: {  	[sflag:s17] =	ssyncset.done $0x0  }
0x34: {  	[sflag:s17] =	ssyncadd.s32 $0xFFFFC000  }
0x35: {  	s23 =	simm.s32 $0x0;
	s24 =	simm.s32 $0x0;
	[bflag:$0x0] =	sbarrier.arrive $0xFFFF  }
.LBB2_4:
0x36: {  	s25 =	sadd.s32 s13, s24  }
0x37: {  	s28 =	sshll.u32 s24, $0x4;
	s26 =	sshll.u32 s25, $0x4  }
0x38: {  	s28 =	sand.u32 $0x70, s28;
	s26 =	sand.u32 $0xFFFFF80, s26  }
0x39: {  	s26 =	sor.u32 s28, s26  }
0x3a: {  	s28 =	sadd.s32 s6, s26  }
0x3b: {  	[tilespmem:s18], [sflag:$0x2] =	stream.linear.gather [hbm4b:s28+s23], $0x80, $0x38;
	[tilespmem:$0x1C100] =	vst v63  }
0x3c: {  	_ =	swait.ge [sflag:s17], $0x80  }
0x3d: {  	[sflag:s17] =	ssyncset.done $0x0  }
0x3e: {  	s26 =	sadd.s32 s7, s26;
	[sflag:s17] =	ssyncadd.s32 $0xFFFFFF80  }
0x3f: {  	[tilespmem:s19], [sflag:$0x2] =	stream.linear.gather [hbm4b:s26+s23], $0x80, $0x38;
	[tilespmem:$0x1C100] =	vst v63  }
0x40: {  	_ =	swait.ge [sflag:s17], $0x80  }
0x41: {  	[sflag:s17] =	ssyncset.done $0x0  }
0x42: {  	s25 =	sshll.u32 s25, $0xB;
	[sflag:s17] =	ssyncadd.s32 $0xFFFFFF80  }
0x43: {  	[tilespmem:s16], [sflag:$0x1] =	stream.indirect.gather [hbm4b:s5+s20], $0x80, s18, s20, $0xb8;
	[tilespmem:$0x1C100] =	vst v63  }
0x44: {  	s25 =	sadd.s32 s4, s25  }
0x45: {  	[tilespmem:s21], [sflag:$0x2] =	stream.linear.gather [hbm4b:s25+s23], $0x4000, $0x38;
	[tilespmem:$0x1C100] =	vst v63  }
0x46: {  	_ =	swait.ge [sflag:s17], $0x4000  }
0x47: {  	[sflag:s17] =	ssyncset.done $0x0  }
0x48: {  	[sflag:s17] =	ssyncadd.s32 $0xFFFFC000  }
0x49: {  	_ =	swait.ge [sflag:s22], $0x4000  }
0x4a: {  	[sflag:s22] =	ssyncset.done $0x0  }
0x4b: {  	s25 =	simm.s32 $0x0;
	[sflag:s22] =	ssyncadd.s32 $0xFFFFC000  }
0x4c: {  	v7 =	vld [tilespmem:s25+$0x18100]  }
0x4d: {  	v12 =	vld [tilespmem:s25+$0x18110]  }
0x4e: {  	v6 =	vld [tilespmem:s25+$0x18120]  }
0x4f: {  	v5 =	vld [tilespmem:s25+$0x18130]  }
0x50: {  	v4 =	vld [tilespmem:s25+$0x18140]  }
0x51: {  	v3 =	vld [tilespmem:s25+$0x18150]  }
0x52: {  	v2 =	vld [tilespmem:s25+$0x18160]  }
0x53: {  	v1 =	vld [tilespmem:s25+$0x18170]  }
0x54: {  	v13 =	vld [tilespmem:s25+$0x14100]  }
0x55: {  	v14 =	vld [tilespmem:s25+$0x14110]  }
0x56: {  	v11 =	vld [tilespmem:s25+$0x14120]  }
0x57: {  	v10 =	vld [tilespmem:s25+$0x14130]  }
0x58: {  	v9 =	vld [tilespmem:s25+$0x14140]  }
0x59: {  	v8 =	vld [tilespmem:s25+$0x14150];
	v13 =	vadd.f32 v7, v13  }
0x5a: {  	s26 =	simm.s32 $0x200;
	v12 =	vadd.f32 v12, v14;
	v7 =	vld [tilespmem:s25+$0x14160]  }
.LBB2_5:
0x5b: {  	s28 =	sshra.s32 s26, $0x2;
	p0 =	sne.s32 s26, $0xFE00;
	v13 =	vmax.f32 v13, $0.0e+00;
	v6 =	vadd.f32 v6, v11;
	v11 =	vld [tilespmem:s25+$0x14170]  }
0x5c: {  	v14 =	vld [tilespmem:s28+$0x18100];
	[tilespmem:s25+$0x14100] =	vst v13;
	v12 =	vmax.f32 v12, $0.0e+00;
	v5 =	vadd.f32 v5, v10  }
0x5d: {  	v15 =	vld [tilespmem:s28+$0x18110];
	[tilespmem:s25+$0x14110] =	vst v12;
	v10 =	vmax.f32 v6, $0.0e+00;
	v4 =	vadd.f32 v4, v9  }
0x5e: {  	v6 =	vld [tilespmem:s28+$0x18120];
	[tilespmem:s25+$0x14120] =	vst v10;
	v9 =	vmax.f32 v5, $0.0e+00;
	v3 =	vadd.f32 v3, v8  }
0x5f: {  	v5 =	vld [tilespmem:s28+$0x18130];
	[tilespmem:s25+$0x14130] =	vst v9;
	v8 =	vmax.f32 v4, $0.0e+00;
	v2 =	vadd.f32 v2, v7  }
0x60: {  	v4 =	vld [tilespmem:s28+$0x18140];
	[tilespmem:s25+$0x14140] =	vst v8;
	v7 =	vmax.f32 v3, $0.0e+00;
	v1 =	vadd.f32 v1, v11  }
0x61: {  	v3 =	vld [tilespmem:s28+$0x18150];
	[tilespmem:s25+$0x14150] =	vst v7;
	v7 =	vmax.f32 v2, $0.0e+00  }
0x62: {  	v2 =	vld [tilespmem:s28+$0x18160];
	[tilespmem:s25+$0x14160] =	vst v7;
	v7 =	vmax.f32 v1, $0.0e+00  }
0x63: {  	v1 =	vld [tilespmem:s28+$0x18170];
	[tilespmem:s25+$0x14170] =	vst v7;
	s25 =	smov.u32 s28  }
0x64: {  	v7 =	vld [tilespmem:s25+$0x14100]  }
0x65: {  	v12 =	vld [tilespmem:s25+$0x14110]  }
.Ltmp1:
0x66: {  	v11 =	vld [tilespmem:s25+$0x14120];
	(pc) =	sbr.rel @p0 .LBB2_5-.Ltmp1, $4  }
0x67: {  	v10 =	vld [tilespmem:s25+$0x14130]  }
0x68: {  	v9 =	vld [tilespmem:s25+$0x14140]  }
0x69: {  	v13 =	vadd.f32 v14, v7;
	v8 =	vld [tilespmem:s25+$0x14150]  }
0x6a: {  	s26 =	sadd.s32 $0x200, s26;
	v12 =	vadd.f32 v15, v12;
	v7 =	vld [tilespmem:s25+$0x14160]  }
0x6b: {  	v13 =	vmax.f32 v13, $0.0e+00;
	v6 =	vadd.f32 v6, v11;
	v63 =	vld [tilespmem:s25+$0x14170]  }
0x6c: {  	[tilespmem:s25+$0x14100] =	vst v13;
	v12 =	vmax.f32 v12, $0.0e+00;
	v5 =	vadd.f32 v5, v10  }
0x6d: {  	[tilespmem:s25+$0x14110] =	vst v12;
	v6 =	vmax.f32 v6, $0.0e+00;
	v4 =	vadd.f32 v4, v9  }
0x6e: {  	[tilespmem:s25+$0x14120] =	vst v6;
	v5 =	vmax.f32 v5, $0.0e+00;
	v3 =	vadd.f32 v3, v8  }
0x6f: {  	[tilespmem:s25+$0x14130] =	vst v5;
	v4 =	vmax.f32 v4, $0.0e+00;
	v2 =	vadd.f32 v2, v7  }
0x70: {  	[tilespmem:s25+$0x14140] =	vst v4;
	v3 =	vmax.f32 v3, $0.0e+00;
	v1 =	vadd.f32 v1, v63  }
0x71: {  	s24 =	sadd.s32 $0x1, s24;
	[tilespmem:s25+$0x14150] =	vst v3;
	v2 =	vmax.f32 v2, $0.0e+00  }
0x72: {  	p0 =	sne.s32 s24, $0x50;
	[tilespmem:s25+$0x14160] =	vst v2;
	v1 =	vmax.f32 v1, $0.0e+00  }
.Ltmp2:
0x73: {  	[tilespmem:s25+$0x14170] =	vst v1;
	(pc) =	sbr.rel @p0 .LBB2_4-.Ltmp2, $4  }
0x74: {  	[spmem:s1] =	stream.indirect.scatter.add.f32 [tilespmem:s16], [sflag:$0x2], $0x80, s19, s20, $0xb8;
	[tilespmem:$0x1C100] =	vst v63  }
0x75: {  	_ =	swait.ge [sflag:s17], $0x4000  }
0x76: {  	[sflag:s17] =	ssyncset.done $0x0  }
0x77: {  	[sflag:s17] =	ssyncadd.s32 $0xFFFFC000  }
0x78: {  	s3 =	sadd.s32 $0x1, s3  }
0x79: {  	s23 =	sshll.u32 s2, $0x6;
	[bflag:$0x0] =	sbarrier.arrive $0xFFFF;
	p0 =	sne.s32 s3, s15  }
.Ltmp3:
0x7a: {  	s24 =	sshrl.u32 s8, $0x3;
	s23 =	sor.u32 $0x1C02, s23;
	(pc) =	sbr.rel @p0 .LBB2_1-.Ltmp3, $4  }
0x7b: {  	[hbm:s14], [sflag:s23] =	dma.local [spmem:s24], $0x2800  }
0x7c: {  	_ =	swait.ge [sflag:s17], $0x2800  }
0x7d: {  	[sflag:s17] =	ssyncset.done $0x0  }
0x7e: {  	[sflag:s17] =	ssyncadd.s32 $0xFFFFD800  }
0x7f: {  	_ =	sfence.sel $0x180000  }
0x80: {  	[bflag:$0x0] =	sbarrier.arrive $0xFFFF  }
0x81: {  	p0 =	sne.s32 s2, $0x0;
	_ =	strace $0x90000047  }
0x82: {  	s0 =	sadd.s32 @!p0 $0x100000, s0;
	[bflag:$0x2] =	sbarrier.arrive $0xFFFF  }
0x83: {  	[sflag:s0] =	ssyncadd.tile.s32 @!p0 $0x1;
	_ =	shalt  }
.Lfunc_end2:
_tile_overlayer_lowered:
.L_overlay_start_2:
0x84: {  	(tag) =	ssettag $0x2  }
0x85: {  	s0 =	rddreg [dreg:$0x0];
	s2 =	stileid.u32  }
0x86: {  	s1 =	rddreg [dreg:$0x1];
	p0 =	sne.s32 s2, $0x0  }
0x87: {  	s3 =	rddreg [dreg:$0x2];
	[bflag:$0x3] =	sbarrier.arrive $0xFFFF;
	s2 =	simm.s32 @!p0 $0x1C02  }
0x88: {  	[timem:s3], [sflag:s2] =	dma.local @!p0 [hbm:s0], s1  }
0x89: {  	s0 =	simm.s32 @!p0 $0x2  }
0x8a: {  	_ =	swait.ge @!p0 [sflag:s0], s1  }
0x8b: {  	s1 =	ssub.s32 @!p0 $0x0, s1;
	[sflag:s0] =	ssyncset.done @!p0 $0x0  }
0x8c: {  	[sflag:s0] =	ssyncadd.s32 @!p0 s1  }
0x8d: {  	[bflag:$0x3] =	sbarrier.arrive $0xFFFF  }
0x8e: {  	_ =	shalt  }

// kernel: kernel.14.cloned.1.call-start
scs
__scs_entry_jumppad:
0x0: {  	(pc) =	sbr.rel $0x88, $3  }
0x1: {  	(tag) =	ssettag $0x0;
	lr =	simm.s32 $0x1  }
0x2: {  	[smem:$0x3F6F] =	sst lr;
	_ =	strace $0xD0000000  }
0x3: {  	_ = 	snop  }
0x4: {  	_ = 	snop  }
0x5: {  	_ = 	snop  }
0x6: {  	_ = 	snop  }
0x7: {  	_ = 	snop  }
__scs_overlays_trampoline_lowered:
0x8: {  	[smem:$0x3F7E] =	sst s0  }
0x9: {  	[smem:$0x3F7F] =	sst s1  }
0xa: {  	[smem:$0x3F80] =	sst s2  }
0xb: {  	[smem:$0x3F81] =	sst s3  }
0xc: {  	[smem:$0x3F82] =	sst s4  }
0xd: {  	[smem:$0x3F83] =	sst s5  }
0xe: {  	[smem:$0x3F84] =	sst s6  }
0xf: {  	[smem:$0x3F85] =	sst s7  }
0x10: {  	[smem:$0x3F86] =	sst s8  }
0x11: {  	[smem:$0x3F87] =	sst s9;
	s0 =	simm.s32 @!p0 $0x0  }
0x12: {  	s1 =	sld [smem:$0x3F6D];
	s0 =	simm.s32 @p0 $0x1  }
0x13: {  	[smem:$0x3F88] =	sst s0;
	s0 =	simm.s32 @!p1 $0x0  }
0x14: {  	s2 =	sld [smem:$0x3F6C];
	s0 =	simm.s32 @p1 $0x1  }
0x15: {  	[smem:$0x3F89] =	sst s0;
	s0 =	simm.s32 @!p2 $0x0  }
0x16: {  	s3 =	sld [smem:$0x3FDB];
	s0 =	simm.s32 @p2 $0x1  }
0x17: {  	s4 =	simm.s32 $0x1BF5;
	[smem:$0x3F8B] =	sst s0  }
0x18: {  	s0 =	sld [smem:$0x3F6E];
	_ =	swait.ge [sflag:s4], $0x0  }
0x19: {  	s7 =	sld [smem:$0x3F6F]  }
0x1a: {  	s8 =	sadd.s32 $0xFFFFE003, lr  }
0x1b: {  	s9 =	sadd.s32 $0xFFFFFEF7, lr;
	s5 =	simm.s32 $0xFFFFFFFF;
	p2 =	slt.u32 s8, $0xFFFFF086  }
0x1c: {  	p1 =	slt.u32 s9, $0xF7A;
	s5 =	simm.s32 @!p2 $0x0  }
0x1d: {  	s5 =	simm.s32 @p1 $0x1;
	p0 =	seq.s32 s7, s2  }
0x1e: {  	s7 =	smul.u32 @!p0 $0xF7A, s2;
	p2 =	seq.s32 @!p0 s5, $0x0  }
0x1f: {  	s9 =	smul.u32 $0xF7A, s1;
	s8 =	simm.s32 @!p0 $0x1BF5;
	p2 =	por !p2, p0  }
0x20: {  	[sflag:s8] =	ssyncset.s32 @!p0 $0xFFFFF086;
	s6 =	sadd.s32 @!p0 s3, s7;
	s7 =	simm.s32 @!p0 $0x108  }
0x21: {  	s3 =	sadd.s32 s3, s9;
	s6 =	sadd.s32 @!p0 $0x88, s6;
	s7 =	simm.s32 @p2 $0x1082  }
0x22: {  	[simem:s7], [sflag:s8] =	dma.local @!p0 [hbm:s6], $0xF7A  }
0x23: {  	s9 =	sor.u32 $0xD0000000, s2;
	s6 =	simm.s32 $0x108;
	_ =	swait.ge @!p0 [sflag:s8], $0x0  }
0x24: {  	s3 =	sadd.s32 $0x88, s3;
	s6 =	simm.s32 @!p1 $0x1082;
	[sflag:s4] =	ssyncset.s32 $0xFFFFF086  }
0x25: {  	[simem:s6], [sflag:s4] =	dma.local [hbm:s3], $0xF7A  }
0x26: {  	[smem:$0x3F6F] =	sst s1;
	(tag) =	ssettag s2;
	_ =	strace s9  }
0x27: {  	s1 =	sld [smem:$0x3F7F]  }
0x28: {  	s2 =	sld [smem:$0x3F80]  }
0x29: {  	s4 =	sld [smem:$0x3F82]  }
0x2a: {  	p0 =	seq.s32 s5, $0x0;
	s5 =	sld [smem:$0x3F83]  }
0x2b: {  	s6 =	sld [smem:$0x3F84]  }
0x2c: {  	s7 =	sld [smem:$0x3F85]  }
0x2d: {  	s3 =	simm.s32 $0x108;
	s8 =	sld [smem:$0x3F86]  }
0x2e: {  	s3 =	simm.s32 @!p0 $0x1082;
	s9 =	sld [smem:$0x3F87]  }
0x2f: {  	lr =	sadd.s32 s0, s3;
	s0 =	sld [smem:$0x3F7E]  }
0x30: {  	s3 =	sld [smem:$0x3F81]  }
0x31: {  	[smem:$0x3F8A] =	sst s10  }
0x32: {  	s10 =	sld [smem:$0x3F88];
	_ =	sdelay $0x3  }
0x33: {  	p0 =	seq.s32 s10, $0x1;
	s10 =	sld [smem:$0x3F8A];
	_ =	sdelay $0x3  }
0x34: {  	[smem:$0x3F8A] =	sst s10  }
0x35: {  	s10 =	sld [smem:$0x3F89];
	_ =	sdelay $0x3  }
0x36: {  	p1 =	seq.s32 s10, $0x1;
	s10 =	sld [smem:$0x3F8A];
	_ =	sdelay $0x3  }
0x37: {  	[smem:$0x3F8A] =	sst s10  }
0x38: {  	s10 =	sld [smem:$0x3F8B]  }
0x39: {  	_ = 	snop;
	(pc) =	sbr.ind lr, $3  }
0x3a: {  	_ = 	snop  }
0x3b: {  	_ = 	snop  }
0x3c: {  	p2 =	seq.s32 s10, $0x1;
	s10 =	sld [smem:$0x3F8A]  }
0x3d: {  	_ =	shalt  }
0x3e: {  	_ =	shalt  }
0x3f: {  	_ =	shalt  }
0x40: {  	_ =	shalt  }
0x41: {  	_ =	shalt  }
0x42: {  	_ =	shalt  }
0x43: {  	_ =	shalt  }
0x44: {  	_ =	shalt  }
0x45: {  	_ =	shalt  }
0x46: {  	_ =	shalt  }
0x47: {  	_ =	shalt  }
0x48: {  	_ =	shalt  }
0x49: {  	_ =	shalt  }
0x4a: {  	_ =	shalt  }
0x4b: {  	_ =	shalt  }
0x4c: {  	_ =	shalt  }
0x4d: {  	_ =	shalt  }
0x4e: {  	_ =	shalt  }
0x4f: {  	_ =	shalt  }
0x50: {  	_ =	shalt  }
0x51: {  	_ =	shalt  }
0x52: {  	_ =	shalt  }
0x53: {  	_ =	shalt  }
0x54: {  	_ =	shalt  }
0x55: {  	_ =	shalt  }
0x56: {  	_ =	shalt  }
0x57: {  	_ =	shalt  }
0x58: {  	_ =	shalt  }
0x59: {  	_ =	shalt  }
0x5a: {  	_ =	shalt  }
0x5b: {  	_ =	shalt  }
0x5c: {  	_ =	shalt  }
0x5d: {  	_ =	shalt  }
0x5e: {  	_ =	shalt  }
0x5f: {  	_ =	shalt  }
0x60: {  	_ =	shalt  }
0x61: {  	_ =	shalt  }
0x62: {  	_ =	shalt  }
0x63: {  	_ =	shalt  }
0x64: {  	_ =	shalt  }
0x65: {  	_ =	shalt  }
0x66: {  	_ =	shalt  }
0x67: {  	_ =	shalt  }
0x68: {  	_ =	shalt  }
0x69: {  	_ =	shalt  }
0x6a: {  	_ =	shalt  }
0x6b: {  	_ =	shalt  }
0x6c: {  	_ =	shalt  }
0x6d: {  	_ =	shalt  }
0x6e: {  	_ =	shalt  }
0x6f: {  	_ =	shalt  }
0x70: {  	_ =	shalt  }
0x71: {  	_ =	shalt  }
0x72: {  	_ =	shalt  }
0x73: {  	_ =	shalt  }
0x74: {  	_ =	shalt  }
0x75: {  	_ =	shalt  }
0x76: {  	_ =	shalt  }
0x77: {  	_ =	shalt  }
0x78: {  	_ =	shalt  }
0x79: {  	_ =	shalt  }
0x7a: {  	_ =	shalt  }
0x7b: {  	_ =	shalt  }
0x7c: {  	_ =	shalt  }
0x7d: {  	_ =	shalt  }
0x7e: {  	_ =	shalt  }
0x7f: {  	_ =	shalt  }
0x80: {  	_ =	shalt  }
0x81: {  	_ =	shalt  }
0x82: {  	_ =	shalt  }
0x83: {  	_ =	shalt  }
0x84: {  	_ =	shalt  }
0x85: {  	_ =	shalt  }
0x86: {  	_ =	shalt  }
0x87: {  	_ =	shalt  }
.Lfunc_end0:
.L_simem_size_0:
called_computation.1_lowered:
.L_overlay_start_0:
0x88: {  	s2 =	sld [smem:$0x3FD9]  }
0x89: {  	s3 =	sld [smem:$0x3FFE];
	_ =	sdelay $0x1  }
0x8a: {  	s1 =	srdreg.scid  }
0x8b: {  	s0 =	sand.u32 $0x1, s1  }
0x8c: {  	s16 =	sshll.u32 s0, $0xA;
	s2 =	sadd.s32 s3, s2  }
0x8d: {  	s2 =	sadd.s32 s2, s16  }
0x8e: {  	[smem:$0x3F96] =	sst s2  }
0x8f: {  	_ = 	snop  }
0x90: {  	(tm) =	ssettm $0x1  }
0x91: {  	s17 =	sld [smem:$0x3FFB];
	_ =	sdelay $0x3  }
0x92: {  	_ =	strace s17  }
0x93: {  	s2 =	sld [smem:$0x3FFC];
	_ =	sdelay $0x3  }
0x94: {  	_ =	strace s2  }
0x95: {  	s2 =	sld [smem:$0x3FFD];
	_ =	sdelay $0x3  }
0x96: {  	_ =	strace s2  }
0x97: {  	_ =	strace $0x8FFFFFFF  }
0x98: {  	s18 =	sld [smem:$0x3FDB];
	_ =	sdelay $0x1  }
0x99: {  	s19 =	simm.s32 $_scs_section_size  }
0x9a: {  	s4 =	simm.s32 $_size__tile_overlayer_lowered;
	s5 =	simm.s32 $_tile_overlayer_lowered  }
0x9b: {  	s22 =	simm.s32 $0x1BFF;
	s21 =	sshll.u32 s5, $0x1;
	s2 =	sadd.s32 s19, s18  }
0x9c: {  	s6 =	simm.s32 $0x0;
	s20 =	sshll.u32 s4, $0x1;
	s4 =	sadd.s32 s21, s2  }
0x9d: {  	[timem:s6], [sflag:s22] =	dma.local [hbm:s4], s20  }
0x9e: {  	_ =	swait.ge [sflag:s22], s20  }
0x9f: {  	s3 =	ssub.s32 $0x0, s20;
	[sflag:s22] =	ssyncset.done $0x0  }
0xa0: {  	[sflag:s22] =	ssyncadd.s32 s3;
	_ =	sdelay $0x1  }
0xa1: {  	s23 =	simm.s32 $0x1B8B  }
0xa2: {  	_ =	swait.ge [sflag:s23], $0x1  }
0xa3: {  	[sflag:s23] =	ssyncset.done $0x0  }
0xa4: {  	s25 =	simm.s32 $0x1B8E;
	s24 =	sld [smem:$0x3FFE];
	[sflag:s23] =	ssyncadd.s32 $0xFFFFFFFF  }
0xa5: {  	s26 =	simm.s32 $execute0_lowered;
	[smem:$0x3FD2] =	sst s25  }
0xa6: {  	s4 =	sshll.u32 s26, $0x1;
	_ =	strace $0x80000049;
	[dreg:$0x1] =	wrdreg $0xFFFFFFFF  }
0xa7: {  	s28 =	simm.s32 $_size_execute0_lowered;
	s2 =	sadd.s32 s2, s4;
	[dreg:$0x0] =	wrdreg $0x0  }
0xa8: {  	s4 =	sshll.u32 s28, $0x1;
	[dreg:$0x2] =	wrdreg s2  }
0xa9: {  	[dreg:$0x3] =	wrdreg s4  }
0xaa: {  	[dreg:$0x4] =	wrdreg $0xC0  }
0xab: {  	_ =	task [dreg:s6], $0x5FFFF  }
0xac: {  	[dreg:$0x1] =	wrdreg $0xFFFFFFFF  }
0xad: {  	[dreg:$0x0] =	wrdreg $0x60  }
0xae: {  	[dreg:$0x2] =	wrdreg s24  }
0xaf: {  	[dreg:$0x3] =	wrdreg $0x0  }
0xb0: {  	[dreg:$0x4] =	wrdreg $0x9  }
0xb1: {  	_ =	task.clear_ibuf [dreg:s6], $0x5FFFF;
	_ =	strace $0x90000049  }
0xb2: {  	s29 =	simm.s32 $0x9;
	_ =	strace $0x8000004B  }
0xb3: {  	_ =	swait.ge [sflag:s29], $0x1  }
0xb4: {  	[sflag:s29] =	ssyncadd.s32 $0xFFFFFFFF  }
0xb5: {  	_ =	strace $0x9000004B  }
0xb6: {  	_ =	sfence  }
0xb7: {  	s30 =	sld [smem:$0x0];
	_ =	sdelay $0x2  }
0xb8: {  	s31 =	sshll.u32 s1, $0xD;
	s1 =	sshrl.u32 s1, $0x2  }
0xb9: {  	s3 =	sand.u32 $0x4000, s31;
	s1 =	sadd.s32 s1, s30  }
0xba: {  	s0 =	sor.u32 s3, s0;
	s1 =	sshll.u32 s1, $0x11  }
0xbb: {  	s0 =	sor.u32 s1, s0  }
0xbc: {  	s0 =	sadd.s32 $0x8F2B, s0  }
0xbd: {  	[sflag:s0] =	ssyncadd.remote.s32 $0x1  }
0xbe: {  	_ =	sfence.sel $0xFFFF  }
0xbf: {  	[dreg:$0x0] =	wrdreg $0xFFFFFFFF;
	(pc) =	sbr.abs _section_cstart, $3  }
0xc0: {  	[dreg:$0x1] =	wrdreg $0xFFFFFFFF  }
0xc1: {  	_ =	task.clear_ibuf [dreg:s6], $0x2FFFF;
	_ =	strace $0x9FFFFFFF  }
0xc2: {  	(tm) =	ssettm $0x7FFFFFFF  }
0xc3: {  	_ =	shalt  }
tec
execute0_lowered:
.L_overlay_start_1:
0x0: {  	(tag) =	ssettag $0x1  }
0x1: {  	s8 =	rddreg [dreg:$0x0]  }
0x2: {  	s1 =	rddreg [dreg:$0x1]  }
0x3: {  	s0 =	rddreg [dreg:$0x2]  }
0x4: {  	s3 =	simm.s32 $0x0;
	s4 =	srdreg.scid;
	s2 =	stileid.u32  }
0x5: {  	s16 =	simm.s32 $0x14100;
	s17 =	simm.s32 $0x2;
	s18 =	simm.s32 $0x14000  }
0x6: {  	s19 =	simm.s32 $0x14080;
	s20 =	simm.s32 $0x80;
	s21 =	simm.s32 $0x18100  }
0x7: {  	s22 =	simm.s32 $0x1;
	[smem:$0x7FF] =	sst s3;
	s10 =	smul.u32 $0x2800, s2  }
0x8: {  	s9 =	sand.u32 $0x1, s4;
	s4 =	sadd.s32 $0xEFDE00, s8;
	s6 =	sadd.s32 $0x4F3E00, s8  }
0x9: {  	s5 =	sadd.s32 $0x7E00, s8;
	s12 =	smul.u32 $0x50000, s2;
	s7 =	sadd.s32 $0x4E9E00, s8  }
0xa: {  	_ =	strace $0x8000004A;
	s11 =	smul.u32 $0x28000, s9;
	s29 =	ssub.s32 $0x2, s9  }
0xb: {  	s9 =	sshll.u32 s9, $0x4;
	s30 =	sshrl.u32 s29, $0x1;
	s31 =	sshrl.u32 s12, $0x2  }
0xc: {  	s13 =	sor.u32 s2, s9;
	s10 =	sadd.s32 s10, s11;
	s15 =	ssub.s32 s29, s30  }
0xd: {  	s13 =	smul.u32 $0x50, s13;
	s14 =	sadd.s32 s10, s8;
	s8 =	sadd.s32 s31, s1  }
0xe: {  	s15 =	smax.u32 s15, $0x1;
	s9 =	sadd.s32 $0x4000, s8;
	s10 =	sadd.s32 $0x8000, s8  }
0xf: {  	v0 =	vimm.f32 $0.0e+00;
	s11 =	sadd.s32 $0xC000, s8;
	s12 =	sadd.s32 $0x10000, s8;
	s14 =	sadd.s32 $0x2F000, s14  }
.LBB2_1:
0x10: {  	s23 =	simm.s32 $0x0;
	s24 =	simm.s32 $0x200  }
.LBB2_2:
0x11: {  	p0 =	sne.s32 s24, $0xFE00;
	[tilespmem:s23+$0x14170] =	vst v0  }
0x12: {  	[tilespmem:s23+$0x14100] =	vst v0  }
0x13: {  	[tilespmem:s23+$0x14110] =	vst v0  }
.Ltmp0:
0x14: {  	[tilespmem:s23+$0x14120] =	vst v0;
	(pc) =	sbr.rel @p0 .LBB2_2-.Ltmp0, $4  }
0x15: {  	[tilespmem:s23+$0x14130] =	vst v0  }
0x16: {  	[tilespmem:s23+$0x14140] =	vst v0  }
0x17: {  	[tilespmem:s23+$0x14150] =	vst v0  }
0x18: {  	[tilespmem:s23+$0x14160] =	vst v0;
	s23 =	sshra.s32 s24, $0x2;
	s24 =	sadd.s32 $0x200, s24  }
0x19: {  	[tilespmem:s23+$0x14170] =	vst v0  }
0x1a: {  	[tilespmem:s23+$0x14100] =	vst v0  }
0x1b: {  	[tilespmem:s23+$0x14110] =	vst v0  }
0x1c: {  	[tilespmem:s23+$0x14120] =	vst v0  }
0x1d: {  	[tilespmem:s23+$0x14130] =	vst v0  }
0x1e: {  	[tilespmem:s23+$0x14140] =	vst v0  }
0x1f: {  	[tilespmem:s23+$0x14150] =	vst v0  }
0x20: {  	[tilespmem:s23+$0x14160] =	vst v0  }
0x21: {  	[spmem:s8] =	stream.linear.scatter [tilespmem:s16], [sflag:$0x2], $0x4000, $0x38;
	[tilespmem:$0x1C100] =	vst v63  }
0x22: {  	_ =	swait.ge [sflag:s17], $0x4000  }
0x23: {  	[sflag:s17] =	ssyncset.done $0x0  }
0x24: {  	[sflag:s17] =	ssyncadd.s32 $0xFFFFC000  }
0x25: {  	[spmem:s9] =	stream.linear.scatter [tilespmem:s16], [sflag:$0x2], $0x4000, $0x38;
	[tilespmem:$0x1C100] =	vst v63  }
0x26: {  	_ =	swait.ge [sflag:s17], $0x4000  }
0x27: {  	[sflag:s17] =	ssyncset.done $0x0  }
0x28: {  	[sflag:s17] =	ssyncadd.s32 $0xFFFFC000  }
0x29: {  	[spmem:s10] =	stream.linear.scatter [tilespmem:s16], [sflag:$0x2], $0x4000, $0x38;
	[tilespmem:$0x1C100] =	vst v63  }
0x2a: {  	_ =	swait.ge [sflag:s17], $0x4000  }
0x2b: {  	[sflag:s17] =	ssyncset.done $0x0  }
0x2c: {  	[sflag:s17] =	ssyncadd.s32 $0xFFFFC000  }
0x2d: {  	[spmem:s11] =	stream.linear.scatter [tilespmem:s16], [sflag:$0x2], $0x4000, $0x38;
	[tilespmem:$0x1C100] =	vst v63  }
0x2e: {  	_ =	swait.ge [sflag:s17], $0x4000  }
0x2f: {  	[sflag:s17] =	ssyncset.done $0x0  }
0x30: {  	[sflag:s17] =	ssyncadd.s32 $0xFFFFC000  }
0x31: {  	[spmem:s12] =	stream.linear.scatter [tilespmem:s16], [sflag:$0x2], $0x4000, $0x38;
	[tilespmem:$0x1C100] =	vst v63  }
0x32: {  	_ =	swait.ge [sflag:s17], $0x4000  }
0x33: {  	[sflag:s17] =	ssyncset.done $0x0  }
0x34: {  	[sflag:s17] =	ssyncadd.s32 $0xFFFFC000  }
0x35: {  	s23 =	simm.s32 $0x0;
	s24 =	simm.s32 $0x0;
	[bflag:$0x0] =	sbarrier.arrive $0xFFFF  }
.LBB2_4:
0x36: {  	s25 =	sadd.s32 s13, s24  }
0x37: {  	s28 =	sshll.u32 s24, $0x4;
	s26 =	sshll.u32 s25, $0x4  }
0x38: {  	s28 =	sand.u32 $0x70, s28;
	s26 =	sand.u32 $0xFFFFF80, s26  }
0x39: {  	s26 =	sor.u32 s28, s26  }
0x3a: {  	s28 =	sadd.s32 s6, s26  }
0x3b: {  	[tilespmem:s18], [sflag:$0x2] =	stream.linear.gather [hbm4b:s28+s23], $0x80, $0x38;
	[tilespmem:$0x1C100] =	vst v63  }
0x3c: {  	_ =	swait.ge [sflag:s17], $0x80  }
0x3d: {  	[sflag:s17] =	ssyncset.done $0x0  }
0x3e: {  	s26 =	sadd.s32 s7, s26;
	[sflag:s17] =	ssyncadd.s32 $0xFFFFFF80  }
0x3f: {  	[tilespmem:s19], [sflag:$0x2] =	stream.linear.gather [hbm4b:s26+s23], $0x80, $0x38;
	[tilespmem:$0x1C100] =	vst v63  }
0x40: {  	_ =	swait.ge [sflag:s17], $0x80  }
0x41: {  	[sflag:s17] =	ssyncset.done $0x0  }
0x42: {  	s25 =	sshll.u32 s25, $0xB;
	[sflag:s17] =	ssyncadd.s32 $0xFFFFFF80  }
0x43: {  	[tilespmem:s16], [sflag:$0x1] =	stream.indirect.gather [hbm4b:s5+s20], $0x80, s18, s20, $0xb8;
	[tilespmem:$0x1C100] =	vst v63  }
0x44: {  	s25 =	sadd.s32 s4, s25  }
0x45: {  	[tilespmem:s21], [sflag:$0x2] =	stream.linear.gather [hbm4b:s25+s23], $0x4000, $0x38;
	[tilespmem:$0x1C100] =	vst v63  }
0x46: {  	_ =	swait.ge [sflag:s17], $0x4000  }
0x47: {  	[sflag:s17] =	ssyncset.done $0x0  }
0x48: {  	[sflag:s17] =	ssyncadd.s32 $0xFFFFC000  }
0x49: {  	_ =	swait.ge [sflag:s22], $0x4000  }
0x4a: {  	[sflag:s22] =	ssyncset.done $0x0  }
0x4b: {  	s25 =	simm.s32 $0x0;
	[sflag:s22] =	ssyncadd.s32 $0xFFFFC000  }
0x4c: {  	v7 =	vld [tilespmem:s25+$0x18100]  }
0x4d: {  	v12 =	vld [tilespmem:s25+$0x18110]  }
0x4e: {  	v6 =	vld [tilespmem:s25+$0x18120]  }
0x4f: {  	v5 =	vld [tilespmem:s25+$0x18130]  }
0x50: {  	v4 =	vld [tilespmem:s25+$0x18140]  }
0x51: {  	v3 =	vld [tilespmem:s25+$0x18150]  }
0x52: {  	v2 =	vld [tilespmem:s25+$0x18160]  }
0x53: {  	v1 =	vld [tilespmem:s25+$0x18170]  }
0x54: {  	v13 =	vld [tilespmem:s25+$0x14100]  }
0x55: {  	v14 =	vld [tilespmem:s25+$0x14110]  }
0x56: {  	v11 =	vld [tilespmem:s25+$0x14120]  }
0x57: {  	v10 =	vld [tilespmem:s25+$0x14130]  }
0x58: {  	v9 =	vld [tilespmem:s25+$0x14140]  }
0x59: {  	v8 =	vld [tilespmem:s25+$0x14150];
	v13 =	vadd.f32 v7, v13  }
0x5a: {  	s26 =	simm.s32 $0x200;
	v12 =	vadd.f32 v12, v14;
	v7 =	vld [tilespmem:s25+$0x14160]  }
.LBB2_5:
0x5b: {  	s28 =	sshra.s32 s26, $0x2;
	p0 =	sne.s32 s26, $0xFE00;
	v13 =	vmax.f32 v13, $0.0e+00;
	v6 =	vadd.f32 v6, v11;
	v11 =	vld [tilespmem:s25+$0x14170]  }
0x5c: {  	v14 =	vld [tilespmem:s28+$0x18100];
	[tilespmem:s25+$0x14100] =	vst v13;
	v12 =	vmax.f32 v12, $0.0e+00;
	v5 =	vadd.f32 v5, v10  }
0x5d: {  	v15 =	vld [tilespmem:s28+$0x18110];
	[tilespmem:s25+$0x14110] =	vst v12;
	v10 =	vmax.f32 v6, $0.0e+00;
	v4 =	vadd.f32 v4, v9  }
0x5e: {  	v6 =	vld [tilespmem:s28+$0x18120];
	[tilespmem:s25+$0x14120] =	vst v10;
	v9 =	vmax.f32 v5, $0.0e+00;
	v3 =	vadd.f32 v3, v8  }
0x5f: {  	v5 =	vld [tilespmem:s28+$0x18130];
	[tilespmem:s25+$0x14130] =	vst v9;
	v8 =	vmax.f32 v4, $0.0e+00;
	v2 =	vadd.f32 v2, v7  }
0x60: {  	v4 =	vld [tilespmem:s28+$0x18140];
	[tilespmem:s25+$0x14140] =	vst v8;
	v7 =	vmax.f32 v3, $0.0e+00;
	v1 =	vadd.f32 v1, v11  }
0x61: {  	v3 =	vld [tilespmem:s28+$0x18150];
	[tilespmem:s25+$0x14150] =	vst v7;
	v7 =	vmax.f32 v2, $0.0e+00  }
0x62: {  	v2 =	vld [tilespmem:s28+$0x18160];
	[tilespmem:s25+$0x14160] =	vst v7;
	v7 =	vmax.f32 v1, $0.0e+00  }
0x63: {  	v1 =	vld [tilespmem:s28+$0x18170];
	[tilespmem:s25+$0x14170] =	vst v7;
	s25 =	smov.u32 s28  }
0x64: {  	v7 =	vld [tilespmem:s25+$0x14100]  }
0x65: {  	v12 =	vld [tilespmem:s25+$0x14110]  }
.Ltmp1:
0x66: {  	v11 =	vld [tilespmem:s25+$0x14120];
	(pc) =	sbr.rel @p0 .LBB2_5-.Ltmp1, $4  }
0x67: {  	v10 =	vld [tilespmem:s25+$0x14130]  }
0x68: {  	v9 =	vld [tilespmem:s25+$0x14140]  }
0x69: {  	v13 =	vadd.f32 v14, v7;
	v8 =	vld [tilespmem:s25+$0x14150]  }
0x6a: {  	s26 =	sadd.s32 $0x200, s26;
	v12 =	vadd.f32 v15, v12;
	v7 =	vld [tilespmem:s25+$0x14160]  }
0x6b: {  	v13 =	vmax.f32 v13, $0.0e+00;
	v6 =	vadd.f32 v6, v11;
	v63 =	vld [tilespmem:s25+$0x14170]  }
0x6c: {  	[tilespmem:s25+$0x14100] =	vst v13;
	v12 =	vmax.f32 v12, $0.0e+00;
	v5 =	vadd.f32 v5, v10  }
0x6d: {  	[tilespmem:s25+$0x14110] =	vst v12;
	v6 =	vmax.f32 v6, $0.0e+00;
	v4 =	vadd.f32 v4, v9  }
0x6e: {  	[tilespmem:s25+$0x14120] =	vst v6;
	v5 =	vmax.f32 v5, $0.0e+00;
	v3 =	vadd.f32 v3, v8  }
0x6f: {  	[tilespmem:s25+$0x14130] =	vst v5;
	v4 =	vmax.f32 v4, $0.0e+00;
	v2 =	vadd.f32 v2, v7  }
0x70: {  	[tilespmem:s25+$0x14140] =	vst v4;
	v3 =	vmax.f32 v3, $0.0e+00;
	v1 =	vadd.f32 v1, v63  }
0x71: {  	s24 =	sadd.s32 $0x1, s24;
	[tilespmem:s25+$0x14150] =	vst v3;
	v2 =	vmax.f32 v2, $0.0e+00  }
0x72: {  	p0 =	sne.s32 s24, $0x50;
	[tilespmem:s25+$0x14160] =	vst v2;
	v1 =	vmax.f32 v1, $0.0e+00  }
.Ltmp2:
0x73: {  	[tilespmem:s25+$0x14170] =	vst v1;
	(pc) =	sbr.rel @p0 .LBB2_4-.Ltmp2, $4  }
0x74: {  	[spmem:s1] =	stream.indirect.scatter.add.f32 [tilespmem:s16], [sflag:$0x2], $0x80, s19, s20, $0xb8;
	[tilespmem:$0x1C100] =	vst v63  }
0x75: {  	_ =	swait.ge [sflag:s17], $0x4000  }
0x76: {  	[sflag:s17] =	ssyncset.done $0x0  }
0x77: {  	[sflag:s17] =	ssyncadd.s32 $0xFFFFC000  }
0x78: {  	s3 =	sadd.s32 $0x1, s3  }
0x79: {  	s23 =	sshll.u32 s2, $0x6;
	[bflag:$0x0] =	sbarrier.arrive $0xFFFF;
	p0 =	sne.s32 s3, s15  }
.Ltmp3:
0x7a: {  	s24 =	sshrl.u32 s8, $0x3;
	s23 =	sor.u32 $0x1C02, s23;
	(pc) =	sbr.rel @p0 .LBB2_1-.Ltmp3, $4  }
0x7b: {  	[hbm:s14], [sflag:s23] =	dma.local [spmem:s24], $0x2800  }
0x7c: {  	_ =	swait.ge [sflag:s17], $0x2800  }
0x7d: {  	[sflag:s17] =	ssyncset.done $0x0  }
0x7e: {  	[sflag:s17] =	ssyncadd.s32 $0xFFFFD800  }
0x7f: {  	_ =	sfence.sel $0x180000  }
0x80: {  	[bflag:$0x0] =	sbarrier.arrive $0xFFFF  }
0x81: {  	p0 =	sne.s32 s2, $0x0;
	_ =	strace $0x9000004A  }
0x82: {  	s0 =	sadd.s32 @!p0 $0x100000, s0;
	[bflag:$0x2] =	sbarrier.arrive $0xFFFF  }
0x83: {  	[sflag:s0] =	ssyncadd.tile.s32 @!p0 $0x1;
	_ =	shalt  }
.Lfunc_end2:
_tile_overlayer_lowered:
.L_overlay_start_2:
0x84: {  	(tag) =	ssettag $0x2  }
0x85: {  	s0 =	rddreg [dreg:$0x0];
	s2 =	stileid.u32  }
0x86: {  	s1 =	rddreg [dreg:$0x1];
	p0 =	sne.s32 s2, $0x0  }
0x87: {  	s3 =	rddreg [dreg:$0x2];
	[bflag:$0x3] =	sbarrier.arrive $0xFFFF;
	s2 =	simm.s32 @!p0 $0x1C02  }
0x88: {  	[timem:s3], [sflag:s2] =	dma.local @!p0 [hbm:s0], s1  }
0x89: {  	s0 =	simm.s32 @!p0 $0x2  }
0x8a: {  	_ =	swait.ge @!p0 [sflag:s0], s1  }
0x8b: {  	s1 =	ssub.s32 @!p0 $0x0, s1;
	[sflag:s0] =	ssyncset.done @!p0 $0x0  }
0x8c: {  	[sflag:s0] =	ssyncadd.s32 @!p0 s1  }
0x8d: {  	[bflag:$0x3] =	sbarrier.arrive $0xFFFF  }
0x8e: {  	_ =	shalt  }

// kernel: kernel.17.cloned.1.call-start
scs
__scs_entry_jumppad:
0x0: {  	(pc) =	sbr.rel $0x88, $3  }
0x1: {  	(tag) =	ssettag $0x0;
	lr =	simm.s32 $0x1  }
0x2: {  	[smem:$0x3F6F] =	sst lr;
	_ =	strace $0xD0000000  }
0x3: {  	_ = 	snop  }
0x4: {  	_ = 	snop  }
0x5: {  	_ = 	snop  }
0x6: {  	_ = 	snop  }
0x7: {  	_ = 	snop  }
__scs_overlays_trampoline_lowered:
0x8: {  	[smem:$0x3F7E] =	sst s0  }
0x9: {  	[smem:$0x3F7F] =	sst s1  }
0xa: {  	[smem:$0x3F80] =	sst s2  }
0xb: {  	[smem:$0x3F81] =	sst s3  }
0xc: {  	[smem:$0x3F82] =	sst s4  }
0xd: {  	[smem:$0x3F83] =	sst s5  }
0xe: {  	[smem:$0x3F84] =	sst s6  }
0xf: {  	[smem:$0x3F85] =	sst s7  }
0x10: {  	[smem:$0x3F86] =	sst s8  }
0x11: {  	[smem:$0x3F87] =	sst s9;
	s0 =	simm.s32 @!p0 $0x0  }
0x12: {  	s1 =	sld [smem:$0x3F6D];
	s0 =	simm.s32 @p0 $0x1  }
0x13: {  	[smem:$0x3F88] =	sst s0;
	s0 =	simm.s32 @!p1 $0x0  }
0x14: {  	s2 =	sld [smem:$0x3F6C];
	s0 =	simm.s32 @p1 $0x1  }
0x15: {  	[smem:$0x3F89] =	sst s0;
	s0 =	simm.s32 @!p2 $0x0  }
0x16: {  	s3 =	sld [smem:$0x3FDB];
	s0 =	simm.s32 @p2 $0x1  }
0x17: {  	s4 =	simm.s32 $0x1BF5;
	[smem:$0x3F8B] =	sst s0  }
0x18: {  	s0 =	sld [smem:$0x3F6E];
	_ =	swait.ge [sflag:s4], $0x0  }
0x19: {  	s7 =	sld [smem:$0x3F6F]  }
0x1a: {  	s8 =	sadd.s32 $0xFFFFE003, lr  }
0x1b: {  	s9 =	sadd.s32 $0xFFFFFEF7, lr;
	s5 =	simm.s32 $0xFFFFFFFF;
	p2 =	slt.u32 s8, $0xFFFFF086  }
0x1c: {  	p1 =	slt.u32 s9, $0xF7A;
	s5 =	simm.s32 @!p2 $0x0  }
0x1d: {  	s5 =	simm.s32 @p1 $0x1;
	p0 =	seq.s32 s7, s2  }
0x1e: {  	s7 =	smul.u32 @!p0 $0xF7A, s2;
	p2 =	seq.s32 @!p0 s5, $0x0  }
0x1f: {  	s9 =	smul.u32 $0xF7A, s1;
	s8 =	simm.s32 @!p0 $0x1BF5;
	p2 =	por !p2, p0  }
0x20: {  	[sflag:s8] =	ssyncset.s32 @!p0 $0xFFFFF086;
	s6 =	sadd.s32 @!p0 s3, s7;
	s7 =	simm.s32 @!p0 $0x108  }
0x21: {  	s3 =	sadd.s32 s3, s9;
	s6 =	sadd.s32 @!p0 $0x88, s6;
	s7 =	simm.s32 @p2 $0x1082  }
0x22: {  	[simem:s7], [sflag:s8] =	dma.local @!p0 [hbm:s6], $0xF7A  }
0x23: {  	s9 =	sor.u32 $0xD0000000, s2;
	s6 =	simm.s32 $0x108;
	_ =	swait.ge @!p0 [sflag:s8], $0x0  }
0x24: {  	s3 =	sadd.s32 $0x88, s3;
	s6 =	simm.s32 @!p1 $0x1082;
	[sflag:s4] =	ssyncset.s32 $0xFFFFF086  }
0x25: {  	[simem:s6], [sflag:s4] =	dma.local [hbm:s3], $0xF7A  }
0x26: {  	[smem:$0x3F6F] =	sst s1;
	(tag) =	ssettag s2;
	_ =	strace s9  }
0x27: {  	s1 =	sld [smem:$0x3F7F]  }
0x28: {  	s2 =	sld [smem:$0x3F80]  }
0x29: {  	s4 =	sld [smem:$0x3F82]  }
0x2a: {  	p0 =	seq.s32 s5, $0x0;
	s5 =	sld [smem:$0x3F83]  }
0x2b: {  	s6 =	sld [smem:$0x3F84]  }
0x2c: {  	s7 =	sld [smem:$0x3F85]  }
0x2d: {  	s3 =	simm.s32 $0x108;
	s8 =	sld [smem:$0x3F86]  }
0x2e: {  	s3 =	simm.s32 @!p0 $0x1082;
	s9 =	sld [smem:$0x3F87]  }
0x2f: {  	lr =	sadd.s32 s0, s3;
	s0 =	sld [smem:$0x3F7E]  }
0x30: {  	s3 =	sld [smem:$0x3F81]  }
0x31: {  	[smem:$0x3F8A] =	sst s10  }
0x32: {  	s10 =	sld [smem:$0x3F88];
	_ =	sdelay $0x3  }
0x33: {  	p0 =	seq.s32 s10, $0x1;
	s10 =	sld [smem:$0x3F8A];
	_ =	sdelay $0x3  }
0x34: {  	[smem:$0x3F8A] =	sst s10  }
0x35: {  	s10 =	sld [smem:$0x3F89];
	_ =	sdelay $0x3  }
0x36: {  	p1 =	seq.s32 s10, $0x1;
	s10 =	sld [smem:$0x3F8A];
	_ =	sdelay $0x3  }
0x37: {  	[smem:$0x3F8A] =	sst s10  }
0x38: {  	s10 =	sld [smem:$0x3F8B]  }
0x39: {  	_ = 	snop;
	(pc) =	sbr.ind lr, $3  }
0x3a: {  	_ = 	snop  }
0x3b: {  	_ = 	snop  }
0x3c: {  	p2 =	seq.s32 s10, $0x1;
	s10 =	sld [smem:$0x3F8A]  }
0x3d: {  	_ =	shalt  }
0x3e: {  	_ =	shalt  }
0x3f: {  	_ =	shalt  }
0x40: {  	_ =	shalt  }
0x41: {  	_ =	shalt  }
0x42: {  	_ =	shalt  }
0x43: {  	_ =	shalt  }
0x44: {  	_ =	shalt  }
0x45: {  	_ =	shalt  }
0x46: {  	_ =	shalt  }
0x47: {  	_ =	shalt  }
0x48: {  	_ =	shalt  }
0x49: {  	_ =	shalt  }
0x4a: {  	_ =	shalt  }
0x4b: {  	_ =	shalt  }
0x4c: {  	_ =	shalt  }
0x4d: {  	_ =	shalt  }
0x4e: {  	_ =	shalt  }
0x4f: {  	_ =	shalt  }
0x50: {  	_ =	shalt  }
0x51: {  	_ =	shalt  }
0x52: {  	_ =	shalt  }
0x53: {  	_ =	shalt  }
0x54: {  	_ =	shalt  }
0x55: {  	_ =	shalt  }
0x56: {  	_ =	shalt  }
0x57: {  	_ =	shalt  }
0x58: {  	_ =	shalt  }
0x59: {  	_ =	shalt  }
0x5a: {  	_ =	shalt  }
0x5b: {  	_ =	shalt  }
0x5c: {  	_ =	shalt  }
0x5d: {  	_ =	shalt  }
0x5e: {  	_ =	shalt  }
0x5f: {  	_ =	shalt  }
0x60: {  	_ =	shalt  }
0x61: {  	_ =	shalt  }
0x62: {  	_ =	shalt  }
0x63: {  	_ =	shalt  }
0x64: {  	_ =	shalt  }
0x65: {  	_ =	shalt  }
0x66: {  	_ =	shalt  }
0x67: {  	_ =	shalt  }
0x68: {  	_ =	shalt  }
0x69: {  	_ =	shalt  }
0x6a: {  	_ =	shalt  }
0x6b: {  	_ =	shalt  }
0x6c: {  	_ =	shalt  }
0x6d: {  	_ =	shalt  }
0x6e: {  	_ =	shalt  }
0x6f: {  	_ =	shalt  }
0x70: {  	_ =	shalt  }
0x71: {  	_ =	shalt  }
0x72: {  	_ =	shalt  }
0x73: {  	_ =	shalt  }
0x74: {  	_ =	shalt  }
0x75: {  	_ =	shalt  }
0x76: {  	_ =	shalt  }
0x77: {  	_ =	shalt  }
0x78: {  	_ =	shalt  }
0x79: {  	_ =	shalt  }
0x7a: {  	_ =	shalt  }
0x7b: {  	_ =	shalt  }
0x7c: {  	_ =	shalt  }
0x7d: {  	_ =	shalt  }
0x7e: {  	_ =	shalt  }
0x7f: {  	_ =	shalt  }
0x80: {  	_ =	shalt  }
0x81: {  	_ =	shalt  }
0x82: {  	_ =	shalt  }
0x83: {  	_ =	shalt  }
0x84: {  	_ =	shalt  }
0x85: {  	_ =	shalt  }
0x86: {  	_ =	shalt  }
0x87: {  	_ =	shalt  }
.Lfunc_end0:
.L_simem_size_0:
called_computation.2_lowered:
.L_overlay_start_0:
0x88: {  	s2 =	sld [smem:$0x3FD9]  }
0x89: {  	s3 =	sld [smem:$0x3FFE];
	_ =	sdelay $0x1  }
0x8a: {  	s1 =	srdreg.scid  }
0x8b: {  	s0 =	sand.u32 $0x1, s1  }
0x8c: {  	s16 =	sshll.u32 s0, $0xA;
	s2 =	sadd.s32 s3, s2  }
0x8d: {  	s2 =	sadd.s32 s2, s16  }
0x8e: {  	[smem:$0x3F96] =	sst s2  }
0x8f: {  	_ = 	snop  }
0x90: {  	(tm) =	ssettm $0x1  }
0x91: {  	s17 =	sld [smem:$0x3FFB];
	_ =	sdelay $0x3  }
0x92: {  	_ =	strace s17  }
0x93: {  	s2 =	sld [smem:$0x3FFC];
	_ =	sdelay $0x3  }
0x94: {  	_ =	strace s2  }
0x95: {  	s2 =	sld [smem:$0x3FFD];
	_ =	sdelay $0x3  }
0x96: {  	_ =	strace s2  }
0x97: {  	_ =	strace $0x8FFFFFFF  }
0x98: {  	s18 =	sld [smem:$0x3FDB];
	_ =	sdelay $0x1  }
0x99: {  	s19 =	simm.s32 $_scs_section_size  }
0x9a: {  	s4 =	simm.s32 $_size__tile_overlayer_lowered;
	s5 =	simm.s32 $_tile_overlayer_lowered  }
0x9b: {  	s22 =	simm.s32 $0x1BFF;
	s21 =	sshll.u32 s5, $0x1;
	s2 =	sadd.s32 s19, s18  }
0x9c: {  	s6 =	simm.s32 $0x0;
	s20 =	sshll.u32 s4, $0x1;
	s4 =	sadd.s32 s21, s2  }
0x9d: {  	[timem:s6], [sflag:s22] =	dma.local [hbm:s4], s20  }
0x9e: {  	_ =	swait.ge [sflag:s22], s20  }
0x9f: {  	s3 =	ssub.s32 $0x0, s20;
	[sflag:s22] =	ssyncset.done $0x0  }
0xa0: {  	[sflag:s22] =	ssyncadd.s32 s3;
	_ =	sdelay $0x1  }
0xa1: {  	s23 =	simm.s32 $0x1B8B  }
0xa2: {  	_ =	swait.ge [sflag:s23], $0x1  }
0xa3: {  	[sflag:s23] =	ssyncset.done $0x0  }
0xa4: {  	s25 =	simm.s32 $0x1B8E;
	s24 =	sld [smem:$0x3FFE];
	[sflag:s23] =	ssyncadd.s32 $0xFFFFFFFF  }
0xa5: {  	s26 =	simm.s32 $execute0_lowered;
	[smem:$0x3FD2] =	sst s25  }
0xa6: {  	s4 =	sshll.u32 s26, $0x1;
	_ =	strace $0x8000004C;
	[dreg:$0x1] =	wrdreg $0xFFFFFFFF  }
0xa7: {  	s28 =	simm.s32 $_size_execute0_lowered;
	s2 =	sadd.s32 s2, s4;
	[dreg:$0x0] =	wrdreg $0x0  }
0xa8: {  	s4 =	sshll.u32 s28, $0x1;
	[dreg:$0x2] =	wrdreg s2  }
0xa9: {  	[dreg:$0x3] =	wrdreg s4  }
0xaa: {  	[dreg:$0x4] =	wrdreg $0xC0  }
0xab: {  	_ =	task [dreg:s6], $0x5FFFF  }
0xac: {  	[dreg:$0x1] =	wrdreg $0xFFFFFFFF  }
0xad: {  	[dreg:$0x0] =	wrdreg $0x60  }
0xae: {  	[dreg:$0x2] =	wrdreg s24  }
0xaf: {  	[dreg:$0x3] =	wrdreg $0x0  }
0xb0: {  	[dreg:$0x4] =	wrdreg $0x9  }
0xb1: {  	_ =	task.clear_ibuf [dreg:s6], $0x5FFFF;
	_ =	strace $0x9000004C  }
0xb2: {  	s29 =	simm.s32 $0x9;
	_ =	strace $0x8000004E  }
0xb3: {  	_ =	swait.ge [sflag:s29], $0x1  }
0xb4: {  	[sflag:s29] =	ssyncadd.s32 $0xFFFFFFFF  }
0xb5: {  	_ =	strace $0x9000004E  }
0xb6: {  	_ =	sfence  }
0xb7: {  	s30 =	sld [smem:$0x0];
	_ =	sdelay $0x2  }
0xb8: {  	s31 =	sshll.u32 s1, $0xD;
	s1 =	sshrl.u32 s1, $0x2  }
0xb9: {  	s3 =	sand.u32 $0x4000, s31;
	s1 =	sadd.s32 s1, s30  }
0xba: {  	s0 =	sor.u32 s3, s0;
	s1 =	sshll.u32 s1, $0x11  }
0xbb: {  	s0 =	sor.u32 s1, s0  }
0xbc: {  	s0 =	sadd.s32 $0x8F2B, s0  }
0xbd: {  	[sflag:s0] =	ssyncadd.remote.s32 $0x1  }
0xbe: {  	_ =	sfence.sel $0xFFFF  }
0xbf: {  	[dreg:$0x0] =	wrdreg $0xFFFFFFFF;
	(pc) =	sbr.abs _section_cstart, $3  }
0xc0: {  	[dreg:$0x1] =	wrdreg $0xFFFFFFFF  }
0xc1: {  	_ =	task.clear_ibuf [dreg:s6], $0x2FFFF;
	_ =	strace $0x9FFFFFFF  }
0xc2: {  	(tm) =	ssettm $0x7FFFFFFF  }
0xc3: {  	_ =	shalt  }
tec
execute0_lowered:
.L_overlay_start_1:
0x0: {  	(tag) =	ssettag $0x1  }
0x1: {  	s8 =	rddreg [dreg:$0x0]  }
0x2: {  	s1 =	rddreg [dreg:$0x1]  }
0x3: {  	s0 =	rddreg [dreg:$0x2]  }
0x4: {  	s3 =	simm.s32 $0x0;
	s4 =	srdreg.scid;
	s2 =	stileid.u32  }
0x5: {  	s16 =	simm.s32 $0x14100;
	s17 =	simm.s32 $0x2;
	s18 =	simm.s32 $0x14000  }
0x6: {  	s19 =	simm.s32 $0x14080;
	s20 =	simm.s32 $0x80;
	s21 =	simm.s32 $0x18100  }
0x7: {  	s22 =	simm.s32 $0x1;
	[smem:$0x7FF] =	sst s3;
	s10 =	smul.u32 $0x2800, s2  }
0x8: {  	s9 =	sand.u32 $0x1, s4;
	s4 =	sadd.s32 $0x13FDE00, s8;
	s6 =	sadd.s32 $0x4F3E00, s8  }
0x9: {  	s5 =	sadd.s32 $0x7E00, s8;
	s12 =	smul.u32 $0x50000, s2;
	s7 =	sadd.s32 $0x4E9E00, s8  }
0xa: {  	_ =	strace $0x8000004D;
	s11 =	smul.u32 $0x28000, s9;
	s29 =	ssub.s32 $0x2, s9  }
0xb: {  	s9 =	sshll.u32 s9, $0x4;
	s30 =	sshrl.u32 s29, $0x1;
	s31 =	sshrl.u32 s12, $0x2  }
0xc: {  	s13 =	sor.u32 s2, s9;
	s10 =	sadd.s32 s10, s11;
	s15 =	ssub.s32 s29, s30  }
0xd: {  	s13 =	smul.u32 $0x50, s13;
	s14 =	sadd.s32 s10, s8;
	s8 =	sadd.s32 s31, s1  }
0xe: {  	s15 =	smax.u32 s15, $0x1;
	s9 =	sadd.s32 $0x4000, s8;
	s10 =	sadd.s32 $0x8000, s8  }
0xf: {  	v0 =	vimm.f32 $0.0e+00;
	s11 =	sadd.s32 $0xC000, s8;
	s12 =	sadd.s32 $0x10000, s8;
	s14 =	sadd.s32 $0x2F000, s14  }
.LBB2_1:
0x10: {  	s23 =	simm.s32 $0x0;
	s24 =	simm.s32 $0x200  }
.LBB2_2:
0x11: {  	p0 =	sne.s32 s24, $0xFE00;
	[tilespmem:s23+$0x14170] =	vst v0  }
0x12: {  	[tilespmem:s23+$0x14100] =	vst v0  }
0x13: {  	[tilespmem:s23+$0x14110] =	vst v0  }
.Ltmp0:
0x14: {  	[tilespmem:s23+$0x14120] =	vst v0;
	(pc) =	sbr.rel @p0 .LBB2_2-.Ltmp0, $4  }
0x15: {  	[tilespmem:s23+$0x14130] =	vst v0  }
0x16: {  	[tilespmem:s23+$0x14140] =	vst v0  }
0x17: {  	[tilespmem:s23+$0x14150] =	vst v0  }
0x18: {  	[tilespmem:s23+$0x14160] =	vst v0;
	s23 =	sshra.s32 s24, $0x2;
	s24 =	sadd.s32 $0x200, s24  }
0x19: {  	[tilespmem:s23+$0x14170] =	vst v0  }
0x1a: {  	[tilespmem:s23+$0x14100] =	vst v0  }
0x1b: {  	[tilespmem:s23+$0x14110] =	vst v0  }
0x1c: {  	[tilespmem:s23+$0x14120] =	vst v0  }
0x1d: {  	[tilespmem:s23+$0x14130] =	vst v0  }
0x1e: {  	[tilespmem:s23+$0x14140] =	vst v0  }
0x1f: {  	[tilespmem:s23+$0x14150] =	vst v0  }
0x20: {  	[tilespmem:s23+$0x14160] =	vst v0  }
0x21: {  	[spmem:s8] =	stream.linear.scatter [tilespmem:s16], [sflag:$0x2], $0x4000, $0x38;
	[tilespmem:$0x1C100] =	vst v63  }
0x22: {  	_ =	swait.ge [sflag:s17], $0x4000  }
0x23: {  	[sflag:s17] =	ssyncset.done $0x0  }
0x24: {  	[sflag:s17] =	ssyncadd.s32 $0xFFFFC000  }
0x25: {  	[spmem:s9] =	stream.linear.scatter [tilespmem:s16], [sflag:$0x2], $0x4000, $0x38;
	[tilespmem:$0x1C100] =	vst v63  }
0x26: {  	_ =	swait.ge [sflag:s17], $0x4000  }
0x27: {  	[sflag:s17] =	ssyncset.done $0x0  }
0x28: {  	[sflag:s17] =	ssyncadd.s32 $0xFFFFC000  }
0x29: {  	[spmem:s10] =	stream.linear.scatter [tilespmem:s16], [sflag:$0x2], $0x4000, $0x38;
	[tilespmem:$0x1C100] =	vst v63  }
0x2a: {  	_ =	swait.ge [sflag:s17], $0x4000  }
0x2b: {  	[sflag:s17] =	ssyncset.done $0x0  }
0x2c: {  	[sflag:s17] =	ssyncadd.s32 $0xFFFFC000  }
0x2d: {  	[spmem:s11] =	stream.linear.scatter [tilespmem:s16], [sflag:$0x2], $0x4000, $0x38;
	[tilespmem:$0x1C100] =	vst v63  }
0x2e: {  	_ =	swait.ge [sflag:s17], $0x4000  }
0x2f: {  	[sflag:s17] =	ssyncset.done $0x0  }
0x30: {  	[sflag:s17] =	ssyncadd.s32 $0xFFFFC000  }
0x31: {  	[spmem:s12] =	stream.linear.scatter [tilespmem:s16], [sflag:$0x2], $0x4000, $0x38;
	[tilespmem:$0x1C100] =	vst v63  }
0x32: {  	_ =	swait.ge [sflag:s17], $0x4000  }
0x33: {  	[sflag:s17] =	ssyncset.done $0x0  }
0x34: {  	[sflag:s17] =	ssyncadd.s32 $0xFFFFC000  }
0x35: {  	s23 =	simm.s32 $0x0;
	s24 =	simm.s32 $0x0;
	[bflag:$0x0] =	sbarrier.arrive $0xFFFF  }
.LBB2_4:
0x36: {  	s25 =	sadd.s32 s13, s24  }
0x37: {  	s28 =	sshll.u32 s24, $0x4;
	s26 =	sshll.u32 s25, $0x4  }
0x38: {  	s28 =	sand.u32 $0x70, s28;
	s26 =	sand.u32 $0xFFFFF80, s26  }
0x39: {  	s26 =	sor.u32 s28, s26  }
0x3a: {  	s28 =	sadd.s32 s6, s26  }
0x3b: {  	[tilespmem:s18], [sflag:$0x2] =	stream.linear.gather [hbm4b:s28+s23], $0x80, $0x38;
	[tilespmem:$0x1C100] =	vst v63  }
0x3c: {  	_ =	swait.ge [sflag:s17], $0x80  }
0x3d: {  	[sflag:s17] =	ssyncset.done $0x0  }
0x3e: {  	s26 =	sadd.s32 s7, s26;
	[sflag:s17] =	ssyncadd.s32 $0xFFFFFF80  }
0x3f: {  	[tilespmem:s19], [sflag:$0x2] =	stream.linear.gather [hbm4b:s26+s23], $0x80, $0x38;
	[tilespmem:$0x1C100] =	vst v63  }
0x40: {  	_ =	swait.ge [sflag:s17], $0x80  }
0x41: {  	[sflag:s17] =	ssyncset.done $0x0  }
0x42: {  	s25 =	sshll.u32 s25, $0xB;
	[sflag:s17] =	ssyncadd.s32 $0xFFFFFF80  }
0x43: {  	[tilespmem:s16], [sflag:$0x1] =	stream.indirect.gather [hbm4b:s5+s20], $0x80, s18, s20, $0xb8;
	[tilespmem:$0x1C100] =	vst v63  }
0x44: {  	s25 =	sadd.s32 s4, s25  }
0x45: {  	[tilespmem:s21], [sflag:$0x2] =	stream.linear.gather [hbm4b:s25+s23], $0x4000, $0x38;
	[tilespmem:$0x1C100] =	vst v63  }
0x46: {  	_ =	swait.ge [sflag:s17], $0x4000  }
0x47: {  	[sflag:s17] =	ssyncset.done $0x0  }
0x48: {  	[sflag:s17] =	ssyncadd.s32 $0xFFFFC000  }
0x49: {  	_ =	swait.ge [sflag:s22], $0x4000  }
0x4a: {  	[sflag:s22] =	ssyncset.done $0x0  }
0x4b: {  	s25 =	simm.s32 $0x0;
	[sflag:s22] =	ssyncadd.s32 $0xFFFFC000  }
0x4c: {  	v7 =	vld [tilespmem:s25+$0x18100]  }
0x4d: {  	v12 =	vld [tilespmem:s25+$0x18110]  }
0x4e: {  	v6 =	vld [tilespmem:s25+$0x18120]  }
0x4f: {  	v5 =	vld [tilespmem:s25+$0x18130]  }
0x50: {  	v4 =	vld [tilespmem:s25+$0x18140]  }
0x51: {  	v3 =	vld [tilespmem:s25+$0x18150]  }
0x52: {  	v2 =	vld [tilespmem:s25+$0x18160]  }
0x53: {  	v1 =	vld [tilespmem:s25+$0x18170]  }
0x54: {  	v13 =	vld [tilespmem:s25+$0x14100]  }
0x55: {  	v14 =	vld [tilespmem:s25+$0x14110]  }
0x56: {  	v11 =	vld [tilespmem:s25+$0x14120]  }
0x57: {  	v10 =	vld [tilespmem:s25+$0x14130]  }
0x58: {  	v9 =	vld [tilespmem:s25+$0x14140]  }
0x59: {  	v8 =	vld [tilespmem:s25+$0x14150];
	v13 =	vadd.f32 v7, v13  }
0x5a: {  	s26 =	simm.s32 $0x200;
	v12 =	vadd.f32 v12, v14;
	v7 =	vld [tilespmem:s25+$0x14160]  }
.LBB2_5:
0x5b: {  	s28 =	sshra.s32 s26, $0x2;
	p0 =	sne.s32 s26, $0xFE00;
	v13 =	vmax.f32 v13, $0.0e+00;
	v6 =	vadd.f32 v6, v11;
	v11 =	vld [tilespmem:s25+$0x14170]  }
0x5c: {  	v14 =	vld [tilespmem:s28+$0x18100];
	[tilespmem:s25+$0x14100] =	vst v13;
	v12 =	vmax.f32 v12, $0.0e+00;
	v5 =	vadd.f32 v5, v10  }
0x5d: {  	v15 =	vld [tilespmem:s28+$0x18110];
	[tilespmem:s25+$0x14110] =	vst v12;
	v10 =	vmax.f32 v6, $0.0e+00;
	v4 =	vadd.f32 v4, v9  }
0x5e: {  	v6 =	vld [tilespmem:s28+$0x18120];
	[tilespmem:s25+$0x14120] =	vst v10;
	v9 =	vmax.f32 v5, $0.0e+00;
	v3 =	vadd.f32 v3, v8  }
0x5f: {  	v5 =	vld [tilespmem:s28+$0x18130];
	[tilespmem:s25+$0x14130] =	vst v9;
	v8 =	vmax.f32 v4, $0.0e+00;
	v2 =	vadd.f32 v2, v7  }
0x60: {  	v4 =	vld [tilespmem:s28+$0x18140];
	[tilespmem:s25+$0x14140] =	vst v8;
	v7 =	vmax.f32 v3, $0.0e+00;
	v1 =	vadd.f32 v1, v11  }
0x61: {  	v3 =	vld [tilespmem:s28+$0x18150];
	[tilespmem:s25+$0x14150] =	vst v7;
	v7 =	vmax.f32 v2, $0.0e+00  }
0x62: {  	v2 =	vld [tilespmem:s28+$0x18160];
	[tilespmem:s25+$0x14160] =	vst v7;
	v7 =	vmax.f32 v1, $0.0e+00  }
0x63: {  	v1 =	vld [tilespmem:s28+$0x18170];
	[tilespmem:s25+$0x14170] =	vst v7;
	s25 =	smov.u32 s28  }
0x64: {  	v7 =	vld [tilespmem:s25+$0x14100]  }
0x65: {  	v12 =	vld [tilespmem:s25+$0x14110]  }
.Ltmp1:
0x66: {  	v11 =	vld [tilespmem:s25+$0x14120];
	(pc) =	sbr.rel @p0 .LBB2_5-.Ltmp1, $4  }
0x67: {  	v10 =	vld [tilespmem:s25+$0x14130]  }
0x68: {  	v9 =	vld [tilespmem:s25+$0x14140]  }
0x69: {  	v13 =	vadd.f32 v14, v7;
	v8 =	vld [tilespmem:s25+$0x14150]  }
0x6a: {  	s26 =	sadd.s32 $0x200, s26;
	v12 =	vadd.f32 v15, v12;
	v7 =	vld [tilespmem:s25+$0x14160]  }
0x6b: {  	v13 =	vmax.f32 v13, $0.0e+00;
	v6 =	vadd.f32 v6, v11;
	v63 =	vld [tilespmem:s25+$0x14170]  }
0x6c: {  	[tilespmem:s25+$0x14100] =	vst v13;
	v12 =	vmax.f32 v12, $0.0e+00;
	v5 =	vadd.f32 v5, v10  }
0x6d: {  	[tilespmem:s25+$0x14110] =	vst v12;
	v6 =	vmax.f32 v6, $0.0e+00;
	v4 =	vadd.f32 v4, v9  }
0x6e: {  	[tilespmem:s25+$0x14120] =	vst v6;
	v5 =	vmax.f32 v5, $0.0e+00;
	v3 =	vadd.f32 v3, v8  }
0x6f: {  	[tilespmem:s25+$0x14130] =	vst v5;
	v4 =	vmax.f32 v4, $0.0e+00;
	v2 =	vadd.f32 v2, v7  }
0x70: {  	[tilespmem:s25+$0x14140] =	vst v4;
	v3 =	vmax.f32 v3, $0.0e+00;
	v1 =	vadd.f32 v1, v63  }
0x71: {  	s24 =	sadd.s32 $0x1, s24;
	[tilespmem:s25+$0x14150] =	vst v3;
	v2 =	vmax.f32 v2, $0.0e+00  }
0x72: {  	p0 =	sne.s32 s24, $0x50;
	[tilespmem:s25+$0x14160] =	vst v2;
	v1 =	vmax.f32 v1, $0.0e+00  }
.Ltmp2:
0x73: {  	[tilespmem:s25+$0x14170] =	vst v1;
	(pc) =	sbr.rel @p0 .LBB2_4-.Ltmp2, $4  }
0x74: {  	[spmem:s1] =	stream.indirect.scatter.add.f32 [tilespmem:s16], [sflag:$0x2], $0x80, s19, s20, $0xb8;
	[tilespmem:$0x1C100] =	vst v63  }
0x75: {  	_ =	swait.ge [sflag:s17], $0x4000  }
0x76: {  	[sflag:s17] =	ssyncset.done $0x0  }
0x77: {  	[sflag:s17] =	ssyncadd.s32 $0xFFFFC000  }
0x78: {  	s3 =	sadd.s32 $0x1, s3  }
0x79: {  	s23 =	sshll.u32 s2, $0x6;
	[bflag:$0x0] =	sbarrier.arrive $0xFFFF;
	p0 =	sne.s32 s3, s15  }
.Ltmp3:
0x7a: {  	s24 =	sshrl.u32 s8, $0x3;
	s23 =	sor.u32 $0x1C02, s23;
	(pc) =	sbr.rel @p0 .LBB2_1-.Ltmp3, $4  }
0x7b: {  	[hbm:s14], [sflag:s23] =	dma.local [spmem:s24], $0x2800  }
0x7c: {  	_ =	swait.ge [sflag:s17], $0x2800  }
0x7d: {  	[sflag:s17] =	ssyncset.done $0x0  }
0x7e: {  	[sflag:s17] =	ssyncadd.s32 $0xFFFFD800  }
0x7f: {  	_ =	sfence.sel $0x180000  }
0x80: {  	[bflag:$0x0] =	sbarrier.arrive $0xFFFF  }
0x81: {  	p0 =	sne.s32 s2, $0x0;
	_ =	strace $0x9000004D  }
0x82: {  	s0 =	sadd.s32 @!p0 $0x100000, s0;
	[bflag:$0x2] =	sbarrier.arrive $0xFFFF  }
0x83: {  	[sflag:s0] =	ssyncadd.tile.s32 @!p0 $0x1;
	_ =	shalt  }
.Lfunc_end2:
_tile_overlayer_lowered:
.L_overlay_start_2:
0x84: {  	(tag) =	ssettag $0x2  }
0x85: {  	s0 =	rddreg [dreg:$0x0];
	s2 =	stileid.u32  }
0x86: {  	s1 =	rddreg [dreg:$0x1];
	p0 =	sne.s32 s2, $0x0  }
0x87: {  	s3 =	rddreg [dreg:$0x2];
	[bflag:$0x3] =	sbarrier.arrive $0xFFFF;
	s2 =	simm.s32 @!p0 $0x1C02  }
0x88: {  	[timem:s3], [sflag:s2] =	dma.local @!p0 [hbm:s0], s1  }
0x89: {  	s0 =	simm.s32 @!p0 $0x2  }
0x8a: {  	_ =	swait.ge @!p0 [sflag:s0], s1  }
0x8b: {  	s1 =	ssub.s32 @!p0 $0x0, s1;
	[sflag:s0] =	ssyncset.done @!p0 $0x0  }
0x8c: {  	[sflag:s0] =	ssyncadd.s32 @!p0 s1  }
0x8d: {  	[bflag:$0x3] =	sbarrier.arrive $0xFFFF  }
0x8e: {  	_ =	shalt  }

</sc_bundles>
